<compile_context>
chip_gen: v7x
topology: tpu7x:2x2x1
jax: 0.10.2.dev20260603
libtpu: 0.0.44.dev20260713+nightly
codegen_flags: <defaults>
</compile_context>

<pallas_src>
import functools

import jax
import jax.numpy as jnp
from jax import lax
from jax.experimental import pallas as pl
from jax.experimental.pallas import tpu as pltpu
from jax.experimental.pallas import tpu_sc as plsc

N_NODES = 10000
N_PAD = 10240
N_EDGES = 320000
D = 128

NC = 2
NS = 16
NW = NC * NS

C = 64
CPT = 160
E_PAD = NW * CPT * C
CPW = 16
NWIN = CPT // CPW
ROWS_PER_TILE = N_PAD // NS
NBUF = 4


def _sc_aggregate_body(feat_h, src_h, dst_h, acc_out, deg_out,
                       src_v, dst_v, rows0, rows1, rows2, rows3, ones_v,
                       deg_stage, acc_sh, deg_sh, sem0, sem1, sem2, sem3):
    bufs = (rows0, rows1, rows2, rows3)
    sems = (sem0, sem1, sem2, sem3)
    c = lax.axis_index("c")
    s = lax.axis_index("s")
    wid = c * NS + s
    tile_rows = s * ROWS_PER_TILE
    chunk0 = wid * CPT

    def _zero_rows0(t, carry):
        rows0[t // 8, pl.ds((t % 8) * 16, 16)] = jnp.zeros((16,), jnp.float32)
        return carry
    lax.fori_loop(0, C * (D // 16), _zero_rows0, None)

    def _zero_deg_stage(t, carry):
        deg_stage[pl.ds(t * 16, 16)] = jnp.zeros((16,), jnp.float32)
        return carry
    lax.fori_loop(0, ROWS_PER_TILE // 16, _zero_deg_stage, None)

    def _fill_ones(t, carry):
        ones_v[pl.ds(t * 16, 16)] = jnp.ones((16,), jnp.float32)
        return carry
    lax.fori_loop(0, C // 16, _fill_ones, None)

    for k in range(ROWS_PER_TILE // C):
        pltpu.sync_copy(rows0, acc_sh.at[pl.ds(tile_rows + k * C, C)])
    pltpu.sync_copy(deg_stage, deg_sh.at[pl.ds(tile_rows, ROWS_PER_TILE)])

    plsc.subcore_barrier()

    def _window(w, carry):
        pltpu.sync_copy(src_h.at[pl.ds(chunk0 + w * CPW, CPW)], src_v)
        pltpu.sync_copy(dst_h.at[pl.ds(chunk0 + w * CPW, CPW)], dst_v)
        pending = [
            pltpu.async_copy(feat_h.at[src_v.at[b]], bufs[b], sems[b])
            for b in range(NBUF)
        ]
        for g in range(CPW):
            b = g % NBUF
            pending[b].wait()
            pltpu.sync_copy(bufs[b], acc_sh.at[dst_v.at[g]], add=True)
            pltpu.sync_copy(ones_v, deg_sh.at[dst_v.at[g]], add=True)
            if g + NBUF < CPW:
                pending[b] = pltpu.async_copy(
                    feat_h.at[src_v.at[g + NBUF]], bufs[b], sems[b])
        return carry
    lax.fori_loop(0, NWIN, _window, None)

    plsc.subcore_barrier()

    for k in range(ROWS_PER_TILE // C):
        pltpu.sync_copy(acc_sh.at[pl.ds(tile_rows + k * C, C)], rows0)
        pltpu.sync_copy(rows0, acc_out.at[pl.ds(c * N_PAD + tile_rows + k * C, C)])
    pltpu.sync_copy(deg_sh.at[pl.ds(tile_rows, ROWS_PER_TILE)], deg_stage)
    pltpu.sync_copy(deg_stage, deg_out.at[pl.ds(c * N_PAD + tile_rows, ROWS_PER_TILE)])


@functools.cache
def _make_sc_aggregate():
    mesh = plsc.VectorSubcoreMesh(core_axis_name="c", subcore_axis_name="s",
                                  num_cores=NC, num_subcores=NS)
    return pl.kernel(
        _sc_aggregate_body,
        out_type=(
            jax.ShapeDtypeStruct((NC * N_PAD, D), jnp.float32),
            jax.ShapeDtypeStruct((NC * N_PAD,), jnp.float32),
        ),
        mesh=mesh,
        scratch_types=[
            pltpu.VMEM((CPW, C), jnp.int32),
            pltpu.VMEM((CPW, C), jnp.int32),
            pltpu.VMEM((C, D), jnp.float32),
            pltpu.VMEM((C, D), jnp.float32),
            pltpu.VMEM((C, D), jnp.float32),
            pltpu.VMEM((C, D), jnp.float32),
            pltpu.VMEM((C,), jnp.float32),
            pltpu.VMEM((ROWS_PER_TILE,), jnp.float32),
            pltpu.VMEM_SHARED((N_PAD, D), jnp.float32),
            pltpu.VMEM_SHARED((N_PAD,), jnp.float32),
            pltpu.SemaphoreType.DMA,
            pltpu.SemaphoreType.DMA,
            pltpu.SemaphoreType.DMA,
            pltpu.SemaphoreType.DMA,
        ],
    )


_TC_BLOCK = 400


def _tc_combine_body(acc_ref, deg_ref, feat_ref, wn_ref, ws_ref, bias_ref, out_ref):
    acc = acc_ref[0] + acc_ref[1]
    deg = jnp.maximum(deg_ref[:, 0:1] + deg_ref[:, 1:2], 1.0)
    h = acc / deg
    out_ref[...] = (
        jnp.dot(h, wn_ref[...], preferred_element_type=jnp.float32)
        + jnp.dot(feat_ref[...], ws_ref[...], preferred_element_type=jnp.float32)
        + bias_ref[...]
    )


def _tc_combine(acc_p, deg_p, feat, wn_t, ws_t, bias2d):
    grid = N_NODES // _TC_BLOCK
    return pl.pallas_call(
        _tc_combine_body,
        grid=(grid,),
        in_specs=[
            pl.BlockSpec((NC, _TC_BLOCK, D), lambda i: (0, i, 0)),
            pl.BlockSpec((_TC_BLOCK, NC), lambda i: (i, 0)),
            pl.BlockSpec((_TC_BLOCK, D), lambda i: (i, 0)),
            pl.BlockSpec((D, D), lambda i: (0, 0)),
            pl.BlockSpec((D, D), lambda i: (0, 0)),
            pl.BlockSpec((1, D), lambda i: (0, 0)),
        ],
        out_specs=pl.BlockSpec((_TC_BLOCK, D), lambda i: (i, 0)),
        out_shape=jax.ShapeDtypeStruct((N_NODES, D), jnp.float32),
    )(acc_p, deg_p, feat, wn_t, ws_t, bias2d)


def kernel(feat, edge_index, W_neigh, W_self, bias):
    src = edge_index[0].astype(jnp.int32)
    dst = edge_index[1].astype(jnp.int32)
    pad = E_PAD - N_EDGES
    src2 = jnp.concatenate([src, jnp.zeros((pad,), jnp.int32)]).reshape(E_PAD // C, C)
    pad_dst = N_NODES + (jnp.arange(pad, dtype=jnp.int32) % (N_PAD - N_NODES))
    dst2 = jnp.concatenate([dst, pad_dst]).reshape(E_PAD // C, C)
    acc_p, deg_p = _make_sc_aggregate()(feat, src2, dst2)
    acc_p = acc_p.reshape(NC, N_PAD, D)
    deg_p = deg_p.reshape(NC, N_PAD).T[:N_NODES]
    return _tc_combine(acc_p, deg_p, feat, W_neigh.T, W_self.T,
                       bias.reshape(1, D))

# --- scband reference (transcript-rebuilt; emitter-appended) ---
"""Pipeline reference for scband-nigconv-17051020165718 (READ-ONLY COPY).

The authoritative reference and input builder live on the scoring server;
editing this copy changes nothing except your own understanding.
"""

import jax, jax.numpy as jnp
import numpy as np

N_NODES = 10000
N_EDGES = 320000
D_IN = 128
D_OUT = 128


def setup_inputs(seed: int = 0) -> dict:
    key = jax.random.key(seed)
    k1, k2, k3, k4 = jax.random.split(key, 4)
    feat = jax.random.normal(k1, (N_NODES, D_IN), dtype=jnp.float32)
    edge_index = jax.random.randint(k2, (2, N_EDGES), 0, N_NODES, dtype=jnp.int64)
    # Xavier-uniform with relu gain for the two linear weights (shape [out, in], torch convention)
    gain = float(np.sqrt(2.0))
    bound = gain * float(np.sqrt(6.0 / (D_IN + D_OUT)))
    W_neigh = jax.random.uniform(k3, (D_OUT, D_IN), minval=-bound, maxval=bound, dtype=jnp.float32)
    W_self = jax.random.uniform(k4, (D_OUT, D_IN), minval=-bound, maxval=bound, dtype=jnp.float32)
    bias = jnp.zeros((D_OUT,), dtype=jnp.float32)
    return {"feat": feat, "edge_index": edge_index, "W_neigh": W_neigh, "W_self": W_self, "bias": bias}


def reference(feat, edge_index, W_neigh, W_self, bias):
    # feat_drop with p=0.0 is identity; feat_src = feat_dst = feat
    n = feat.shape[0]
    src = edge_index[0]
    dst = edge_index[1]
    # lin_before_mp = (in_feats > out_feats) = False -> aggregate raw features first
    msgs = jnp.take(feat, src, axis=0)  # copy_src gather, [E, D_IN]
    summed = jax.ops.segment_sum(msgs, dst, num_segments=n)  # scatter-add by dst
    deg = jax.ops.segment_sum(jnp.ones((dst.shape[0],), dtype=feat.dtype), dst, num_segments=n)
    h_neigh = summed / jnp.maximum(deg, 1.0)[:, None]  # mean; zero-degree nodes -> 0
    h_neigh = h_neigh @ W_neigh.T  # fc_neigh after message passing
    rst = feat @ W_self.T + h_neigh  # fc_self(h_self) + h_neigh
    rst = rst + bias
    return rst

if __name__ == "__main__":
    import jax
    _d = setup_inputs()
    print(jax.jit(kernel)(*tuple(_d.values())))

</pallas_src>

<mosaic_0001>
#map = affine_map<(d0, d1) -> (0, 0)>
#map1 = affine_map<(d0, d1) -> (0)>
module attributes {stable_mosaic.version = 14 : i64} {
  func.func @_sc_aggregate_body(%arg0: i32, %arg1: i32, %arg2: memref<10000x128xf32, #tpu.memory_space<hbm>>, %arg3: memref<5120x64xi32, #tpu.memory_space<hbm>>, %arg4: memref<5120x64xi32, #tpu.memory_space<hbm>>, %arg5: memref<20480x128xf32, #tpu.memory_space<hbm>>, %arg6: memref<20480xf32, #tpu.memory_space<hbm>>, %arg7: memref<16x64xi32, #tpu.memory_space<vmem>>, %arg8: memref<16x64xi32, #tpu.memory_space<vmem>>, %arg9: memref<64x128xf32, #tpu.memory_space<vmem>>, %arg10: memref<64x128xf32, #tpu.memory_space<vmem>>, %arg11: memref<64x128xf32, #tpu.memory_space<vmem>>, %arg12: memref<64x128xf32, #tpu.memory_space<vmem>>, %arg13: memref<64xf32, #tpu.memory_space<vmem>>, %arg14: memref<640xf32, #tpu.memory_space<vmem>>, %arg15: memref<10240x128xf32, #tpu.memory_space<vmem_shared>>, %arg16: memref<10240xf32, #tpu.memory_space<vmem_shared>>, %arg17: memref<!tpu.dma_semaphore, #tpu.memory_space<semaphore_mem>>, %arg18: memref<!tpu.dma_semaphore, #tpu.memory_space<semaphore_mem>>, %arg19: memref<!tpu.dma_semaphore, #tpu.memory_space<semaphore_mem>>, %arg20: memref<!tpu.dma_semaphore, #tpu.memory_space<semaphore_mem>>) attributes {dimension_semantics = [#tpu.dimension_semantics<core_parallel>, #tpu.dimension_semantics<subcore_parallel>], iteration_bounds = array<i64: 2, 16>, scalar_prefetch = 0 : i64, scratch_operands = 14 : i64, tpu.core_type = #tpu.core_type<sc_vector_subcore>, window_params = [{transform_indices = #map}, {transform_indices = #map}, {transform_indices = #map}, {transform_indices = #map}, {transform_indices = #map1}]} {
    %mul3A = arith.constant 16 : i32
    %mul3A_0 = arith.muli %arg0, %mul3A : i32
    %add3A = arith.addi %mul3A_0, %arg1 : i32
    %mul3A_1 = arith.constant 640 : i32
    %mul3A_2 = arith.muli %arg1, %mul3A_1 : i32
    %mul3A_3 = arith.constant 160 : i32
    %mul3A_4 = arith.muli %add3A, %mul3A_3 : i32
    %scan3A = arith.constant 0 : i32
    %scan3A_5 = arith.constant 512 : i32
    %scan3A_6 = arith.addi %scan3A, %scan3A_5 : i32
    %scan3A_7 = arith.constant 1 : i32
    scf.for %scan3A_118 = %scan3A to %scan3A_6 step %scan3A_7  : i32 {
      %broadcast_in_dim3A = arith.constant 0.000000e+00 : f32
      %broadcast_in_dim3A_119 = vector.broadcast %broadcast_in_dim3A : f32 to vector<16xf32>
      %jit3A = arith.constant 8 : i32
      %div3A = arith.divsi %scan3A_118, %jit3A : i32
      %sign3A = arith.constant 0 : i32
      %sign3A_120 = arith.cmpi sgt, %scan3A_118, %sign3A : i32
      %sign3A_121 = arith.extui %sign3A_120 : i1 to i32
      %sign3A_122 = arith.constant 0 : i32
      %sign3A_123 = arith.cmpi slt, %scan3A_118, %sign3A_122 : i32
      %sign3A_124 = arith.extui %sign3A_123 : i1 to i32
      %sign3A_125 = arith.subi %sign3A_121, %sign3A_124 : i32
      %sign3A_126 = arith.constant 0 : i32
      %sign3A_127 = arith.cmpi sgt, %jit3A, %sign3A_126 : i32
      %sign3A_128 = arith.extui %sign3A_127 : i1 to i32
      %sign3A_129 = arith.constant 0 : i32
      %sign3A_130 = arith.cmpi slt, %jit3A, %sign3A_129 : i32
      %sign3A_131 = arith.extui %sign3A_130 : i1 to i32
      %sign3A_132 = arith.subi %sign3A_128, %sign3A_131 : i32
      %ne3A = arith.cmpi ne, %sign3A_125, %sign3A_132 : i32
      %rem3A = arith.remsi %scan3A_118, %jit3A : i32
      %ne3A_133 = arith.constant 0 : i32
      %ne3A_134 = arith.cmpi ne, %rem3A, %ne3A_133 : i32
      %and3A = arith.andi %ne3A, %ne3A_134 : i1
      %sub3A = arith.constant 1 : i32
      %sub3A_135 = arith.subi %div3A, %sub3A : i32
      %select_n3A = arith.select %and3A, %sub3A_135, %div3A : i32
      %jit3A_136 = arith.constant 8 : i32
      %eq3A = arith.constant 0 : i32
      %eq3A_137 = arith.cmpi eq, %jit3A_136, %eq3A : i32
      %jit3A_138 = arith.constant 1 : i32
      %select_n3A_139 = arith.select %eq3A_137, %jit3A_138, %jit3A_136 : i32
      %rem3A_140 = arith.remsi %scan3A_118, %select_n3A_139 : i32
      %ne3A_141 = arith.constant 0 : i32
      %ne3A_142 = arith.cmpi ne, %rem3A_140, %ne3A_141 : i32
      %lt3A = arith.constant 0 : i32
      %lt3A_143 = arith.cmpi slt, %rem3A_140, %lt3A : i32
      %lt3A_144 = arith.constant 0 : i32
      %lt3A_145 = arith.cmpi slt, %select_n3A_139, %lt3A_144 : i32
      %ne3A_146 = arith.xori %lt3A_143, %lt3A_145 : i1
      %and3A_147 = arith.andi %ne3A_146, %ne3A_142 : i1
      %add3A_148 = arith.addi %rem3A_140, %select_n3A_139 : i32
      %select_n3A_149 = arith.select %and3A_147, %add3A_148, %rem3A_140 : i32
      %mul3A_150 = arith.constant 16 : i32
      %mul3A_151 = arith.muli %select_n3A_149, %mul3A_150 : i32
      %swap3A = arith.index_cast %select_n3A : i32 to index
      %swap3A_152 = arith.index_cast %mul3A_151 : i32 to index
      %swap3A_153 = tpu.vector_load %arg9[%swap3A, %swap3A_152] {strides = array<i32>} : memref<64x128xf32, #tpu.memory_space<vmem>>, vector<1x16xf32>,
      %swap3A_154 = vector.shape_cast %swap3A_153 : vector<1x16xf32> to vector<16xf32>
      %swap3A_155 = vector.shape_cast %broadcast_in_dim3A_119 : vector<16xf32> to vector<1x16xf32>
      tpu.vector_store %arg9[%swap3A, %swap3A_152], %swap3A_155 {strides = array<i32>} : memref<64x128xf32, #tpu.memory_space<vmem>>, vector<1x16xf32>,
    }
    %scan3A_8 = arith.constant 512 : i32
    %scan3A_9 = arith.constant 0 : i32
    %scan3A_10 = arith.constant 40 : i32
    %scan3A_11 = arith.addi %scan3A_9, %scan3A_10 : i32
    %scan3A_12 = arith.constant 1 : i32
    scf.for %scan3A_118 = %scan3A_9 to %scan3A_11 step %scan3A_12  : i32 {
      %broadcast_in_dim3A = arith.constant 0.000000e+00 : f32
      %broadcast_in_dim3A_119 = vector.broadcast %broadcast_in_dim3A : f32 to vector<16xf32>
      %mul3A_120 = arith.constant 16 : i32
      %mul3A_121 = arith.muli %scan3A_118, %mul3A_120 : i32
      %swap3A = arith.index_cast %mul3A_121 : i32 to index
      %swap3A_122 = tpu.vector_load %arg14[%swap3A] {strides = array<i32>} : memref<640xf32, #tpu.memory_space<vmem>>, vector<16xf32>,
      %swap3A_123 = vector.shape_cast %swap3A_122 : vector<16xf32> to vector<16xf32>
      %swap3A_124 = vector.shape_cast %broadcast_in_dim3A_119 : vector<16xf32> to vector<16xf32>
      tpu.vector_store %arg14[%swap3A], %swap3A_124 {strides = array<i32>} : memref<640xf32, #tpu.memory_space<vmem>>, vector<16xf32>,
    }
    %scan3A_13 = arith.constant 40 : i32
    %scan3A_14 = arith.constant 0 : i32
    %scan3A_15 = arith.constant 4 : i32
    %scan3A_16 = arith.addi %scan3A_14, %scan3A_15 : i32
    %scan3A_17 = arith.constant 1 : i32
    scf.for %scan3A_118 = %scan3A_14 to %scan3A_16 step %scan3A_17  : i32 {
      %broadcast_in_dim3A = arith.constant 1.000000e+00 : f32
      %broadcast_in_dim3A_119 = vector.broadcast %broadcast_in_dim3A : f32 to vector<16xf32>
      %mul3A_120 = arith.constant 16 : i32
      %mul3A_121 = arith.muli %scan3A_118, %mul3A_120 : i32
      %swap3A = arith.index_cast %mul3A_121 : i32 to index
      %swap3A_122 = tpu.vector_load %arg13[%swap3A] {strides = array<i32>} : memref<64xf32, #tpu.memory_space<vmem>>, vector<16xf32>,
      %swap3A_123 = vector.shape_cast %swap3A_122 : vector<16xf32> to vector<16xf32>
      %swap3A_124 = vector.shape_cast %broadcast_in_dim3A_119 : vector<16xf32> to vector<16xf32>
      tpu.vector_store %arg13[%swap3A], %swap3A_124 {strides = array<i32>} : memref<64xf32, #tpu.memory_space<vmem>>, vector<16xf32>,
    }
    %scan3A_18 = arith.constant 4 : i32
    %add3A_19 = arith.constant 0 : i32
    %add3A_20 = arith.addi %mul3A_2, %add3A_19 : i32
    "tpu.region"() ({
      %run_scoped3A = tpu.sem_alloc : memref<!tpu.dma_semaphore, #tpu.memory_space<semaphore_mem>>
      %dma_start3A = arith.constant 0 : i32
      %dma_start3A_118 = tpu.memref_slice %arg15[%add3A_20, %dma_start3A] : memref<10240x128xf32, #tpu.memory_space<vmem_shared>> -> memref<64x128xf32, #tpu.memory_space<vmem_shared>>
      %dma_start3A_119 = arith.constant 0 : i32
      %dma_start3A_120 = tpu.memref_slice %arg15[%add3A_20, %dma_start3A_119] : memref<10240x128xf32, #tpu.memory_space<vmem_shared>> -> memref<64x128xf32, #tpu.memory_space<vmem_shared>>
      tpu.enqueue_dma source(%arg9 : memref<64x128xf32, #tpu.memory_space<vmem>>) target(%dma_start3A_120 : memref<64x128xf32, #tpu.memory_space<vmem_shared>>) target_semaphore(%run_scoped3A : memref<!tpu.dma_semaphore, #tpu.memory_space<semaphore_mem>>)
      %dma_wait3A = arith.constant 0 : i32
      %dma_wait3A_121 = tpu.memref_slice %arg15[%add3A_20, %dma_wait3A] : memref<10240x128xf32, #tpu.memory_space<vmem_shared>> -> memref<64x128xf32, #tpu.memory_space<vmem_shared>>
      %dma_wait3A_122 = arith.constant 0 : i32
      %dma_wait3A_123 = tpu.memref_slice %arg15[%add3A_20, %dma_wait3A_122] : memref<10240x128xf32, #tpu.memory_space<vmem_shared>> -> memref<64x128xf32, #tpu.memory_space<vmem_shared>>
      tpu.wait_dma2 semaphore(%run_scoped3A : memref<!tpu.dma_semaphore, #tpu.memory_space<semaphore_mem>>) src(%arg9 : memref<64x128xf32, #tpu.memory_space<vmem>>) dst(%dma_wait3A_123 : memref<64x128xf32, #tpu.memory_space<vmem_shared>>)
      tpu.yield
    }) : () -> ()
    %add3A_21 = arith.constant 64 : i32
    %add3A_22 = arith.addi %mul3A_2, %add3A_21 : i32
    "tpu.region"() ({
      %run_scoped3A = tpu.sem_alloc : memref<!tpu.dma_semaphore, #tpu.memory_space<semaphore_mem>>
      %dma_start3A = arith.constant 0 : i32
      %dma_start3A_118 = tpu.memref_slice %arg15[%add3A_22, %dma_start3A] : memref<10240x128xf32, #tpu.memory_space<vmem_shared>> -> memref<64x128xf32, #tpu.memory_space<vmem_shared>>
      %dma_start3A_119 = arith.constant 0 : i32
      %dma_start3A_120 = tpu.memref_slice %arg15[%add3A_22, %dma_start3A_119] : memref<10240x128xf32, #tpu.memory_space<vmem_shared>> -> memref<64x128xf32, #tpu.memory_space<vmem_shared>>
      tpu.enqueue_dma source(%arg9 : memref<64x128xf32, #tpu.memory_space<vmem>>) target(%dma_start3A_120 : memref<64x128xf32, #tpu.memory_space<vmem_shared>>) target_semaphore(%run_scoped3A : memref<!tpu.dma_semaphore, #tpu.memory_space<semaphore_mem>>)
      %dma_wait3A = arith.constant 0 : i32
      %dma_wait3A_121 = tpu.memref_slice %arg15[%add3A_22, %dma_wait3A] : memref<10240x128xf32, #tpu.memory_space<vmem_shared>> -> memref<64x128xf32, #tpu.memory_space<vmem_shared>>
      %dma_wait3A_122 = arith.constant 0 : i32
      %dma_wait3A_123 = tpu.memref_slice %arg15[%add3A_22, %dma_wait3A_122] : memref<10240x128xf32, #tpu.memory_space<vmem_shared>> -> memref<64x128xf32, #tpu.memory_space<vmem_shared>>
      tpu.wait_dma2 semaphore(%run_scoped3A : memref<!tpu.dma_semaphore, #tpu.memory_space<semaphore_mem>>) src(%arg9 : memref<64x128xf32, #tpu.memory_space<vmem>>) dst(%dma_wait3A_123 : memref<64x128xf32, #tpu.memory_space<vmem_shared>>)
      tpu.yield
    }) : () -> ()
    %add3A_23 = arith.constant 128 : i32
    %add3A_24 = arith.addi %mul3A_2, %add3A_23 : i32
    "tpu.region"() ({
      %run_scoped3A = tpu.sem_alloc : memref<!tpu.dma_semaphore, #tpu.memory_space<semaphore_mem>>
      %dma_start3A = arith.constant 0 : i32
      %dma_start3A_118 = tpu.memref_slice %arg15[%add3A_24, %dma_start3A] : memref<10240x128xf32, #tpu.memory_space<vmem_shared>> -> memref<64x128xf32, #tpu.memory_space<vmem_shared>>
      %dma_start3A_119 = arith.constant 0 : i32
      %dma_start3A_120 = tpu.memref_slice %arg15[%add3A_24, %dma_start3A_119] : memref<10240x128xf32, #tpu.memory_space<vmem_shared>> -> memref<64x128xf32, #tpu.memory_space<vmem_shared>>
      tpu.enqueue_dma source(%arg9 : memref<64x128xf32, #tpu.memory_space<vmem>>) target(%dma_start3A_120 : memref<64x128xf32, #tpu.memory_space<vmem_shared>>) target_semaphore(%run_scoped3A : memref<!tpu.dma_semaphore, #tpu.memory_space<semaphore_mem>>)
      %dma_wait3A = arith.constant 0 : i32
      %dma_wait3A_121 = tpu.memref_slice %arg15[%add3A_24, %dma_wait3A] : memref<10240x128xf32, #tpu.memory_space<vmem_shared>> -> memref<64x128xf32, #tpu.memory_space<vmem_shared>>
      %dma_wait3A_122 = arith.constant 0 : i32
      %dma_wait3A_123 = tpu.memref_slice %arg15[%add3A_24, %dma_wait3A_122] : memref<10240x128xf32, #tpu.memory_space<vmem_shared>> -> memref<64x128xf32, #tpu.memory_space<vmem_shared>>
      tpu.wait_dma2 semaphore(%run_scoped3A : memref<!tpu.dma_semaphore, #tpu.memory_space<semaphore_mem>>) src(%arg9 : memref<64x128xf32, #tpu.memory_space<vmem>>) dst(%dma_wait3A_123 : memref<64x128xf32, #tpu.memory_space<vmem_shared>>)
      tpu.yield
    }) : () -> ()
    %add3A_25 = arith.constant 192 : i32
    %add3A_26 = arith.addi %mul3A_2, %add3A_25 : i32
    "tpu.region"() ({
      %run_scoped3A = tpu.sem_alloc : memref<!tpu.dma_semaphore, #tpu.memory_space<semaphore_mem>>
      %dma_start3A = arith.constant 0 : i32
      %dma_start3A_118 = tpu.memref_slice %arg15[%add3A_26, %dma_start3A] : memref<10240x128xf32, #tpu.memory_space<vmem_shared>> -> memref<64x128xf32, #tpu.memory_space<vmem_shared>>
      %dma_start3A_119 = arith.constant 0 : i32
      %dma_start3A_120 = tpu.memref_slice %arg15[%add3A_26, %dma_start3A_119] : memref<10240x128xf32, #tpu.memory_space<vmem_shared>> -> memref<64x128xf32, #tpu.memory_space<vmem_shared>>
      tpu.enqueue_dma source(%arg9 : memref<64x128xf32, #tpu.memory_space<vmem>>) target(%dma_start3A_120 : memref<64x128xf32, #tpu.memory_space<vmem_shared>>) target_semaphore(%run_scoped3A : memref<!tpu.dma_semaphore, #tpu.memory_space<semaphore_mem>>)
      %dma_wait3A = arith.constant 0 : i32
      %dma_wait3A_121 = tpu.memref_slice %arg15[%add3A_26, %dma_wait3A] : memref<10240x128xf32, #tpu.memory_space<vmem_shared>> -> memref<64x128xf32, #tpu.memory_space<vmem_shared>>
      %dma_wait3A_122 = arith.constant 0 : i32
      %dma_wait3A_123 = tpu.memref_slice %arg15[%add3A_26, %dma_wait3A_122] : memref<10240x128xf32, #tpu.memory_space<vmem_shared>> -> memref<64x128xf32, #tpu.memory_space<vmem_shared>>
      tpu.wait_dma2 semaphore(%run_scoped3A : memref<!tpu.dma_semaphore, #tpu.memory_space<semaphore_mem>>) src(%arg9 : memref<64x128xf32, #tpu.memory_space<vmem>>) dst(%dma_wait3A_123 : memref<64x128xf32, #tpu.memory_space<vmem_shared>>)
      tpu.yield
    }) : () -> ()
    %add3A_27 = arith.constant 256 : i32
    %add3A_28 = arith.addi %mul3A_2, %add3A_27 : i32
    "tpu.region"() ({
      %run_scoped3A = tpu.sem_alloc : memref<!tpu.dma_semaphore, #tpu.memory_space<semaphore_mem>>
      %dma_start3A = arith.constant 0 : i32
      %dma_start3A_118 = tpu.memref_slice %arg15[%add3A_28, %dma_start3A] : memref<10240x128xf32, #tpu.memory_space<vmem_shared>> -> memref<64x128xf32, #tpu.memory_space<vmem_shared>>
      %dma_start3A_119 = arith.constant 0 : i32
      %dma_start3A_120 = tpu.memref_slice %arg15[%add3A_28, %dma_start3A_119] : memref<10240x128xf32, #tpu.memory_space<vmem_shared>> -> memref<64x128xf32, #tpu.memory_space<vmem_shared>>
      tpu.enqueue_dma source(%arg9 : memref<64x128xf32, #tpu.memory_space<vmem>>) target(%dma_start3A_120 : memref<64x128xf32, #tpu.memory_space<vmem_shared>>) target_semaphore(%run_scoped3A : memref<!tpu.dma_semaphore, #tpu.memory_space<semaphore_mem>>)
      %dma_wait3A = arith.constant 0 : i32
      %dma_wait3A_121 = tpu.memref_slice %arg15[%add3A_28, %dma_wait3A] : memref<10240x128xf32, #tpu.memory_space<vmem_shared>> -> memref<64x128xf32, #tpu.memory_space<vmem_shared>>
      %dma_wait3A_122 = arith.constant 0 : i32
      %dma_wait3A_123 = tpu.memref_slice %arg15[%add3A_28, %dma_wait3A_122] : memref<10240x128xf32, #tpu.memory_space<vmem_shared>> -> memref<64x128xf32, #tpu.memory_space<vmem_shared>>
      tpu.wait_dma2 semaphore(%run_scoped3A : memref<!tpu.dma_semaphore, #tpu.memory_space<semaphore_mem>>) src(%arg9 : memref<64x128xf32, #tpu.memory_space<vmem>>) dst(%dma_wait3A_123 : memref<64x128xf32, #tpu.memory_space<vmem_shared>>)
      tpu.yield
    }) : () -> ()
    %add3A_29 = arith.constant 320 : i32
    %add3A_30 = arith.addi %mul3A_2, %add3A_29 : i32
    "tpu.region"() ({
      %run_scoped3A = tpu.sem_alloc : memref<!tpu.dma_semaphore, #tpu.memory_space<semaphore_mem>>
      %dma_start3A = arith.constant 0 : i32
      %dma_start3A_118 = tpu.memref_slice %arg15[%add3A_30, %dma_start3A] : memref<10240x128xf32, #tpu.memory_space<vmem_shared>> -> memref<64x128xf32, #tpu.memory_space<vmem_shared>>
      %dma_start3A_119 = arith.constant 0 : i32
      %dma_start3A_120 = tpu.memref_slice %arg15[%add3A_30, %dma_start3A_119] : memref<10240x128xf32, #tpu.memory_space<vmem_shared>> -> memref<64x128xf32, #tpu.memory_space<vmem_shared>>
      tpu.enqueue_dma source(%arg9 : memref<64x128xf32, #tpu.memory_space<vmem>>) target(%dma_start3A_120 : memref<64x128xf32, #tpu.memory_space<vmem_shared>>) target_semaphore(%run_scoped3A : memref<!tpu.dma_semaphore, #tpu.memory_space<semaphore_mem>>)
      %dma_wait3A = arith.constant 0 : i32
      %dma_wait3A_121 = tpu.memref_slice %arg15[%add3A_30, %dma_wait3A] : memref<10240x128xf32, #tpu.memory_space<vmem_shared>> -> memref<64x128xf32, #tpu.memory_space<vmem_shared>>
      %dma_wait3A_122 = arith.constant 0 : i32
      %dma_wait3A_123 = tpu.memref_slice %arg15[%add3A_30, %dma_wait3A_122] : memref<10240x128xf32, #tpu.memory_space<vmem_shared>> -> memref<64x128xf32, #tpu.memory_space<vmem_shared>>
      tpu.wait_dma2 semaphore(%run_scoped3A : memref<!tpu.dma_semaphore, #tpu.memory_space<semaphore_mem>>) src(%arg9 : memref<64x128xf32, #tpu.memory_space<vmem>>) dst(%dma_wait3A_123 : memref<64x128xf32, #tpu.memory_space<vmem_shared>>)
      tpu.yield
    }) : () -> ()
    %add3A_31 = arith.constant 384 : i32
    %add3A_32 = arith.addi %mul3A_2, %add3A_31 : i32
    "tpu.region"() ({
      %run_scoped3A = tpu.sem_alloc : memref<!tpu.dma_semaphore, #tpu.memory_space<semaphore_mem>>
      %dma_start3A = arith.constant 0 : i32
      %dma_start3A_118 = tpu.memref_slice %arg15[%add3A_32, %dma_start3A] : memref<10240x128xf32, #tpu.memory_space<vmem_shared>> -> memref<64x128xf32, #tpu.memory_space<vmem_shared>>
      %dma_start3A_119 = arith.constant 0 : i32
      %dma_start3A_120 = tpu.memref_slice %arg15[%add3A_32, %dma_start3A_119] : memref<10240x128xf32, #tpu.memory_space<vmem_shared>> -> memref<64x128xf32, #tpu.memory_space<vmem_shared>>
      tpu.enqueue_dma source(%arg9 : memref<64x128xf32, #tpu.memory_space<vmem>>) target(%dma_start3A_120 : memref<64x128xf32, #tpu.memory_space<vmem_shared>>) target_semaphore(%run_scoped3A : memref<!tpu.dma_semaphore, #tpu.memory_space<semaphore_mem>>)
      %dma_wait3A = arith.constant 0 : i32
      %dma_wait3A_121 = tpu.memref_slice %arg15[%add3A_32, %dma_wait3A] : memref<10240x128xf32, #tpu.memory_space<vmem_shared>> -> memref<64x128xf32, #tpu.memory_space<vmem_shared>>
      %dma_wait3A_122 = arith.constant 0 : i32
      %dma_wait3A_123 = tpu.memref_slice %arg15[%add3A_32, %dma_wait3A_122] : memref<10240x128xf32, #tpu.memory_space<vmem_shared>> -> memref<64x128xf32, #tpu.memory_space<vmem_shared>>
      tpu.wait_dma2 semaphore(%run_scoped3A : memref<!tpu.dma_semaphore, #tpu.memory_space<semaphore_mem>>) src(%arg9 : memref<64x128xf32, #tpu.memory_space<vmem>>) dst(%dma_wait3A_123 : memref<64x128xf32, #tpu.memory_space<vmem_shared>>)
      tpu.yield
    }) : () -> ()
    %add3A_33 = arith.constant 448 : i32
    %add3A_34 = arith.addi %mul3A_2, %add3A_33 : i32
    "tpu.region"() ({
      %run_scoped3A = tpu.sem_alloc : memref<!tpu.dma_semaphore, #tpu.memory_space<semaphore_mem>>
      %dma_start3A = arith.constant 0 : i32
      %dma_start3A_118 = tpu.memref_slice %arg15[%add3A_34, %dma_start3A] : memref<10240x128xf32, #tpu.memory_space<vmem_shared>> -> memref<64x128xf32, #tpu.memory_space<vmem_shared>>
      %dma_start3A_119 = arith.constant 0 : i32
      %dma_start3A_120 = tpu.memref_slice %arg15[%add3A_34, %dma_start3A_119] : memref<10240x128xf32, #tpu.memory_space<vmem_shared>> -> memref<64x128xf32, #tpu.memory_space<vmem_shared>>
      tpu.enqueue_dma source(%arg9 : memref<64x128xf32, #tpu.memory_space<vmem>>) target(%dma_start3A_120 : memref<64x128xf32, #tpu.memory_space<vmem_shared>>) target_semaphore(%run_scoped3A : memref<!tpu.dma_semaphore, #tpu.memory_space<semaphore_mem>>)
      %dma_wait3A = arith.constant 0 : i32
      %dma_wait3A_121 = tpu.memref_slice %arg15[%add3A_34, %dma_wait3A] : memref<10240x128xf32, #tpu.memory_space<vmem_shared>> -> memref<64x128xf32, #tpu.memory_space<vmem_shared>>
      %dma_wait3A_122 = arith.constant 0 : i32
      %dma_wait3A_123 = tpu.memref_slice %arg15[%add3A_34, %dma_wait3A_122] : memref<10240x128xf32, #tpu.memory_space<vmem_shared>> -> memref<64x128xf32, #tpu.memory_space<vmem_shared>>
      tpu.wait_dma2 semaphore(%run_scoped3A : memref<!tpu.dma_semaphore, #tpu.memory_space<semaphore_mem>>) src(%arg9 : memref<64x128xf32, #tpu.memory_space<vmem>>) dst(%dma_wait3A_123 : memref<64x128xf32, #tpu.memory_space<vmem_shared>>)
      tpu.yield
    }) : () -> ()
    %add3A_35 = arith.constant 512 : i32
    %add3A_36 = arith.addi %mul3A_2, %add3A_35 : i32
    "tpu.region"() ({
      %run_scoped3A = tpu.sem_alloc : memref<!tpu.dma_semaphore, #tpu.memory_space<semaphore_mem>>
      %dma_start3A = arith.constant 0 : i32
      %dma_start3A_118 = tpu.memref_slice %arg15[%add3A_36, %dma_start3A] : memref<10240x128xf32, #tpu.memory_space<vmem_shared>> -> memref<64x128xf32, #tpu.memory_space<vmem_shared>>
      %dma_start3A_119 = arith.constant 0 : i32
      %dma_start3A_120 = tpu.memref_slice %arg15[%add3A_36, %dma_start3A_119] : memref<10240x128xf32, #tpu.memory_space<vmem_shared>> -> memref<64x128xf32, #tpu.memory_space<vmem_shared>>
      tpu.enqueue_dma source(%arg9 : memref<64x128xf32, #tpu.memory_space<vmem>>) target(%dma_start3A_120 : memref<64x128xf32, #tpu.memory_space<vmem_shared>>) target_semaphore(%run_scoped3A : memref<!tpu.dma_semaphore, #tpu.memory_space<semaphore_mem>>)
      %dma_wait3A = arith.constant 0 : i32
      %dma_wait3A_121 = tpu.memref_slice %arg15[%add3A_36, %dma_wait3A] : memref<10240x128xf32, #tpu.memory_space<vmem_shared>> -> memref<64x128xf32, #tpu.memory_space<vmem_shared>>
      %dma_wait3A_122 = arith.constant 0 : i32
      %dma_wait3A_123 = tpu.memref_slice %arg15[%add3A_36, %dma_wait3A_122] : memref<10240x128xf32, #tpu.memory_space<vmem_shared>> -> memref<64x128xf32, #tpu.memory_space<vmem_shared>>
      tpu.wait_dma2 semaphore(%run_scoped3A : memref<!tpu.dma_semaphore, #tpu.memory_space<semaphore_mem>>) src(%arg9 : memref<64x128xf32, #tpu.memory_space<vmem>>) dst(%dma_wait3A_123 : memref<64x128xf32, #tpu.memory_space<vmem_shared>>)
      tpu.yield
    }) : () -> ()
    %add3A_37 = arith.constant 576 : i32
    %add3A_38 = arith.addi %mul3A_2, %add3A_37 : i32
    "tpu.region"() ({
      %run_scoped3A = tpu.sem_alloc : memref<!tpu.dma_semaphore, #tpu.memory_space<semaphore_mem>>
      %dma_start3A = arith.constant 0 : i32
      %dma_start3A_118 = tpu.memref_slice %arg15[%add3A_38, %dma_start3A] : memref<10240x128xf32, #tpu.memory_space<vmem_shared>> -> memref<64x128xf32, #tpu.memory_space<vmem_shared>>
      %dma_start3A_119 = arith.constant 0 : i32
      %dma_start3A_120 = tpu.memref_slice %arg15[%add3A_38, %dma_start3A_119] : memref<10240x128xf32, #tpu.memory_space<vmem_shared>> -> memref<64x128xf32, #tpu.memory_space<vmem_shared>>
      tpu.enqueue_dma source(%arg9 : memref<64x128xf32, #tpu.memory_space<vmem>>) target(%dma_start3A_120 : memref<64x128xf32, #tpu.memory_space<vmem_shared>>) target_semaphore(%run_scoped3A : memref<!tpu.dma_semaphore, #tpu.memory_space<semaphore_mem>>)
      %dma_wait3A = arith.constant 0 : i32
      %dma_wait3A_121 = tpu.memref_slice %arg15[%add3A_38, %dma_wait3A] : memref<10240x128xf32, #tpu.memory_space<vmem_shared>> -> memref<64x128xf32, #tpu.memory_space<vmem_shared>>
      %dma_wait3A_122 = arith.constant 0 : i32
      %dma_wait3A_123 = tpu.memref_slice %arg15[%add3A_38, %dma_wait3A_122] : memref<10240x128xf32, #tpu.memory_space<vmem_shared>> -> memref<64x128xf32, #tpu.memory_space<vmem_shared>>
      tpu.wait_dma2 semaphore(%run_scoped3A : memref<!tpu.dma_semaphore, #tpu.memory_space<semaphore_mem>>) src(%arg9 : memref<64x128xf32, #tpu.memory_space<vmem>>) dst(%dma_wait3A_123 : memref<64x128xf32, #tpu.memory_space<vmem_shared>>)
      tpu.yield
    }) : () -> ()
    "tpu.region"() ({
      %run_scoped3A = tpu.sem_alloc : memref<!tpu.dma_semaphore, #tpu.memory_space<semaphore_mem>>
      %dma_start3A = tpu.memref_slice %arg16[%mul3A_2] : memref<10240xf32, #tpu.memory_space<vmem_shared>> -> memref<640xf32, #tpu.memory_space<vmem_shared>>
      %dma_start3A_118 = tpu.memref_slice %arg16[%mul3A_2] : memref<10240xf32, #tpu.memory_space<vmem_shared>> -> memref<640xf32, #tpu.memory_space<vmem_shared>>
      tpu.enqueue_dma source(%arg14 : memref<640xf32, #tpu.memory_space<vmem>>) target(%dma_start3A_118 : memref<640xf32, #tpu.memory_space<vmem_shared>>) target_semaphore(%run_scoped3A : memref<!tpu.dma_semaphore, #tpu.memory_space<semaphore_mem>>)
      %dma_wait3A = tpu.memref_slice %arg16[%mul3A_2] : memref<10240xf32, #tpu.memory_space<vmem_shared>> -> memref<640xf32, #tpu.memory_space<vmem_shared>>
      %dma_wait3A_119 = tpu.memref_slice %arg16[%mul3A_2] : memref<10240xf32, #tpu.memory_space<vmem_shared>> -> memref<640xf32, #tpu.memory_space<vmem_shared>>
      tpu.wait_dma2 semaphore(%run_scoped3A : memref<!tpu.dma_semaphore, #tpu.memory_space<semaphore_mem>>) src(%arg14 : memref<640xf32, #tpu.memory_space<vmem>>) dst(%dma_wait3A_119 : memref<640xf32, #tpu.memory_space<vmem_shared>>)
      tpu.yield
    }) : () -> ()
    %barrier3A = arith.constant 0 : index
    tpu.barrier barrier_id(%barrier3A)
    %scan3A_39 = arith.constant 0 : i32
    %scan3A_40 = arith.constant 10 : i32
    %scan3A_41 = arith.addi %scan3A_39, %scan3A_40 : i32
    %scan3A_42 = arith.constant 1 : i32
    scf.for %scan3A_118 = %scan3A_39 to %scan3A_41 step %scan3A_42  : i32 {
      %mul3A_119 = arith.constant 16 : i32
      %mul3A_120 = arith.muli %scan3A_118, %mul3A_119 : i32
      %add3A_121 = arith.addi %mul3A_4, %mul3A_120 : i32
      "tpu.region"() ({
        %run_scoped3A_378 = tpu.sem_alloc : memref<!tpu.dma_semaphore, #tpu.memory_space<semaphore_mem>>
        %dma_start3A_379 = arith.constant 0 : i32
        %dma_start3A_380 = tpu.memref_slice %arg3[%add3A_121, %dma_start3A_379] : memref<5120x64xi32, #tpu.memory_space<hbm>> -> memref<16x64xi32, #tpu.memory_space<hbm>>
        %dma_start3A_381 = arith.constant 0 : i32
        %dma_start3A_382 = tpu.memref_slice %arg3[%add3A_121, %dma_start3A_381] : memref<5120x64xi32, #tpu.memory_space<hbm>> -> memref<16x64xi32, #tpu.memory_space<hbm>>
        tpu.enqueue_dma source(%dma_start3A_382 : memref<16x64xi32, #tpu.memory_space<hbm>>) target(%arg7 : memref<16x64xi32, #tpu.memory_space<vmem>>) target_semaphore(%run_scoped3A_378 : memref<!tpu.dma_semaphore, #tpu.memory_space<semaphore_mem>>)
        %dma_wait3A_383 = arith.constant 0 : i32
        %dma_wait3A_384 = tpu.memref_slice %arg3[%add3A_121, %dma_wait3A_383] : memref<5120x64xi32, #tpu.memory_space<hbm>> -> memref<16x64xi32, #tpu.memory_space<hbm>>
        %dma_wait3A_385 = arith.constant 0 : i32
        %dma_wait3A_386 = tpu.memref_slice %arg3[%add3A_121, %dma_wait3A_385] : memref<5120x64xi32, #tpu.memory_space<hbm>> -> memref<16x64xi32, #tpu.memory_space<hbm>>
        tpu.wait_dma2 semaphore(%run_scoped3A_378 : memref<!tpu.dma_semaphore, #tpu.memory_space<semaphore_mem>>) src(%dma_wait3A_386 : memref<16x64xi32, #tpu.memory_space<hbm>>) dst(%arg7 : memref<16x64xi32, #tpu.memory_space<vmem>>)
        tpu.yield
      }) : () -> ()
      %mul3A_122 = arith.constant 16 : i32
      %mul3A_123 = arith.muli %scan3A_118, %mul3A_122 : i32
      %add3A_124 = arith.addi %mul3A_4, %mul3A_123 : i32
      "tpu.region"() ({
        %run_scoped3A_378 = tpu.sem_alloc : memref<!tpu.dma_semaphore, #tpu.memory_space<semaphore_mem>>
        %dma_start3A_379 = arith.constant 0 : i32
        %dma_start3A_380 = tpu.memref_slice %arg4[%add3A_124, %dma_start3A_379] : memref<5120x64xi32, #tpu.memory_space<hbm>> -> memref<16x64xi32, #tpu.memory_space<hbm>>
        %dma_start3A_381 = arith.constant 0 : i32
        %dma_start3A_382 = tpu.memref_slice %arg4[%add3A_124, %dma_start3A_381] : memref<5120x64xi32, #tpu.memory_space<hbm>> -> memref<16x64xi32, #tpu.memory_space<hbm>>
        tpu.enqueue_dma source(%dma_start3A_382 : memref<16x64xi32, #tpu.memory_space<hbm>>) target(%arg8 : memref<16x64xi32, #tpu.memory_space<vmem>>) target_semaphore(%run_scoped3A_378 : memref<!tpu.dma_semaphore, #tpu.memory_space<semaphore_mem>>)
        %dma_wait3A_383 = arith.constant 0 : i32
        %dma_wait3A_384 = tpu.memref_slice %arg4[%add3A_124, %dma_wait3A_383] : memref<5120x64xi32, #tpu.memory_space<hbm>> -> memref<16x64xi32, #tpu.memory_space<hbm>>
        %dma_wait3A_385 = arith.constant 0 : i32
        %dma_wait3A_386 = tpu.memref_slice %arg4[%add3A_124, %dma_wait3A_385] : memref<5120x64xi32, #tpu.memory_space<hbm>> -> memref<16x64xi32, #tpu.memory_space<hbm>>
        tpu.wait_dma2 semaphore(%run_scoped3A_378 : memref<!tpu.dma_semaphore, #tpu.memory_space<semaphore_mem>>) src(%dma_wait3A_386 : memref<16x64xi32, #tpu.memory_space<hbm>>) dst(%arg8 : memref<16x64xi32, #tpu.memory_space<vmem>>)
        tpu.yield
      }) : () -> ()
      %dma_start3A = arith.constant 0 : i32
      %dma_start3A_125 = arith.constant 0 : i32
      %dma_start3A_126 = tpu.memref_slice %arg7[%dma_start3A, %dma_start3A_125] : memref<16x64xi32, #tpu.memory_space<vmem>> -> memref<1x64xi32, #tpu.memory_space<vmem>>
      %dma_start3A_127 = tpu.memref_squeeze %dma_start3A_126 : memref<1x64xi32, #tpu.memory_space<vmem>> -> memref<64xi32, #tpu.memory_space<vmem>>
      %dma_start3A_128 = arith.constant 0 : i32
      %dma_start3A_129 = arith.constant 0 : i32
      %dma_start3A_130 = tpu.memref_slice %arg2[%dma_start3A_128, %dma_start3A_129] : memref<10000x128xf32, #tpu.memory_space<hbm>> -> memref<10000x128xf32, #tpu.memory_space<hbm>>
      tpu.enqueue_indirect_dma source(%dma_start3A_130 : memref<10000x128xf32, #tpu.memory_space<hbm>>) target(%arg9 : memref<64x128xf32, #tpu.memory_space<vmem>>) offsets(%dma_start3A_127 : memref<64xi32, #tpu.memory_space<vmem>>) semaphore(%arg17 : memref<!tpu.dma_semaphore, #tpu.memory_space<semaphore_mem>>)
      %dma_start3A_131 = arith.constant 1 : i32
      %dma_start3A_132 = arith.constant 0 : i32
      %dma_start3A_133 = tpu.memref_slice %arg7[%dma_start3A_131, %dma_start3A_132] : memref<16x64xi32, #tpu.memory_space<vmem>> -> memref<1x64xi32, #tpu.memory_space<vmem>>
      %dma_start3A_134 = tpu.memref_squeeze %dma_start3A_133 : memref<1x64xi32, #tpu.memory_space<vmem>> -> memref<64xi32, #tpu.memory_space<vmem>>
      %dma_start3A_135 = arith.constant 0 : i32
      %dma_start3A_136 = arith.constant 0 : i32
      %dma_start3A_137 = tpu.memref_slice %arg2[%dma_start3A_135, %dma_start3A_136] : memref<10000x128xf32, #tpu.memory_space<hbm>> -> memref<10000x128xf32, #tpu.memory_space<hbm>>
      tpu.enqueue_indirect_dma source(%dma_start3A_137 : memref<10000x128xf32, #tpu.memory_space<hbm>>) target(%arg10 : memref<64x128xf32, #tpu.memory_space<vmem>>) offsets(%dma_start3A_134 : memref<64xi32, #tpu.memory_space<vmem>>) semaphore(%arg18 : memref<!tpu.dma_semaphore, #tpu.memory_space<semaphore_mem>>)
      %dma_start3A_138 = arith.constant 2 : i32
      %dma_start3A_139 = arith.constant 0 : i32
      %dma_start3A_140 = tpu.memref_slice %arg7[%dma_start3A_138, %dma_start3A_139] : memref<16x64xi32, #tpu.memory_space<vmem>> -> memref<1x64xi32, #tpu.memory_space<vmem>>
      %dma_start3A_141 = tpu.memref_squeeze %dma_start3A_140 : memref<1x64xi32, #tpu.memory_space<vmem>> -> memref<64xi32, #tpu.memory_space<vmem>>
      %dma_start3A_142 = arith.constant 0 : i32
      %dma_start3A_143 = arith.constant 0 : i32
      %dma_start3A_144 = tpu.memref_slice %arg2[%dma_start3A_142, %dma_start3A_143] : memref<10000x128xf32, #tpu.memory_space<hbm>> -> memref<10000x128xf32, #tpu.memory_space<hbm>>
      tpu.enqueue_indirect_dma source(%dma_start3A_144 : memref<10000x128xf32, #tpu.memory_space<hbm>>) target(%arg11 : memref<64x128xf32, #tpu.memory_space<vmem>>) offsets(%dma_start3A_141 : memref<64xi32, #tpu.memory_space<vmem>>) semaphore(%arg19 : memref<!tpu.dma_semaphore, #tpu.memory_space<semaphore_mem>>)
      %dma_start3A_145 = arith.constant 3 : i32
      %dma_start3A_146 = arith.constant 0 : i32
      %dma_start3A_147 = tpu.memref_slice %arg7[%dma_start3A_145, %dma_start3A_146] : memref<16x64xi32, #tpu.memory_space<vmem>> -> memref<1x64xi32, #tpu.memory_space<vmem>>
      %dma_start3A_148 = tpu.memref_squeeze %dma_start3A_147 : memref<1x64xi32, #tpu.memory_space<vmem>> -> memref<64xi32, #tpu.memory_space<vmem>>
      %dma_start3A_149 = arith.constant 0 : i32
      %dma_start3A_150 = arith.constant 0 : i32
      %dma_start3A_151 = tpu.memref_slice %arg2[%dma_start3A_149, %dma_start3A_150] : memref<10000x128xf32, #tpu.memory_space<hbm>> -> memref<10000x128xf32, #tpu.memory_space<hbm>>
      tpu.enqueue_indirect_dma source(%dma_start3A_151 : memref<10000x128xf32, #tpu.memory_space<hbm>>) target(%arg12 : memref<64x128xf32, #tpu.memory_space<vmem>>) offsets(%dma_start3A_148 : memref<64xi32, #tpu.memory_space<vmem>>) semaphore(%arg20 : memref<!tpu.dma_semaphore, #tpu.memory_space<semaphore_mem>>)
      %dma_wait3A = arith.constant 0 : i32
      %dma_wait3A_152 = arith.constant 0 : i32
      %dma_wait3A_153 = tpu.memref_slice %arg7[%dma_wait3A, %dma_wait3A_152] : memref<16x64xi32, #tpu.memory_space<vmem>> -> memref<1x64xi32, #tpu.memory_space<vmem>>
      %dma_wait3A_154 = tpu.memref_squeeze %dma_wait3A_153 : memref<1x64xi32, #tpu.memory_space<vmem>> -> memref<64xi32, #tpu.memory_space<vmem>>
      %dma_wait3A_155 = arith.constant 0 : i32
      %dma_wait3A_156 = arith.constant 0 : i32
      %dma_wait3A_157 = tpu.memref_slice %arg2[%dma_wait3A_155, %dma_wait3A_156] : memref<10000x128xf32, #tpu.memory_space<hbm>> -> memref<10000x128xf32, #tpu.memory_space<hbm>>
      tpu.wait_indirect_dma semaphore(%arg17 : memref<!tpu.dma_semaphore, #tpu.memory_space<semaphore_mem>>) src(%dma_wait3A_157 : memref<10000x128xf32, #tpu.memory_space<hbm>>) dst(%arg9 : memref<64x128xf32, #tpu.memory_space<vmem>>)
      %run_scoped3A = arith.constant 0 : i32
      "tpu.region"() ({
        %run_scoped3A_378 = tpu.sem_alloc : memref<!tpu.dma_semaphore, #tpu.memory_space<semaphore_mem>>
        %dma_start3A_379 = arith.constant 0 : i32
        %dma_start3A_380 = tpu.memref_slice %arg8[%run_scoped3A, %dma_start3A_379] : memref<16x64xi32, #tpu.memory_space<vmem>> -> memref<1x64xi32, #tpu.memory_space<vmem>>
        %dma_start3A_381 = tpu.memref_squeeze %dma_start3A_380 : memref<1x64xi32, #tpu.memory_space<vmem>> -> memref<64xi32, #tpu.memory_space<vmem>>
        %dma_start3A_382 = arith.constant 0 : i32
        %dma_start3A_383 = arith.constant 0 : i32
        %dma_start3A_384 = tpu.memref_slice %arg15[%dma_start3A_382, %dma_start3A_383] : memref<10240x128xf32, #tpu.memory_space<vmem_shared>> -> memref<10240x128xf32, #tpu.memory_space<vmem_shared>>
        tpu.enqueue_indirect_dma source(%arg9 : memref<64x128xf32, #tpu.memory_space<vmem>>) target(%dma_start3A_384 : memref<10240x128xf32, #tpu.memory_space<vmem_shared>>) offsets(%dma_start3A_381 : memref<64xi32, #tpu.memory_space<vmem>>) semaphore(%run_scoped3A_378 : memref<!tpu.dma_semaphore, #tpu.memory_space<semaphore_mem>>) {add = true}
        %dma_wait3A_385 = arith.constant 0 : i32
        %dma_wait3A_386 = tpu.memref_slice %arg8[%run_scoped3A, %dma_wait3A_385] : memref<16x64xi32, #tpu.memory_space<vmem>> -> memref<1x64xi32, #tpu.memory_space<vmem>>
        %dma_wait3A_387 = tpu.memref_squeeze %dma_wait3A_386 : memref<1x64xi32, #tpu.memory_space<vmem>> -> memref<64xi32, #tpu.memory_space<vmem>>
        %dma_wait3A_388 = arith.constant 0 : i32
        %dma_wait3A_389 = arith.constant 0 : i32
        %dma_wait3A_390 = tpu.memref_slice %arg15[%dma_wait3A_388, %dma_wait3A_389] : memref<10240x128xf32, #tpu.memory_space<vmem_shared>> -> memref<10240x128xf32, #tpu.memory_space<vmem_shared>>
        tpu.wait_indirect_dma semaphore(%run_scoped3A_378 : memref<!tpu.dma_semaphore, #tpu.memory_space<semaphore_mem>>) src(%arg9 : memref<64x128xf32, #tpu.memory_space<vmem>>) dst(%dma_wait3A_390 : memref<10240x128xf32, #tpu.memory_space<vmem_shared>>)
        tpu.yield
      }) : () -> ()
      %run_scoped3A_158 = arith.constant 0 : i32
      "tpu.region"() ({
        %run_scoped3A_378 = tpu.sem_alloc : memref<!tpu.dma_semaphore, #tpu.memory_space<semaphore_mem>>
        %dma_start3A_379 = arith.constant 0 : i32
        %dma_start3A_380 = tpu.memref_slice %arg8[%run_scoped3A_158, %dma_start3A_379] : memref<16x64xi32, #tpu.memory_space<vmem>> -> memref<1x64xi32, #tpu.memory_space<vmem>>
        %dma_start3A_381 = tpu.memref_squeeze %dma_start3A_380 : memref<1x64xi32, #tpu.memory_space<vmem>> -> memref<64xi32, #tpu.memory_space<vmem>>
        %dma_start3A_382 = arith.constant 0 : i32
        %dma_start3A_383 = tpu.memref_slice %arg16[%dma_start3A_382] : memref<10240xf32, #tpu.memory_space<vmem_shared>> -> memref<10240xf32, #tpu.memory_space<vmem_shared>>
        tpu.enqueue_indirect_dma source(%arg13 : memref<64xf32, #tpu.memory_space<vmem>>) target(%dma_start3A_383 : memref<10240xf32, #tpu.memory_space<vmem_shared>>) offsets(%dma_start3A_381 : memref<64xi32, #tpu.memory_space<vmem>>) semaphore(%run_scoped3A_378 : memref<!tpu.dma_semaphore, #tpu.memory_space<semaphore_mem>>) {add = true}
        %dma_wait3A_384 = arith.constant 0 : i32
        %dma_wait3A_385 = tpu.memref_slice %arg8[%run_scoped3A_158, %dma_wait3A_384] : memref<16x64xi32, #tpu.memory_space<vmem>> -> memref<1x64xi32, #tpu.memory_space<vmem>>
        %dma_wait3A_386 = tpu.memref_squeeze %dma_wait3A_385 : memref<1x64xi32, #tpu.memory_space<vmem>> -> memref<64xi32, #tpu.memory_space<vmem>>
        %dma_wait3A_387 = arith.constant 0 : i32
        %dma_wait3A_388 = tpu.memref_slice %arg16[%dma_wait3A_387] : memref<10240xf32, #tpu.memory_space<vmem_shared>> -> memref<10240xf32, #tpu.memory_space<vmem_shared>>
        tpu.wait_indirect_dma semaphore(%run_scoped3A_378 : memref<!tpu.dma_semaphore, #tpu.memory_space<semaphore_mem>>) src(%arg13 : memref<64xf32, #tpu.memory_space<vmem>>) dst(%dma_wait3A_388 : memref<10240xf32, #tpu.memory_space<vmem_shared>>)
        tpu.yield
      }) : () -> ()
      %dma_start3A_159 = arith.constant 4 : i32
      %dma_start3A_160 = arith.constant 0 : i32
      %dma_start3A_161 = tpu.memref_slice %arg7[%dma_start3A_159, %dma_start3A_160] : memref<16x64xi32, #tpu.memory_space<vmem>> -> memref<1x64xi32, #tpu.memory_space<vmem>>
      %dma_start3A_162 = tpu.memref_squeeze %dma_start3A_161 : memref<1x64xi32, #tpu.memory_space<vmem>> -> memref<64xi32, #tpu.memory_space<vmem>>
      %dma_start3A_163 = arith.constant 0 : i32
      %dma_start3A_164 = arith.constant 0 : i32
      %dma_start3A_165 = tpu.memref_slice %arg2[%dma_start3A_163, %dma_start3A_164] : memref<10000x128xf32, #tpu.memory_space<hbm>> -> memref<10000x128xf32, #tpu.memory_space<hbm>>
      tpu.enqueue_indirect_dma source(%dma_start3A_165 : memref<10000x128xf32, #tpu.memory_space<hbm>>) target(%arg9 : memref<64x128xf32, #tpu.memory_space<vmem>>) offsets(%dma_start3A_162 : memref<64xi32, #tpu.memory_space<vmem>>) semaphore(%arg17 : memref<!tpu.dma_semaphore, #tpu.memory_space<semaphore_mem>>)
      %dma_wait3A_166 = arith.constant 1 : i32
      %dma_wait3A_167 = arith.constant 0 : i32
      %dma_wait3A_168 = tpu.memref_slice %arg7[%dma_wait3A_166, %dma_wait3A_167] : memref<16x64xi32, #tpu.memory_space<vmem>> -> memref<1x64xi32, #tpu.memory_space<vmem>>
      %dma_wait3A_169 = tpu.memref_squeeze %dma_wait3A_168 : memref<1x64xi32, #tpu.memory_space<vmem>> -> memref<64xi32, #tpu.memory_space<vmem>>
      %dma_wait3A_170 = arith.constant 0 : i32
      %dma_wait3A_171 = arith.constant 0 : i32
      %dma_wait3A_172 = tpu.memref_slice %arg2[%dma_wait3A_170, %dma_wait3A_171] : memref<10000x128xf32, #tpu.memory_space<hbm>> -> memref<10000x128xf32, #tpu.memory_space<hbm>>
      tpu.wait_indirect_dma semaphore(%arg18 : memref<!tpu.dma_semaphore, #tpu.memory_space<semaphore_mem>>) src(%dma_wait3A_172 : memref<10000x128xf32, #tpu.memory_space<hbm>>) dst(%arg10 : memref<64x128xf32, #tpu.memory_space<vmem>>)
      %run_scoped3A_173 = arith.constant 1 : i32
      "tpu.region"() ({
        %run_scoped3A_378 = tpu.sem_alloc : memref<!tpu.dma_semaphore, #tpu.memory_space<semaphore_mem>>
        %dma_start3A_379 = arith.constant 0 : i32
        %dma_start3A_380 = tpu.memref_slice %arg8[%run_scoped3A_173, %dma_start3A_379] : memref<16x64xi32, #tpu.memory_space<vmem>> -> memref<1x64xi32, #tpu.memory_space<vmem>>
        %dma_start3A_381 = tpu.memref_squeeze %dma_start3A_380 : memref<1x64xi32, #tpu.memory_space<vmem>> -> memref<64xi32, #tpu.memory_space<vmem>>
        %dma_start3A_382 = arith.constant 0 : i32
        %dma_start3A_383 = arith.constant 0 : i32
        %dma_start3A_384 = tpu.memref_slice %arg15[%dma_start3A_382, %dma_start3A_383] : memref<10240x128xf32, #tpu.memory_space<vmem_shared>> -> memref<10240x128xf32, #tpu.memory_space<vmem_shared>>
        tpu.enqueue_indirect_dma source(%arg10 : memref<64x128xf32, #tpu.memory_space<vmem>>) target(%dma_start3A_384 : memref<10240x128xf32, #tpu.memory_space<vmem_shared>>) offsets(%dma_start3A_381 : memref<64xi32, #tpu.memory_space<vmem>>) semaphore(%run_scoped3A_378 : memref<!tpu.dma_semaphore, #tpu.memory_space<semaphore_mem>>) {add = true}
        %dma_wait3A_385 = arith.constant 0 : i32
        %dma_wait3A_386 = tpu.memref_slice %arg8[%run_scoped3A_173, %dma_wait3A_385] : memref<16x64xi32, #tpu.memory_space<vmem>> -> memref<1x64xi32, #tpu.memory_space<vmem>>
        %dma_wait3A_387 = tpu.memref_squeeze %dma_wait3A_386 : memref<1x64xi32, #tpu.memory_space<vmem>> -> memref<64xi32, #tpu.memory_space<vmem>>
        %dma_wait3A_388 = arith.constant 0 : i32
        %dma_wait3A_389 = arith.constant 0 : i32
        %dma_wait3A_390 = tpu.memref_slice %arg15[%dma_wait3A_388, %dma_wait3A_389] : memref<10240x128xf32, #tpu.memory_space<vmem_shared>> -> memref<10240x128xf32, #tpu.memory_space<vmem_shared>>
        tpu.wait_indirect_dma semaphore(%run_scoped3A_378 : memref<!tpu.dma_semaphore, #tpu.memory_space<semaphore_mem>>) src(%arg10 : memref<64x128xf32, #tpu.memory_space<vmem>>) dst(%dma_wait3A_390 : memref<10240x128xf32, #tpu.memory_space<vmem_shared>>)
        tpu.yield
      }) : () -> ()
      %run_scoped3A_174 = arith.constant 1 : i32
      "tpu.region"() ({
        %run_scoped3A_378 = tpu.sem_alloc : memref<!tpu.dma_semaphore, #tpu.memory_space<semaphore_mem>>
        %dma_start3A_379 = arith.constant 0 : i32
        %dma_start3A_380 = tpu.memref_slice %arg8[%run_scoped3A_174, %dma_start3A_379] : memref<16x64xi32, #tpu.memory_space<vmem>> -> memref<1x64xi32, #tpu.memory_space<vmem>>
        %dma_start3A_381 = tpu.memref_squeeze %dma_start3A_380 : memref<1x64xi32, #tpu.memory_space<vmem>> -> memref<64xi32, #tpu.memory_space<vmem>>
        %dma_start3A_382 = arith.constant 0 : i32
        %dma_start3A_383 = tpu.memref_slice %arg16[%dma_start3A_382] : memref<10240xf32, #tpu.memory_space<vmem_shared>> -> memref<10240xf32, #tpu.memory_space<vmem_shared>>
        tpu.enqueue_indirect_dma source(%arg13 : memref<64xf32, #tpu.memory_space<vmem>>) target(%dma_start3A_383 : memref<10240xf32, #tpu.memory_space<vmem_shared>>) offsets(%dma_start3A_381 : memref<64xi32, #tpu.memory_space<vmem>>) semaphore(%run_scoped3A_378 : memref<!tpu.dma_semaphore, #tpu.memory_space<semaphore_mem>>) {add = true}
        %dma_wait3A_384 = arith.constant 0 : i32
        %dma_wait3A_385 = tpu.memref_slice %arg8[%run_scoped3A_174, %dma_wait3A_384] : memref<16x64xi32, #tpu.memory_space<vmem>> -> memref<1x64xi32, #tpu.memory_space<vmem>>
        %dma_wait3A_386 = tpu.memref_squeeze %dma_wait3A_385 : memref<1x64xi32, #tpu.memory_space<vmem>> -> memref<64xi32, #tpu.memory_space<vmem>>
        %dma_wait3A_387 = arith.constant 0 : i32
        %dma_wait3A_388 = tpu.memref_slice %arg16[%dma_wait3A_387] : memref<10240xf32, #tpu.memory_space<vmem_shared>> -> memref<10240xf32, #tpu.memory_space<vmem_shared>>
        tpu.wait_indirect_dma semaphore(%run_scoped3A_378 : memref<!tpu.dma_semaphore, #tpu.memory_space<semaphore_mem>>) src(%arg13 : memref<64xf32, #tpu.memory_space<vmem>>) dst(%dma_wait3A_388 : memref<10240xf32, #tpu.memory_space<vmem_shared>>)
        tpu.yield
      }) : () -> ()
      %dma_start3A_175 = arith.constant 5 : i32
      %dma_start3A_176 = arith.constant 0 : i32
      %dma_start3A_177 = tpu.memref_slice %arg7[%dma_start3A_175, %dma_start3A_176] : memref<16x64xi32, #tpu.memory_space<vmem>> -> memref<1x64xi32, #tpu.memory_space<vmem>>
      %dma_start3A_178 = tpu.memref_squeeze %dma_start3A_177 : memref<1x64xi32, #tpu.memory_space<vmem>> -> memref<64xi32, #tpu.memory_space<vmem>>
      %dma_start3A_179 = arith.constant 0 : i32
      %dma_start3A_180 = arith.constant 0 : i32
      %dma_start3A_181 = tpu.memref_slice %arg2[%dma_start3A_179, %dma_start3A_180] : memref<10000x128xf32, #tpu.memory_space<hbm>> -> memref<10000x128xf32, #tpu.memory_space<hbm>>
      tpu.enqueue_indirect_dma source(%dma_start3A_181 : memref<10000x128xf32, #tpu.memory_space<hbm>>) target(%arg10 : memref<64x128xf32, #tpu.memory_space<vmem>>) offsets(%dma_start3A_178 : memref<64xi32, #tpu.memory_space<vmem>>) semaphore(%arg18 : memref<!tpu.dma_semaphore, #tpu.memory_space<semaphore_mem>>)
      %dma_wait3A_182 = arith.constant 2 : i32
      %dma_wait3A_183 = arith.constant 0 : i32
      %dma_wait3A_184 = tpu.memref_slice %arg7[%dma_wait3A_182, %dma_wait3A_183] : memref<16x64xi32, #tpu.memory_space<vmem>> -> memref<1x64xi32, #tpu.memory_space<vmem>>
      %dma_wait3A_185 = tpu.memref_squeeze %dma_wait3A_184 : memref<1x64xi32, #tpu.memory_space<vmem>> -> memref<64xi32, #tpu.memory_space<vmem>>
      %dma_wait3A_186 = arith.constant 0 : i32
      %dma_wait3A_187 = arith.constant 0 : i32
      %dma_wait3A_188 = tpu.memref_slice %arg2[%dma_wait3A_186, %dma_wait3A_187] : memref<10000x128xf32, #tpu.memory_space<hbm>> -> memref<10000x128xf32, #tpu.memory_space<hbm>>
      tpu.wait_indirect_dma semaphore(%arg19 : memref<!tpu.dma_semaphore, #tpu.memory_space<semaphore_mem>>) src(%dma_wait3A_188 : memref<10000x128xf32, #tpu.memory_space<hbm>>) dst(%arg11 : memref<64x128xf32, #tpu.memory_space<vmem>>)
      %run_scoped3A_189 = arith.constant 2 : i32
      "tpu.region"() ({
        %run_scoped3A_378 = tpu.sem_alloc : memref<!tpu.dma_semaphore, #tpu.memory_space<semaphore_mem>>
        %dma_start3A_379 = arith.constant 0 : i32
        %dma_start3A_380 = tpu.memref_slice %arg8[%run_scoped3A_189, %dma_start3A_379] : memref<16x64xi32, #tpu.memory_space<vmem>> -> memref<1x64xi32, #tpu.memory_space<vmem>>
        %dma_start3A_381 = tpu.memref_squeeze %dma_start3A_380 : memref<1x64xi32, #tpu.memory_space<vmem>> -> memref<64xi32, #tpu.memory_space<vmem>>
        %dma_start3A_382 = arith.constant 0 : i32
        %dma_start3A_383 = arith.constant 0 : i32
        %dma_start3A_384 = tpu.memref_slice %arg15[%dma_start3A_382, %dma_start3A_383] : memref<10240x128xf32, #tpu.memory_space<vmem_shared>> -> memref<10240x128xf32, #tpu.memory_space<vmem_shared>>
        tpu.enqueue_indirect_dma source(%arg11 : memref<64x128xf32, #tpu.memory_space<vmem>>) target(%dma_start3A_384 : memref<10240x128xf32, #tpu.memory_space<vmem_shared>>) offsets(%dma_start3A_381 : memref<64xi32, #tpu.memory_space<vmem>>) semaphore(%run_scoped3A_378 : memref<!tpu.dma_semaphore, #tpu.memory_space<semaphore_mem>>) {add = true}
        %dma_wait3A_385 = arith.constant 0 : i32
        %dma_wait3A_386 = tpu.memref_slice %arg8[%run_scoped3A_189, %dma_wait3A_385] : memref<16x64xi32, #tpu.memory_space<vmem>> -> memref<1x64xi32, #tpu.memory_space<vmem>>
        %dma_wait3A_387 = tpu.memref_squeeze %dma_wait3A_386 : memref<1x64xi32, #tpu.memory_space<vmem>> -> memref<64xi32, #tpu.memory_space<vmem>>
        %dma_wait3A_388 = arith.constant 0 : i32
        %dma_wait3A_389 = arith.constant 0 : i32
        %dma_wait3A_390 = tpu.memref_slice %arg15[%dma_wait3A_388, %dma_wait3A_389] : memref<10240x128xf32, #tpu.memory_space<vmem_shared>> -> memref<10240x128xf32, #tpu.memory_space<vmem_shared>>
        tpu.wait_indirect_dma semaphore(%run_scoped3A_378 : memref<!tpu.dma_semaphore, #tpu.memory_space<semaphore_mem>>) src(%arg11 : memref<64x128xf32, #tpu.memory_space<vmem>>) dst(%dma_wait3A_390 : memref<10240x128xf32, #tpu.memory_space<vmem_shared>>)
        tpu.yield
      }) : () -> ()
      %run_scoped3A_190 = arith.constant 2 : i32
      "tpu.region"() ({
        %run_scoped3A_378 = tpu.sem_alloc : memref<!tpu.dma_semaphore, #tpu.memory_space<semaphore_mem>>
        %dma_start3A_379 = arith.constant 0 : i32
        %dma_start3A_380 = tpu.memref_slice %arg8[%run_scoped3A_190, %dma_start3A_379] : memref<16x64xi32, #tpu.memory_space<vmem>> -> memref<1x64xi32, #tpu.memory_space<vmem>>
        %dma_start3A_381 = tpu.memref_squeeze %dma_start3A_380 : memref<1x64xi32, #tpu.memory_space<vmem>> -> memref<64xi32, #tpu.memory_space<vmem>>
        %dma_start3A_382 = arith.constant 0 : i32
        %dma_start3A_383 = tpu.memref_slice %arg16[%dma_start3A_382] : memref<10240xf32, #tpu.memory_space<vmem_shared>> -> memref<10240xf32, #tpu.memory_space<vmem_shared>>
        tpu.enqueue_indirect_dma source(%arg13 : memref<64xf32, #tpu.memory_space<vmem>>) target(%dma_start3A_383 : memref<10240xf32, #tpu.memory_space<vmem_shared>>) offsets(%dma_start3A_381 : memref<64xi32, #tpu.memory_space<vmem>>) semaphore(%run_scoped3A_378 : memref<!tpu.dma_semaphore, #tpu.memory_space<semaphore_mem>>) {add = true}
        %dma_wait3A_384 = arith.constant 0 : i32
        %dma_wait3A_385 = tpu.memref_slice %arg8[%run_scoped3A_190, %dma_wait3A_384] : memref<16x64xi32, #tpu.memory_space<vmem>> -> memref<1x64xi32, #tpu.memory_space<vmem>>
        %dma_wait3A_386 = tpu.memref_squeeze %dma_wait3A_385 : memref<1x64xi32, #tpu.memory_space<vmem>> -> memref<64xi32, #tpu.memory_space<vmem>>
        %dma_wait3A_387 = arith.constant 0 : i32
        %dma_wait3A_388 = tpu.memref_slice %arg16[%dma_wait3A_387] : memref<10240xf32, #tpu.memory_space<vmem_shared>> -> memref<10240xf32, #tpu.memory_space<vmem_shared>>
        tpu.wait_indirect_dma semaphore(%run_scoped3A_378 : memref<!tpu.dma_semaphore, #tpu.memory_space<semaphore_mem>>) src(%arg13 : memref<64xf32, #tpu.memory_space<vmem>>) dst(%dma_wait3A_388 : memref<10240xf32, #tpu.memory_space<vmem_shared>>)
        tpu.yield
      }) : () -> ()
      %dma_start3A_191 = arith.constant 6 : i32
      %dma_start3A_192 = arith.constant 0 : i32
      %dma_start3A_193 = tpu.memref_slice %arg7[%dma_start3A_191, %dma_start3A_192] : memref<16x64xi32, #tpu.memory_space<vmem>> -> memref<1x64xi32, #tpu.memory_space<vmem>>
      %dma_start3A_194 = tpu.memref_squeeze %dma_start3A_193 : memref<1x64xi32, #tpu.memory_space<vmem>> -> memref<64xi32, #tpu.memory_space<vmem>>
      %dma_start3A_195 = arith.constant 0 : i32
      %dma_start3A_196 = arith.constant 0 : i32
      %dma_start3A_197 = tpu.memref_slice %arg2[%dma_start3A_195, %dma_start3A_196] : memref<10000x128xf32, #tpu.memory_space<hbm>> -> memref<10000x128xf32, #tpu.memory_space<hbm>>
      tpu.enqueue_indirect_dma source(%dma_start3A_197 : memref<10000x128xf32, #tpu.memory_space<hbm>>) target(%arg11 : memref<64x128xf32, #tpu.memory_space<vmem>>) offsets(%dma_start3A_194 : memref<64xi32, #tpu.memory_space<vmem>>) semaphore(%arg19 : memref<!tpu.dma_semaphore, #tpu.memory_space<semaphore_mem>>)
      %dma_wait3A_198 = arith.constant 3 : i32
      %dma_wait3A_199 = arith.constant 0 : i32
      %dma_wait3A_200 = tpu.memref_slice %arg7[%dma_wait3A_198, %dma_wait3A_199] : memref<16x64xi32, #tpu.memory_space<vmem>> -> memref<1x64xi32, #tpu.memory_space<vmem>>
      %dma_wait3A_201 = tpu.memref_squeeze %dma_wait3A_200 : memref<1x64xi32, #tpu.memory_space<vmem>> -> memref<64xi32, #tpu.memory_space<vmem>>
      %dma_wait3A_202 = arith.constant 0 : i32
      %dma_wait3A_203 = arith.constant 0 : i32
      %dma_wait3A_204 = tpu.memref_slice %arg2[%dma_wait3A_202, %dma_wait3A_203] : memref<10000x128xf32, #tpu.memory_space<hbm>> -> memref<10000x128xf32, #tpu.memory_space<hbm>>
      tpu.wait_indirect_dma semaphore(%arg20 : memref<!tpu.dma_semaphore, #tpu.memory_space<semaphore_mem>>) src(%dma_wait3A_204 : memref<10000x128xf32, #tpu.memory_space<hbm>>) dst(%arg12 : memref<64x128xf32, #tpu.memory_space<vmem>>)
      %run_scoped3A_205 = arith.constant 3 : i32
      "tpu.region"() ({
        %run_scoped3A_378 = tpu.sem_alloc : memref<!tpu.dma_semaphore, #tpu.memory_space<semaphore_mem>>
        %dma_start3A_379 = arith.constant 0 : i32
        %dma_start3A_380 = tpu.memref_slice %arg8[%run_scoped3A_205, %dma_start3A_379] : memref<16x64xi32, #tpu.memory_space<vmem>> -> memref<1x64xi32, #tpu.memory_space<vmem>>
        %dma_start3A_381 = tpu.memref_squeeze %dma_start3A_380 : memref<1x64xi32, #tpu.memory_space<vmem>> -> memref<64xi32, #tpu.memory_space<vmem>>
        %dma_start3A_382 = arith.constant 0 : i32
        %dma_start3A_383 = arith.constant 0 : i32
        %dma_start3A_384 = tpu.memref_slice %arg15[%dma_start3A_382, %dma_start3A_383] : memref<10240x128xf32, #tpu.memory_space<vmem_shared>> -> memref<10240x128xf32, #tpu.memory_space<vmem_shared>>
        tpu.enqueue_indirect_dma source(%arg12 : memref<64x128xf32, #tpu.memory_space<vmem>>) target(%dma_start3A_384 : memref<10240x128xf32, #tpu.memory_space<vmem_shared>>) offsets(%dma_start3A_381 : memref<64xi32, #tpu.memory_space<vmem>>) semaphore(%run_scoped3A_378 : memref<!tpu.dma_semaphore, #tpu.memory_space<semaphore_mem>>) {add = true}
        %dma_wait3A_385 = arith.constant 0 : i32
        %dma_wait3A_386 = tpu.memref_slice %arg8[%run_scoped3A_205, %dma_wait3A_385] : memref<16x64xi32, #tpu.memory_space<vmem>> -> memref<1x64xi32, #tpu.memory_space<vmem>>
        %dma_wait3A_387 = tpu.memref_squeeze %dma_wait3A_386 : memref<1x64xi32, #tpu.memory_space<vmem>> -> memref<64xi32, #tpu.memory_space<vmem>>
        %dma_wait3A_388 = arith.constant 0 : i32
        %dma_wait3A_389 = arith.constant 0 : i32
        %dma_wait3A_390 = tpu.memref_slice %arg15[%dma_wait3A_388, %dma_wait3A_389] : memref<10240x128xf32, #tpu.memory_space<vmem_shared>> -> memref<10240x128xf32, #tpu.memory_space<vmem_shared>>
        tpu.wait_indirect_dma semaphore(%run_scoped3A_378 : memref<!tpu.dma_semaphore, #tpu.memory_space<semaphore_mem>>) src(%arg12 : memref<64x128xf32, #tpu.memory_space<vmem>>) dst(%dma_wait3A_390 : memref<10240x128xf32, #tpu.memory_space<vmem_shared>>)
        tpu.yield
      }) : () -> ()
      %run_scoped3A_206 = arith.constant 3 : i32
      "tpu.region"() ({
        %run_scoped3A_378 = tpu.sem_alloc : memref<!tpu.dma_semaphore, #tpu.memory_space<semaphore_mem>>
        %dma_start3A_379 = arith.constant 0 : i32
        %dma_start3A_380 = tpu.memref_slice %arg8[%run_scoped3A_206, %dma_start3A_379] : memref<16x64xi32, #tpu.memory_space<vmem>> -> memref<1x64xi32, #tpu.memory_space<vmem>>
        %dma_start3A_381 = tpu.memref_squeeze %dma_start3A_380 : memref<1x64xi32, #tpu.memory_space<vmem>> -> memref<64xi32, #tpu.memory_space<vmem>>
        %dma_start3A_382 = arith.constant 0 : i32
        %dma_start3A_383 = tpu.memref_slice %arg16[%dma_start3A_382] : memref<10240xf32, #tpu.memory_space<vmem_shared>> -> memref<10240xf32, #tpu.memory_space<vmem_shared>>
        tpu.enqueue_indirect_dma source(%arg13 : memref<64xf32, #tpu.memory_space<vmem>>) target(%dma_start3A_383 : memref<10240xf32, #tpu.memory_space<vmem_shared>>) offsets(%dma_start3A_381 : memref<64xi32, #tpu.memory_space<vmem>>) semaphore(%run_scoped3A_378 : memref<!tpu.dma_semaphore, #tpu.memory_space<semaphore_mem>>) {add = true}
        %dma_wait3A_384 = arith.constant 0 : i32
        %dma_wait3A_385 = tpu.memref_slice %arg8[%run_scoped3A_206, %dma_wait3A_384] : memref<16x64xi32, #tpu.memory_space<vmem>> -> memref<1x64xi32, #tpu.memory_space<vmem>>
        %dma_wait3A_386 = tpu.memref_squeeze %dma_wait3A_385 : memref<1x64xi32, #tpu.memory_space<vmem>> -> memref<64xi32, #tpu.memory_space<vmem>>
        %dma_wait3A_387 = arith.constant 0 : i32
        %dma_wait3A_388 = tpu.memref_slice %arg16[%dma_wait3A_387] : memref<10240xf32, #tpu.memory_space<vmem_shared>> -> memref<10240xf32, #tpu.memory_space<vmem_shared>>
        tpu.wait_indirect_dma semaphore(%run_scoped3A_378 : memref<!tpu.dma_semaphore, #tpu.memory_space<semaphore_mem>>) src(%arg13 : memref<64xf32, #tpu.memory_space<vmem>>) dst(%dma_wait3A_388 : memref<10240xf32, #tpu.memory_space<vmem_shared>>)
        tpu.yield
      }) : () -> ()
      %dma_start3A_207 = arith.constant 7 : i32
      %dma_start3A_208 = arith.constant 0 : i32
      %dma_start3A_209 = tpu.memref_slice %arg7[%dma_start3A_207, %dma_start3A_208] : memref<16x64xi32, #tpu.memory_space<vmem>> -> memref<1x64xi32, #tpu.memory_space<vmem>>
      %dma_start3A_210 = tpu.memref_squeeze %dma_start3A_209 : memref<1x64xi32, #tpu.memory_space<vmem>> -> memref<64xi32, #tpu.memory_space<vmem>>
      %dma_start3A_211 = arith.constant 0 : i32
      %dma_start3A_212 = arith.constant 0 : i32
      %dma_start3A_213 = tpu.memref_slice %arg2[%dma_start3A_211, %dma_start3A_212] : memref<10000x128xf32, #tpu.memory_space<hbm>> -> memref<10000x128xf32, #tpu.memory_space<hbm>>
      tpu.enqueue_indirect_dma source(%dma_start3A_213 : memref<10000x128xf32, #tpu.memory_space<hbm>>) target(%arg12 : memref<64x128xf32, #tpu.memory_space<vmem>>) offsets(%dma_start3A_210 : memref<64xi32, #tpu.memory_space<vmem>>) semaphore(%arg20 : memref<!tpu.dma_semaphore, #tpu.memory_space<semaphore_mem>>)
      %dma_wait3A_214 = arith.constant 4 : i32
      %dma_wait3A_215 = arith.constant 0 : i32
      %dma_wait3A_216 = tpu.memref_slice %arg7[%dma_wait3A_214, %dma_wait3A_215] : memref<16x64xi32, #tpu.memory_space<vmem>> -> memref<1x64xi32, #tpu.memory_space<vmem>>
      %dma_wait3A_217 = tpu.memref_squeeze %dma_wait3A_216 : memref<1x64xi32, #tpu.memory_space<vmem>> -> memref<64xi32, #tpu.memory_space<vmem>>
      %dma_wait3A_218 = arith.constant 0 : i32
      %dma_wait3A_219 = arith.constant 0 : i32
      %dma_wait3A_220 = tpu.memref_slice %arg2[%dma_wait3A_218, %dma_wait3A_219] : memref<10000x128xf32, #tpu.memory_space<hbm>> -> memref<10000x128xf32, #tpu.memory_space<hbm>>
      tpu.wait_indirect_dma semaphore(%arg17 : memref<!tpu.dma_semaphore, #tpu.memory_space<semaphore_mem>>) src(%dma_wait3A_220 : memref<10000x128xf32, #tpu.memory_space<hbm>>) dst(%arg9 : memref<64x128xf32, #tpu.memory_space<vmem>>)
      %run_scoped3A_221 = arith.constant 4 : i32
      "tpu.region"() ({
        %run_scoped3A_378 = tpu.sem_alloc : memref<!tpu.dma_semaphore, #tpu.memory_space<semaphore_mem>>
        %dma_start3A_379 = arith.constant 0 : i32
        %dma_start3A_380 = tpu.memref_slice %arg8[%run_scoped3A_221, %dma_start3A_379] : memref<16x64xi32, #tpu.memory_space<vmem>> -> memref<1x64xi32, #tpu.memory_space<vmem>>
        %dma_start3A_381 = tpu.memref_squeeze %dma_start3A_380 : memref<1x64xi32, #tpu.memory_space<vmem>> -> memref<64xi32, #tpu.memory_space<vmem>>
        %dma_start3A_382 = arith.constant 0 : i32
        %dma_start3A_383 = arith.constant 0 : i32
        %dma_start3A_384 = tpu.memref_slice %arg15[%dma_start3A_382, %dma_start3A_383] : memref<10240x128xf32, #tpu.memory_space<vmem_shared>> -> memref<10240x128xf32, #tpu.memory_space<vmem_shared>>
        tpu.enqueue_indirect_dma source(%arg9 : memref<64x128xf32, #tpu.memory_space<vmem>>) target(%dma_start3A_384 : memref<10240x128xf32, #tpu.memory_space<vmem_shared>>) offsets(%dma_start3A_381 : memref<64xi32, #tpu.memory_space<vmem>>) semaphore(%run_scoped3A_378 : memref<!tpu.dma_semaphore, #tpu.memory_space<semaphore_mem>>) {add = true}
        %dma_wait3A_385 = arith.constant 0 : i32
        %dma_wait3A_386 = tpu.memref_slice %arg8[%run_scoped3A_221, %dma_wait3A_385] : memref<16x64xi32, #tpu.memory_space<vmem>> -> memref<1x64xi32, #tpu.memory_space<vmem>>
        %dma_wait3A_387 = tpu.memref_squeeze %dma_wait3A_386 : memref<1x64xi32, #tpu.memory_space<vmem>> -> memref<64xi32, #tpu.memory_space<vmem>>
        %dma_wait3A_388 = arith.constant 0 : i32
        %dma_wait3A_389 = arith.constant 0 : i32
        %dma_wait3A_390 = tpu.memref_slice %arg15[%dma_wait3A_388, %dma_wait3A_389] : memref<10240x128xf32, #tpu.memory_space<vmem_shared>> -> memref<10240x128xf32, #tpu.memory_space<vmem_shared>>
        tpu.wait_indirect_dma semaphore(%run_scoped3A_378 : memref<!tpu.dma_semaphore, #tpu.memory_space<semaphore_mem>>) src(%arg9 : memref<64x128xf32, #tpu.memory_space<vmem>>) dst(%dma_wait3A_390 : memref<10240x128xf32, #tpu.memory_space<vmem_shared>>)
        tpu.yield
      }) : () -> ()
      %run_scoped3A_222 = arith.constant 4 : i32
      "tpu.region"() ({
        %run_scoped3A_378 = tpu.sem_alloc : memref<!tpu.dma_semaphore, #tpu.memory_space<semaphore_mem>>
        %dma_start3A_379 = arith.constant 0 : i32
        %dma_start3A_380 = tpu.memref_slice %arg8[%run_scoped3A_222, %dma_start3A_379] : memref<16x64xi32, #tpu.memory_space<vmem>> -> memref<1x64xi32, #tpu.memory_space<vmem>>
        %dma_start3A_381 = tpu.memref_squeeze %dma_start3A_380 : memref<1x64xi32, #tpu.memory_space<vmem>> -> memref<64xi32, #tpu.memory_space<vmem>>
        %dma_start3A_382 = arith.constant 0 : i32
        %dma_start3A_383 = tpu.memref_slice %arg16[%dma_start3A_382] : memref<10240xf32, #tpu.memory_space<vmem_shared>> -> memref<10240xf32, #tpu.memory_space<vmem_shared>>
        tpu.enqueue_indirect_dma source(%arg13 : memref<64xf32, #tpu.memory_space<vmem>>) target(%dma_start3A_383 : memref<10240xf32, #tpu.memory_space<vmem_shared>>) offsets(%dma_start3A_381 : memref<64xi32, #tpu.memory_space<vmem>>) semaphore(%run_scoped3A_378 : memref<!tpu.dma_semaphore, #tpu.memory_space<semaphore_mem>>) {add = true}
        %dma_wait3A_384 = arith.constant 0 : i32
        %dma_wait3A_385 = tpu.memref_slice %arg8[%run_scoped3A_222, %dma_wait3A_384] : memref<16x64xi32, #tpu.memory_space<vmem>> -> memref<1x64xi32, #tpu.memory_space<vmem>>
        %dma_wait3A_386 = tpu.memref_squeeze %dma_wait3A_385 : memref<1x64xi32, #tpu.memory_space<vmem>> -> memref<64xi32, #tpu.memory_space<vmem>>
        %dma_wait3A_387 = arith.constant 0 : i32
        %dma_wait3A_388 = tpu.memref_slice %arg16[%dma_wait3A_387] : memref<10240xf32, #tpu.memory_space<vmem_shared>> -> memref<10240xf32, #tpu.memory_space<vmem_shared>>
        tpu.wait_indirect_dma semaphore(%run_scoped3A_378 : memref<!tpu.dma_semaphore, #tpu.memory_space<semaphore_mem>>) src(%arg13 : memref<64xf32, #tpu.memory_space<vmem>>) dst(%dma_wait3A_388 : memref<10240xf32, #tpu.memory_space<vmem_shared>>)
        tpu.yield
      }) : () -> ()
      %dma_start3A_223 = arith.constant 8 : i32
      %dma_start3A_224 = arith.constant 0 : i32
      %dma_start3A_225 = tpu.memref_slice %arg7[%dma_start3A_223, %dma_start3A_224] : memref<16x64xi32, #tpu.memory_space<vmem>> -> memref<1x64xi32, #tpu.memory_space<vmem>>
      %dma_start3A_226 = tpu.memref_squeeze %dma_start3A_225 : memref<1x64xi32, #tpu.memory_space<vmem>> -> memref<64xi32, #tpu.memory_space<vmem>>
      %dma_start3A_227 = arith.constant 0 : i32
      %dma_start3A_228 = arith.constant 0 : i32
      %dma_start3A_229 = tpu.memref_slice %arg2[%dma_start3A_227, %dma_start3A_228] : memref<10000x128xf32, #tpu.memory_space<hbm>> -> memref<10000x128xf32, #tpu.memory_space<hbm>>
      tpu.enqueue_indirect_dma source(%dma_start3A_229 : memref<10000x128xf32, #tpu.memory_space<hbm>>) target(%arg9 : memref<64x128xf32, #tpu.memory_space<vmem>>) offsets(%dma_start3A_226 : memref<64xi32, #tpu.memory_space<vmem>>) semaphore(%arg17 : memref<!tpu.dma_semaphore, #tpu.memory_space<semaphore_mem>>)
      %dma_wait3A_230 = arith.constant 5 : i32
      %dma_wait3A_231 = arith.constant 0 : i32
      %dma_wait3A_232 = tpu.memref_slice %arg7[%dma_wait3A_230, %dma_wait3A_231] : memref<16x64xi32, #tpu.memory_space<vmem>> -> memref<1x64xi32, #tpu.memory_space<vmem>>
      %dma_wait3A_233 = tpu.memref_squeeze %dma_wait3A_232 : memref<1x64xi32, #tpu.memory_space<vmem>> -> memref<64xi32, #tpu.memory_space<vmem>>
      %dma_wait3A_234 = arith.constant 0 : i32
      %dma_wait3A_235 = arith.constant 0 : i32
      %dma_wait3A_236 = tpu.memref_slice %arg2[%dma_wait3A_234, %dma_wait3A_235] : memref<10000x128xf32, #tpu.memory_space<hbm>> -> memref<10000x128xf32, #tpu.memory_space<hbm>>
      tpu.wait_indirect_dma semaphore(%arg18 : memref<!tpu.dma_semaphore, #tpu.memory_space<semaphore_mem>>) src(%dma_wait3A_236 : memref<10000x128xf32, #tpu.memory_space<hbm>>) dst(%arg10 : memref<64x128xf32, #tpu.memory_space<vmem>>)
      %run_scoped3A_237 = arith.constant 5 : i32
      "tpu.region"() ({
        %run_scoped3A_378 = tpu.sem_alloc : memref<!tpu.dma_semaphore, #tpu.memory_space<semaphore_mem>>
        %dma_start3A_379 = arith.constant 0 : i32
        %dma_start3A_380 = tpu.memref_slice %arg8[%run_scoped3A_237, %dma_start3A_379] : memref<16x64xi32, #tpu.memory_space<vmem>> -> memref<1x64xi32, #tpu.memory_space<vmem>>
        %dma_start3A_381 = tpu.memref_squeeze %dma_start3A_380 : memref<1x64xi32, #tpu.memory_space<vmem>> -> memref<64xi32, #tpu.memory_space<vmem>>
        %dma_start3A_382 = arith.constant 0 : i32
        %dma_start3A_383 = arith.constant 0 : i32
        %dma_start3A_384 = tpu.memref_slice %arg15[%dma_start3A_382, %dma_start3A_383] : memref<10240x128xf32, #tpu.memory_space<vmem_shared>> -> memref<10240x128xf32, #tpu.memory_space<vmem_shared>>
        tpu.enqueue_indirect_dma source(%arg10 : memref<64x128xf32, #tpu.memory_space<vmem>>) target(%dma_start3A_384 : memref<10240x128xf32, #tpu.memory_space<vmem_shared>>) offsets(%dma_start3A_381 : memref<64xi32, #tpu.memory_space<vmem>>) semaphore(%run_scoped3A_378 : memref<!tpu.dma_semaphore, #tpu.memory_space<semaphore_mem>>) {add = true}
        %dma_wait3A_385 = arith.constant 0 : i32
        %dma_wait3A_386 = tpu.memref_slice %arg8[%run_scoped3A_237, %dma_wait3A_385] : memref<16x64xi32, #tpu.memory_space<vmem>> -> memref<1x64xi32, #tpu.memory_space<vmem>>
        %dma_wait3A_387 = tpu.memref_squeeze %dma_wait3A_386 : memref<1x64xi32, #tpu.memory_space<vmem>> -> memref<64xi32, #tpu.memory_space<vmem>>
        %dma_wait3A_388 = arith.constant 0 : i32
        %dma_wait3A_389 = arith.constant 0 : i32
        %dma_wait3A_390 = tpu.memref_slice %arg15[%dma_wait3A_388, %dma_wait3A_389] : memref<10240x128xf32, #tpu.memory_space<vmem_shared>> -> memref<10240x128xf32, #tpu.memory_space<vmem_shared>>
        tpu.wait_indirect_dma semaphore(%run_scoped3A_378 : memref<!tpu.dma_semaphore, #tpu.memory_space<semaphore_mem>>) src(%arg10 : memref<64x128xf32, #tpu.memory_space<vmem>>) dst(%dma_wait3A_390 : memref<10240x128xf32, #tpu.memory_space<vmem_shared>>)
        tpu.yield
      }) : () -> ()
      %run_scoped3A_238 = arith.constant 5 : i32
      "tpu.region"() ({
        %run_scoped3A_378 = tpu.sem_alloc : memref<!tpu.dma_semaphore, #tpu.memory_space<semaphore_mem>>
        %dma_start3A_379 = arith.constant 0 : i32
        %dma_start3A_380 = tpu.memref_slice %arg8[%run_scoped3A_238, %dma_start3A_379] : memref<16x64xi32, #tpu.memory_space<vmem>> -> memref<1x64xi32, #tpu.memory_space<vmem>>
        %dma_start3A_381 = tpu.memref_squeeze %dma_start3A_380 : memref<1x64xi32, #tpu.memory_space<vmem>> -> memref<64xi32, #tpu.memory_space<vmem>>
        %dma_start3A_382 = arith.constant 0 : i32
        %dma_start3A_383 = tpu.memref_slice %arg16[%dma_start3A_382] : memref<10240xf32, #tpu.memory_space<vmem_shared>> -> memref<10240xf32, #tpu.memory_space<vmem_shared>>
        tpu.enqueue_indirect_dma source(%arg13 : memref<64xf32, #tpu.memory_space<vmem>>) target(%dma_start3A_383 : memref<10240xf32, #tpu.memory_space<vmem_shared>>) offsets(%dma_start3A_381 : memref<64xi32, #tpu.memory_space<vmem>>) semaphore(%run_scoped3A_378 : memref<!tpu.dma_semaphore, #tpu.memory_space<semaphore_mem>>) {add = true}
        %dma_wait3A_384 = arith.constant 0 : i32
        %dma_wait3A_385 = tpu.memref_slice %arg8[%run_scoped3A_238, %dma_wait3A_384] : memref<16x64xi32, #tpu.memory_space<vmem>> -> memref<1x64xi32, #tpu.memory_space<vmem>>
        %dma_wait3A_386 = tpu.memref_squeeze %dma_wait3A_385 : memref<1x64xi32, #tpu.memory_space<vmem>> -> memref<64xi32, #tpu.memory_space<vmem>>
        %dma_wait3A_387 = arith.constant 0 : i32
        %dma_wait3A_388 = tpu.memref_slice %arg16[%dma_wait3A_387] : memref<10240xf32, #tpu.memory_space<vmem_shared>> -> memref<10240xf32, #tpu.memory_space<vmem_shared>>
        tpu.wait_indirect_dma semaphore(%run_scoped3A_378 : memref<!tpu.dma_semaphore, #tpu.memory_space<semaphore_mem>>) src(%arg13 : memref<64xf32, #tpu.memory_space<vmem>>) dst(%dma_wait3A_388 : memref<10240xf32, #tpu.memory_space<vmem_shared>>)
        tpu.yield
      }) : () -> ()
      %dma_start3A_239 = arith.constant 9 : i32
      %dma_start3A_240 = arith.constant 0 : i32
      %dma_start3A_241 = tpu.memref_slice %arg7[%dma_start3A_239, %dma_start3A_240] : memref<16x64xi32, #tpu.memory_space<vmem>> -> memref<1x64xi32, #tpu.memory_space<vmem>>
      %dma_start3A_242 = tpu.memref_squeeze %dma_start3A_241 : memref<1x64xi32, #tpu.memory_space<vmem>> -> memref<64xi32, #tpu.memory_space<vmem>>
      %dma_start3A_243 = arith.constant 0 : i32
      %dma_start3A_244 = arith.constant 0 : i32
      %dma_start3A_245 = tpu.memref_slice %arg2[%dma_start3A_243, %dma_start3A_244] : memref<10000x128xf32, #tpu.memory_space<hbm>> -> memref<10000x128xf32, #tpu.memory_space<hbm>>
      tpu.enqueue_indirect_dma source(%dma_start3A_245 : memref<10000x128xf32, #tpu.memory_space<hbm>>) target(%arg10 : memref<64x128xf32, #tpu.memory_space<vmem>>) offsets(%dma_start3A_242 : memref<64xi32, #tpu.memory_space<vmem>>) semaphore(%arg18 : memref<!tpu.dma_semaphore, #tpu.memory_space<semaphore_mem>>)
      %dma_wait3A_246 = arith.constant 6 : i32
      %dma_wait3A_247 = arith.constant 0 : i32
      %dma_wait3A_248 = tpu.memref_slice %arg7[%dma_wait3A_246, %dma_wait3A_247] : memref<16x64xi32, #tpu.memory_space<vmem>> -> memref<1x64xi32, #tpu.memory_space<vmem>>
      %dma_wait3A_249 = tpu.memref_squeeze %dma_wait3A_248 : memref<1x64xi32, #tpu.memory_space<vmem>> -> memref<64xi32, #tpu.memory_space<vmem>>
      %dma_wait3A_250 = arith.constant 0 : i32
      %dma_wait3A_251 = arith.constant 0 : i32
      %dma_wait3A_252 = tpu.memref_slice %arg2[%dma_wait3A_250, %dma_wait3A_251] : memref<10000x128xf32, #tpu.memory_space<hbm>> -> memref<10000x128xf32, #tpu.memory_space<hbm>>
      tpu.wait_indirect_dma semaphore(%arg19 : memref<!tpu.dma_semaphore, #tpu.memory_space<semaphore_mem>>) src(%dma_wait3A_252 : memref<10000x128xf32, #tpu.memory_space<hbm>>) dst(%arg11 : memref<64x128xf32, #tpu.memory_space<vmem>>)
      %run_scoped3A_253 = arith.constant 6 : i32
      "tpu.region"() ({
        %run_scoped3A_378 = tpu.sem_alloc : memref<!tpu.dma_semaphore, #tpu.memory_space<semaphore_mem>>
        %dma_start3A_379 = arith.constant 0 : i32
        %dma_start3A_380 = tpu.memref_slice %arg8[%run_scoped3A_253, %dma_start3A_379] : memref<16x64xi32, #tpu.memory_space<vmem>> -> memref<1x64xi32, #tpu.memory_space<vmem>>
        %dma_start3A_381 = tpu.memref_squeeze %dma_start3A_380 : memref<1x64xi32, #tpu.memory_space<vmem>> -> memref<64xi32, #tpu.memory_space<vmem>>
        %dma_start3A_382 = arith.constant 0 : i32
        %dma_start3A_383 = arith.constant 0 : i32
        %dma_start3A_384 = tpu.memref_slice %arg15[%dma_start3A_382, %dma_start3A_383] : memref<10240x128xf32, #tpu.memory_space<vmem_shared>> -> memref<10240x128xf32, #tpu.memory_space<vmem_shared>>
        tpu.enqueue_indirect_dma source(%arg11 : memref<64x128xf32, #tpu.memory_space<vmem>>) target(%dma_start3A_384 : memref<10240x128xf32, #tpu.memory_space<vmem_shared>>) offsets(%dma_start3A_381 : memref<64xi32, #tpu.memory_space<vmem>>) semaphore(%run_scoped3A_378 : memref<!tpu.dma_semaphore, #tpu.memory_space<semaphore_mem>>) {add = true}
        %dma_wait3A_385 = arith.constant 0 : i32
        %dma_wait3A_386 = tpu.memref_slice %arg8[%run_scoped3A_253, %dma_wait3A_385] : memref<16x64xi32, #tpu.memory_space<vmem>> -> memref<1x64xi32, #tpu.memory_space<vmem>>
        %dma_wait3A_387 = tpu.memref_squeeze %dma_wait3A_386 : memref<1x64xi32, #tpu.memory_space<vmem>> -> memref<64xi32, #tpu.memory_space<vmem>>
        %dma_wait3A_388 = arith.constant 0 : i32
        %dma_wait3A_389 = arith.constant 0 : i32
        %dma_wait3A_390 = tpu.memref_slice %arg15[%dma_wait3A_388, %dma_wait3A_389] : memref<10240x128xf32, #tpu.memory_space<vmem_shared>> -> memref<10240x128xf32, #tpu.memory_space<vmem_shared>>
        tpu.wait_indirect_dma semaphore(%run_scoped3A_378 : memref<!tpu.dma_semaphore, #tpu.memory_space<semaphore_mem>>) src(%arg11 : memref<64x128xf32, #tpu.memory_space<vmem>>) dst(%dma_wait3A_390 : memref<10240x128xf32, #tpu.memory_space<vmem_shared>>)
        tpu.yield
      }) : () -> ()
      %run_scoped3A_254 = arith.constant 6 : i32
      "tpu.region"() ({
        %run_scoped3A_378 = tpu.sem_alloc : memref<!tpu.dma_semaphore, #tpu.memory_space<semaphore_mem>>
        %dma_start3A_379 = arith.constant 0 : i32
        %dma_start3A_380 = tpu.memref_slice %arg8[%run_scoped3A_254, %dma_start3A_379] : memref<16x64xi32, #tpu.memory_space<vmem>> -> memref<1x64xi32, #tpu.memory_space<vmem>>
        %dma_start3A_381 = tpu.memref_squeeze %dma_start3A_380 : memref<1x64xi32, #tpu.memory_space<vmem>> -> memref<64xi32, #tpu.memory_space<vmem>>
        %dma_start3A_382 = arith.constant 0 : i32
        %dma_start3A_383 = tpu.memref_slice %arg16[%dma_start3A_382] : memref<10240xf32, #tpu.memory_space<vmem_shared>> -> memref<10240xf32, #tpu.memory_space<vmem_shared>>
        tpu.enqueue_indirect_dma source(%arg13 : memref<64xf32, #tpu.memory_space<vmem>>) target(%dma_start3A_383 : memref<10240xf32, #tpu.memory_space<vmem_shared>>) offsets(%dma_start3A_381 : memref<64xi32, #tpu.memory_space<vmem>>) semaphore(%run_scoped3A_378 : memref<!tpu.dma_semaphore, #tpu.memory_space<semaphore_mem>>) {add = true}
        %dma_wait3A_384 = arith.constant 0 : i32
        %dma_wait3A_385 = tpu.memref_slice %arg8[%run_scoped3A_254, %dma_wait3A_384] : memref<16x64xi32, #tpu.memory_space<vmem>> -> memref<1x64xi32, #tpu.memory_space<vmem>>
        %dma_wait3A_386 = tpu.memref_squeeze %dma_wait3A_385 : memref<1x64xi32, #tpu.memory_space<vmem>> -> memref<64xi32, #tpu.memory_space<vmem>>
        %dma_wait3A_387 = arith.constant 0 : i32
        %dma_wait3A_388 = tpu.memref_slice %arg16[%dma_wait3A_387] : memref<10240xf32, #tpu.memory_space<vmem_shared>> -> memref<10240xf32, #tpu.memory_space<vmem_shared>>
        tpu.wait_indirect_dma semaphore(%run_scoped3A_378 : memref<!tpu.dma_semaphore, #tpu.memory_space<semaphore_mem>>) src(%arg13 : memref<64xf32, #tpu.memory_space<vmem>>) dst(%dma_wait3A_388 : memref<10240xf32, #tpu.memory_space<vmem_shared>>)
        tpu.yield
      }) : () -> ()
      %dma_start3A_255 = arith.constant 10 : i32
      %dma_start3A_256 = arith.constant 0 : i32
      %dma_start3A_257 = tpu.memref_slice %arg7[%dma_start3A_255, %dma_start3A_256] : memref<16x64xi32, #tpu.memory_space<vmem>> -> memref<1x64xi32, #tpu.memory_space<vmem>>
      %dma_start3A_258 = tpu.memref_squeeze %dma_start3A_257 : memref<1x64xi32, #tpu.memory_space<vmem>> -> memref<64xi32, #tpu.memory_space<vmem>>
      %dma_start3A_259 = arith.constant 0 : i32
      %dma_start3A_260 = arith.constant 0 : i32
      %dma_start3A_261 = tpu.memref_slice %arg2[%dma_start3A_259, %dma_start3A_260] : memref<10000x128xf32, #tpu.memory_space<hbm>> -> memref<10000x128xf32, #tpu.memory_space<hbm>>
      tpu.enqueue_indirect_dma source(%dma_start3A_261 : memref<10000x128xf32, #tpu.memory_space<hbm>>) target(%arg11 : memref<64x128xf32, #tpu.memory_space<vmem>>) offsets(%dma_start3A_258 : memref<64xi32, #tpu.memory_space<vmem>>) semaphore(%arg19 : memref<!tpu.dma_semaphore, #tpu.memory_space<semaphore_mem>>)
      %dma_wait3A_262 = arith.constant 7 : i32
      %dma_wait3A_263 = arith.constant 0 : i32
      %dma_wait3A_264 = tpu.memref_slice %arg7[%dma_wait3A_262, %dma_wait3A_263] : memref<16x64xi32, #tpu.memory_space<vmem>> -> memref<1x64xi32, #tpu.memory_space<vmem>>
      %dma_wait3A_265 = tpu.memref_squeeze %dma_wait3A_264 : memref<1x64xi32, #tpu.memory_space<vmem>> -> memref<64xi32, #tpu.memory_space<vmem>>
      %dma_wait3A_266 = arith.constant 0 : i32
      %dma_wait3A_267 = arith.constant 0 : i32
      %dma_wait3A_268 = tpu.memref_slice %arg2[%dma_wait3A_266, %dma_wait3A_267] : memref<10000x128xf32, #tpu.memory_space<hbm>> -> memref<10000x128xf32, #tpu.memory_space<hbm>>
      tpu.wait_indirect_dma semaphore(%arg20 : memref<!tpu.dma_semaphore, #tpu.memory_space<semaphore_mem>>) src(%dma_wait3A_268 : memref<10000x128xf32, #tpu.memory_space<hbm>>) dst(%arg12 : memref<64x128xf32, #tpu.memory_space<vmem>>)
      %run_scoped3A_269 = arith.constant 7 : i32
      "tpu.region"() ({
        %run_scoped3A_378 = tpu.sem_alloc : memref<!tpu.dma_semaphore, #tpu.memory_space<semaphore_mem>>
        %dma_start3A_379 = arith.constant 0 : i32
        %dma_start3A_380 = tpu.memref_slice %arg8[%run_scoped3A_269, %dma_start3A_379] : memref<16x64xi32, #tpu.memory_space<vmem>> -> memref<1x64xi32, #tpu.memory_space<vmem>>
        %dma_start3A_381 = tpu.memref_squeeze %dma_start3A_380 : memref<1x64xi32, #tpu.memory_space<vmem>> -> memref<64xi32, #tpu.memory_space<vmem>>
        %dma_start3A_382 = arith.constant 0 : i32
        %dma_start3A_383 = arith.constant 0 : i32
        %dma_start3A_384 = tpu.memref_slice %arg15[%dma_start3A_382, %dma_start3A_383] : memref<10240x128xf32, #tpu.memory_space<vmem_shared>> -> memref<10240x128xf32, #tpu.memory_space<vmem_shared>>
        tpu.enqueue_indirect_dma source(%arg12 : memref<64x128xf32, #tpu.memory_space<vmem>>) target(%dma_start3A_384 : memref<10240x128xf32, #tpu.memory_space<vmem_shared>>) offsets(%dma_start3A_381 : memref<64xi32, #tpu.memory_space<vmem>>) semaphore(%run_scoped3A_378 : memref<!tpu.dma_semaphore, #tpu.memory_space<semaphore_mem>>) {add = true}
        %dma_wait3A_385 = arith.constant 0 : i32
        %dma_wait3A_386 = tpu.memref_slice %arg8[%run_scoped3A_269, %dma_wait3A_385] : memref<16x64xi32, #tpu.memory_space<vmem>> -> memref<1x64xi32, #tpu.memory_space<vmem>>
        %dma_wait3A_387 = tpu.memref_squeeze %dma_wait3A_386 : memref<1x64xi32, #tpu.memory_space<vmem>> -> memref<64xi32, #tpu.memory_space<vmem>>
        %dma_wait3A_388 = arith.constant 0 : i32
        %dma_wait3A_389 = arith.constant 0 : i32
        %dma_wait3A_390 = tpu.memref_slice %arg15[%dma_wait3A_388, %dma_wait3A_389] : memref<10240x128xf32, #tpu.memory_space<vmem_shared>> -> memref<10240x128xf32, #tpu.memory_space<vmem_shared>>
        tpu.wait_indirect_dma semaphore(%run_scoped3A_378 : memref<!tpu.dma_semaphore, #tpu.memory_space<semaphore_mem>>) src(%arg12 : memref<64x128xf32, #tpu.memory_space<vmem>>) dst(%dma_wait3A_390 : memref<10240x128xf32, #tpu.memory_space<vmem_shared>>)
        tpu.yield
      }) : () -> ()
      %run_scoped3A_270 = arith.constant 7 : i32
      "tpu.region"() ({
        %run_scoped3A_378 = tpu.sem_alloc : memref<!tpu.dma_semaphore, #tpu.memory_space<semaphore_mem>>
        %dma_start3A_379 = arith.constant 0 : i32
        %dma_start3A_380 = tpu.memref_slice %arg8[%run_scoped3A_270, %dma_start3A_379] : memref<16x64xi32, #tpu.memory_space<vmem>> -> memref<1x64xi32, #tpu.memory_space<vmem>>
        %dma_start3A_381 = tpu.memref_squeeze %dma_start3A_380 : memref<1x64xi32, #tpu.memory_space<vmem>> -> memref<64xi32, #tpu.memory_space<vmem>>
        %dma_start3A_382 = arith.constant 0 : i32
        %dma_start3A_383 = tpu.memref_slice %arg16[%dma_start3A_382] : memref<10240xf32, #tpu.memory_space<vmem_shared>> -> memref<10240xf32, #tpu.memory_space<vmem_shared>>
        tpu.enqueue_indirect_dma source(%arg13 : memref<64xf32, #tpu.memory_space<vmem>>) target(%dma_start3A_383 : memref<10240xf32, #tpu.memory_space<vmem_shared>>) offsets(%dma_start3A_381 : memref<64xi32, #tpu.memory_space<vmem>>) semaphore(%run_scoped3A_378 : memref<!tpu.dma_semaphore, #tpu.memory_space<semaphore_mem>>) {add = true}
        %dma_wait3A_384 = arith.constant 0 : i32
        %dma_wait3A_385 = tpu.memref_slice %arg8[%run_scoped3A_270, %dma_wait3A_384] : memref<16x64xi32, #tpu.memory_space<vmem>> -> memref<1x64xi32, #tpu.memory_space<vmem>>
        %dma_wait3A_386 = tpu.memref_squeeze %dma_wait3A_385 : memref<1x64xi32, #tpu.memory_space<vmem>> -> memref<64xi32, #tpu.memory_space<vmem>>
        %dma_wait3A_387 = arith.constant 0 : i32
        %dma_wait3A_388 = tpu.memref_slice %arg16[%dma_wait3A_387] : memref<10240xf32, #tpu.memory_space<vmem_shared>> -> memref<10240xf32, #tpu.memory_space<vmem_shared>>
        tpu.wait_indirect_dma semaphore(%run_scoped3A_378 : memref<!tpu.dma_semaphore, #tpu.memory_space<semaphore_mem>>) src(%arg13 : memref<64xf32, #tpu.memory_space<vmem>>) dst(%dma_wait3A_388 : memref<10240xf32, #tpu.memory_space<vmem_shared>>)
        tpu.yield
      }) : () -> ()
      %dma_start3A_271 = arith.constant 11 : i32
      %dma_start3A_272 = arith.constant 0 : i32
      %dma_start3A_273 = tpu.memref_slice %arg7[%dma_start3A_271, %dma_start3A_272] : memref<16x64xi32, #tpu.memory_space<vmem>> -> memref<1x64xi32, #tpu.memory_space<vmem>>
      %dma_start3A_274 = tpu.memref_squeeze %dma_start3A_273 : memref<1x64xi32, #tpu.memory_space<vmem>> -> memref<64xi32, #tpu.memory_space<vmem>>
      %dma_start3A_275 = arith.constant 0 : i32
      %dma_start3A_276 = arith.constant 0 : i32
      %dma_start3A_277 = tpu.memref_slice %arg2[%dma_start3A_275, %dma_start3A_276] : memref<10000x128xf32, #tpu.memory_space<hbm>> -> memref<10000x128xf32, #tpu.memory_space<hbm>>
      tpu.enqueue_indirect_dma source(%dma_start3A_277 : memref<10000x128xf32, #tpu.memory_space<hbm>>) target(%arg12 : memref<64x128xf32, #tpu.memory_space<vmem>>) offsets(%dma_start3A_274 : memref<64xi32, #tpu.memory_space<vmem>>) semaphore(%arg20 : memref<!tpu.dma_semaphore, #tpu.memory_space<semaphore_mem>>)
      %dma_wait3A_278 = arith.constant 8 : i32
      %dma_wait3A_279 = arith.constant 0 : i32
      %dma_wait3A_280 = tpu.memref_slice %arg7[%dma_wait3A_278, %dma_wait3A_279] : memref<16x64xi32, #tpu.memory_space<vmem>> -> memref<1x64xi32, #tpu.memory_space<vmem>>
      %dma_wait3A_281 = tpu.memref_squeeze %dma_wait3A_280 : memref<1x64xi32, #tpu.memory_space<vmem>> -> memref<64xi32, #tpu.memory_space<vmem>>
      %dma_wait3A_282 = arith.constant 0 : i32
      %dma_wait3A_283 = arith.constant 0 : i32
      %dma_wait3A_284 = tpu.memref_slice %arg2[%dma_wait3A_282, %dma_wait3A_283] : memref<10000x128xf32, #tpu.memory_space<hbm>> -> memref<10000x128xf32, #tpu.memory_space<hbm>>
      tpu.wait_indirect_dma semaphore(%arg17 : memref<!tpu.dma_semaphore, #tpu.memory_space<semaphore_mem>>) src(%dma_wait3A_284 : memref<10000x128xf32, #tpu.memory_space<hbm>>) dst(%arg9 : memref<64x128xf32, #tpu.memory_space<vmem>>)
      %run_scoped3A_285 = arith.constant 8 : i32
      "tpu.region"() ({
        %run_scoped3A_378 = tpu.sem_alloc : memref<!tpu.dma_semaphore, #tpu.memory_space<semaphore_mem>>
        %dma_start3A_379 = arith.constant 0 : i32
        %dma_start3A_380 = tpu.memref_slice %arg8[%run_scoped3A_285, %dma_start3A_379] : memref<16x64xi32, #tpu.memory_space<vmem>> -> memref<1x64xi32, #tpu.memory_space<vmem>>
        %dma_start3A_381 = tpu.memref_squeeze %dma_start3A_380 : memref<1x64xi32, #tpu.memory_space<vmem>> -> memref<64xi32, #tpu.memory_space<vmem>>
        %dma_start3A_382 = arith.constant 0 : i32
        %dma_start3A_383 = arith.constant 0 : i32
        %dma_start3A_384 = tpu.memref_slice %arg15[%dma_start3A_382, %dma_start3A_383] : memref<10240x128xf32, #tpu.memory_space<vmem_shared>> -> memref<10240x128xf32, #tpu.memory_space<vmem_shared>>
        tpu.enqueue_indirect_dma source(%arg9 : memref<64x128xf32, #tpu.memory_space<vmem>>) target(%dma_start3A_384 : memref<10240x128xf32, #tpu.memory_space<vmem_shared>>) offsets(%dma_start3A_381 : memref<64xi32, #tpu.memory_space<vmem>>) semaphore(%run_scoped3A_378 : memref<!tpu.dma_semaphore, #tpu.memory_space<semaphore_mem>>) {add = true}
        %dma_wait3A_385 = arith.constant 0 : i32
        %dma_wait3A_386 = tpu.memref_slice %arg8[%run_scoped3A_285, %dma_wait3A_385] : memref<16x64xi32, #tpu.memory_space<vmem>> -> memref<1x64xi32, #tpu.memory_space<vmem>>
        %dma_wait3A_387 = tpu.memref_squeeze %dma_wait3A_386 : memref<1x64xi32, #tpu.memory_space<vmem>> -> memref<64xi32, #tpu.memory_space<vmem>>
        %dma_wait3A_388 = arith.constant 0 : i32
        %dma_wait3A_389 = arith.constant 0 : i32
        %dma_wait3A_390 = tpu.memref_slice %arg15[%dma_wait3A_388, %dma_wait3A_389] : memref<10240x128xf32, #tpu.memory_space<vmem_shared>> -> memref<10240x128xf32, #tpu.memory_space<vmem_shared>>
        tpu.wait_indirect_dma semaphore(%run_scoped3A_378 : memref<!tpu.dma_semaphore, #tpu.memory_space<semaphore_mem>>) src(%arg9 : memref<64x128xf32, #tpu.memory_space<vmem>>) dst(%dma_wait3A_390 : memref<10240x128xf32, #tpu.memory_space<vmem_shared>>)
        tpu.yield
      }) : () -> ()
      %run_scoped3A_286 = arith.constant 8 : i32
      "tpu.region"() ({
        %run_scoped3A_378 = tpu.sem_alloc : memref<!tpu.dma_semaphore, #tpu.memory_space<semaphore_mem>>
        %dma_start3A_379 = arith.constant 0 : i32
        %dma_start3A_380 = tpu.memref_slice %arg8[%run_scoped3A_286, %dma_start3A_379] : memref<16x64xi32, #tpu.memory_space<vmem>> -> memref<1x64xi32, #tpu.memory_space<vmem>>
        %dma_start3A_381 = tpu.memref_squeeze %dma_start3A_380 : memref<1x64xi32, #tpu.memory_space<vmem>> -> memref<64xi32, #tpu.memory_space<vmem>>
        %dma_start3A_382 = arith.constant 0 : i32
        %dma_start3A_383 = tpu.memref_slice %arg16[%dma_start3A_382] : memref<10240xf32, #tpu.memory_space<vmem_shared>> -> memref<10240xf32, #tpu.memory_space<vmem_shared>>
        tpu.enqueue_indirect_dma source(%arg13 : memref<64xf32, #tpu.memory_space<vmem>>) target(%dma_start3A_383 : memref<10240xf32, #tpu.memory_space<vmem_shared>>) offsets(%dma_start3A_381 : memref<64xi32, #tpu.memory_space<vmem>>) semaphore(%run_scoped3A_378 : memref<!tpu.dma_semaphore, #tpu.memory_space<semaphore_mem>>) {add = true}
        %dma_wait3A_384 = arith.constant 0 : i32
        %dma_wait3A_385 = tpu.memref_slice %arg8[%run_scoped3A_286, %dma_wait3A_384] : memref<16x64xi32, #tpu.memory_space<vmem>> -> memref<1x64xi32, #tpu.memory_space<vmem>>
        %dma_wait3A_386 = tpu.memref_squeeze %dma_wait3A_385 : memref<1x64xi32, #tpu.memory_space<vmem>> -> memref<64xi32, #tpu.memory_space<vmem>>
        %dma_wait3A_387 = arith.constant 0 : i32
        %dma_wait3A_388 = tpu.memref_slice %arg16[%dma_wait3A_387] : memref<10240xf32, #tpu.memory_space<vmem_shared>> -> memref<10240xf32, #tpu.memory_space<vmem_shared>>
        tpu.wait_indirect_dma semaphore(%run_scoped3A_378 : memref<!tpu.dma_semaphore, #tpu.memory_space<semaphore_mem>>) src(%arg13 : memref<64xf32, #tpu.memory_space<vmem>>) dst(%dma_wait3A_388 : memref<10240xf32, #tpu.memory_space<vmem_shared>>)
        tpu.yield
      }) : () -> ()
      %dma_start3A_287 = arith.constant 12 : i32
      %dma_start3A_288 = arith.constant 0 : i32
      %dma_start3A_289 = tpu.memref_slice %arg7[%dma_start3A_287, %dma_start3A_288] : memref<16x64xi32, #tpu.memory_space<vmem>> -> memref<1x64xi32, #tpu.memory_space<vmem>>
      %dma_start3A_290 = tpu.memref_squeeze %dma_start3A_289 : memref<1x64xi32, #tpu.memory_space<vmem>> -> memref<64xi32, #tpu.memory_space<vmem>>
      %dma_start3A_291 = arith.constant 0 : i32
      %dma_start3A_292 = arith.constant 0 : i32
      %dma_start3A_293 = tpu.memref_slice %arg2[%dma_start3A_291, %dma_start3A_292] : memref<10000x128xf32, #tpu.memory_space<hbm>> -> memref<10000x128xf32, #tpu.memory_space<hbm>>
      tpu.enqueue_indirect_dma source(%dma_start3A_293 : memref<10000x128xf32, #tpu.memory_space<hbm>>) target(%arg9 : memref<64x128xf32, #tpu.memory_space<vmem>>) offsets(%dma_start3A_290 : memref<64xi32, #tpu.memory_space<vmem>>) semaphore(%arg17 : memref<!tpu.dma_semaphore, #tpu.memory_space<semaphore_mem>>)
      %dma_wait3A_294 = arith.constant 9 : i32
      %dma_wait3A_295 = arith.constant 0 : i32
      %dma_wait3A_296 = tpu.memref_slice %arg7[%dma_wait3A_294, %dma_wait3A_295] : memref<16x64xi32, #tpu.memory_space<vmem>> -> memref<1x64xi32, #tpu.memory_space<vmem>>
      %dma_wait3A_297 = tpu.memref_squeeze %dma_wait3A_296 : memref<1x64xi32, #tpu.memory_space<vmem>> -> memref<64xi32, #tpu.memory_space<vmem>>
      %dma_wait3A_298 = arith.constant 0 : i32
      %dma_wait3A_299 = arith.constant 0 : i32
      %dma_wait3A_300 = tpu.memref_slice %arg2[%dma_wait3A_298, %dma_wait3A_299] : memref<10000x128xf32, #tpu.memory_space<hbm>> -> memref<10000x128xf32, #tpu.memory_space<hbm>>
      tpu.wait_indirect_dma semaphore(%arg18 : memref<!tpu.dma_semaphore, #tpu.memory_space<semaphore_mem>>) src(%dma_wait3A_300 : memref<10000x128xf32, #tpu.memory_space<hbm>>) dst(%arg10 : memref<64x128xf32, #tpu.memory_space<vmem>>)
      %run_scoped3A_301 = arith.constant 9 : i32
      "tpu.region"() ({
        %run_scoped3A_378 = tpu.sem_alloc : memref<!tpu.dma_semaphore, #tpu.memory_space<semaphore_mem>>
        %dma_start3A_379 = arith.constant 0 : i32
        %dma_start3A_380 = tpu.memref_slice %arg8[%run_scoped3A_301, %dma_start3A_379] : memref<16x64xi32, #tpu.memory_space<vmem>> -> memref<1x64xi32, #tpu.memory_space<vmem>>
        %dma_start3A_381 = tpu.memref_squeeze %dma_start3A_380 : memref<1x64xi32, #tpu.memory_space<vmem>> -> memref<64xi32, #tpu.memory_space<vmem>>
        %dma_start3A_382 = arith.constant 0 : i32
        %dma_start3A_383 = arith.constant 0 : i32
        %dma_start3A_384 = tpu.memref_slice %arg15[%dma_start3A_382, %dma_start3A_383] : memref<10240x128xf32, #tpu.memory_space<vmem_shared>> -> memref<10240x128xf32, #tpu.memory_space<vmem_shared>>
        tpu.enqueue_indirect_dma source(%arg10 : memref<64x128xf32, #tpu.memory_space<vmem>>) target(%dma_start3A_384 : memref<10240x128xf32, #tpu.memory_space<vmem_shared>>) offsets(%dma_start3A_381 : memref<64xi32, #tpu.memory_space<vmem>>) semaphore(%run_scoped3A_378 : memref<!tpu.dma_semaphore, #tpu.memory_space<semaphore_mem>>) {add = true}
        %dma_wait3A_385 = arith.constant 0 : i32
        %dma_wait3A_386 = tpu.memref_slice %arg8[%run_scoped3A_301, %dma_wait3A_385] : memref<16x64xi32, #tpu.memory_space<vmem>> -> memref<1x64xi32, #tpu.memory_space<vmem>>
        %dma_wait3A_387 = tpu.memref_squeeze %dma_wait3A_386 : memref<1x64xi32, #tpu.memory_space<vmem>> -> memref<64xi32, #tpu.memory_space<vmem>>
        %dma_wait3A_388 = arith.constant 0 : i32
        %dma_wait3A_389 = arith.constant 0 : i32
        %dma_wait3A_390 = tpu.memref_slice %arg15[%dma_wait3A_388, %dma_wait3A_389] : memref<10240x128xf32, #tpu.memory_space<vmem_shared>> -> memref<10240x128xf32, #tpu.memory_space<vmem_shared>>
        tpu.wait_indirect_dma semaphore(%run_scoped3A_378 : memref<!tpu.dma_semaphore, #tpu.memory_space<semaphore_mem>>) src(%arg10 : memref<64x128xf32, #tpu.memory_space<vmem>>) dst(%dma_wait3A_390 : memref<10240x128xf32, #tpu.memory_space<vmem_shared>>)
        tpu.yield
      }) : () -> ()
      %run_scoped3A_302 = arith.constant 9 : i32
      "tpu.region"() ({
        %run_scoped3A_378 = tpu.sem_alloc : memref<!tpu.dma_semaphore, #tpu.memory_space<semaphore_mem>>
        %dma_start3A_379 = arith.constant 0 : i32
        %dma_start3A_380 = tpu.memref_slice %arg8[%run_scoped3A_302, %dma_start3A_379] : memref<16x64xi32, #tpu.memory_space<vmem>> -> memref<1x64xi32, #tpu.memory_space<vmem>>
        %dma_start3A_381 = tpu.memref_squeeze %dma_start3A_380 : memref<1x64xi32, #tpu.memory_space<vmem>> -> memref<64xi32, #tpu.memory_space<vmem>>
        %dma_start3A_382 = arith.constant 0 : i32
        %dma_start3A_383 = tpu.memref_slice %arg16[%dma_start3A_382] : memref<10240xf32, #tpu.memory_space<vmem_shared>> -> memref<10240xf32, #tpu.memory_space<vmem_shared>>
        tpu.enqueue_indirect_dma source(%arg13 : memref<64xf32, #tpu.memory_space<vmem>>) target(%dma_start3A_383 : memref<10240xf32, #tpu.memory_space<vmem_shared>>) offsets(%dma_start3A_381 : memref<64xi32, #tpu.memory_space<vmem>>) semaphore(%run_scoped3A_378 : memref<!tpu.dma_semaphore, #tpu.memory_space<semaphore_mem>>) {add = true}
        %dma_wait3A_384 = arith.constant 0 : i32
        %dma_wait3A_385 = tpu.memref_slice %arg8[%run_scoped3A_302, %dma_wait3A_384] : memref<16x64xi32, #tpu.memory_space<vmem>> -> memref<1x64xi32, #tpu.memory_space<vmem>>
        %dma_wait3A_386 = tpu.memref_squeeze %dma_wait3A_385 : memref<1x64xi32, #tpu.memory_space<vmem>> -> memref<64xi32, #tpu.memory_space<vmem>>
        %dma_wait3A_387 = arith.constant 0 : i32
        %dma_wait3A_388 = tpu.memref_slice %arg16[%dma_wait3A_387] : memref<10240xf32, #tpu.memory_space<vmem_shared>> -> memref<10240xf32, #tpu.memory_space<vmem_shared>>
        tpu.wait_indirect_dma semaphore(%run_scoped3A_378 : memref<!tpu.dma_semaphore, #tpu.memory_space<semaphore_mem>>) src(%arg13 : memref<64xf32, #tpu.memory_space<vmem>>) dst(%dma_wait3A_388 : memref<10240xf32, #tpu.memory_space<vmem_shared>>)
        tpu.yield
      }) : () -> ()
      %dma_start3A_303 = arith.constant 13 : i32
      %dma_start3A_304 = arith.constant 0 : i32
      %dma_start3A_305 = tpu.memref_slice %arg7[%dma_start3A_303, %dma_start3A_304] : memref<16x64xi32, #tpu.memory_space<vmem>> -> memref<1x64xi32, #tpu.memory_space<vmem>>
      %dma_start3A_306 = tpu.memref_squeeze %dma_start3A_305 : memref<1x64xi32, #tpu.memory_space<vmem>> -> memref<64xi32, #tpu.memory_space<vmem>>
      %dma_start3A_307 = arith.constant 0 : i32
      %dma_start3A_308 = arith.constant 0 : i32
      %dma_start3A_309 = tpu.memref_slice %arg2[%dma_start3A_307, %dma_start3A_308] : memref<10000x128xf32, #tpu.memory_space<hbm>> -> memref<10000x128xf32, #tpu.memory_space<hbm>>
      tpu.enqueue_indirect_dma source(%dma_start3A_309 : memref<10000x128xf32, #tpu.memory_space<hbm>>) target(%arg10 : memref<64x128xf32, #tpu.memory_space<vmem>>) offsets(%dma_start3A_306 : memref<64xi32, #tpu.memory_space<vmem>>) semaphore(%arg18 : memref<!tpu.dma_semaphore, #tpu.memory_space<semaphore_mem>>)
      %dma_wait3A_310 = arith.constant 10 : i32
      %dma_wait3A_311 = arith.constant 0 : i32
      %dma_wait3A_312 = tpu.memref_slice %arg7[%dma_wait3A_310, %dma_wait3A_311] : memref<16x64xi32, #tpu.memory_space<vmem>> -> memref<1x64xi32, #tpu.memory_space<vmem>>
      %dma_wait3A_313 = tpu.memref_squeeze %dma_wait3A_312 : memref<1x64xi32, #tpu.memory_space<vmem>> -> memref<64xi32, #tpu.memory_space<vmem>>
      %dma_wait3A_314 = arith.constant 0 : i32
      %dma_wait3A_315 = arith.constant 0 : i32
      %dma_wait3A_316 = tpu.memref_slice %arg2[%dma_wait3A_314, %dma_wait3A_315] : memref<10000x128xf32, #tpu.memory_space<hbm>> -> memref<10000x128xf32, #tpu.memory_space<hbm>>
      tpu.wait_indirect_dma semaphore(%arg19 : memref<!tpu.dma_semaphore, #tpu.memory_space<semaphore_mem>>) src(%dma_wait3A_316 : memref<10000x128xf32, #tpu.memory_space<hbm>>) dst(%arg11 : memref<64x128xf32, #tpu.memory_space<vmem>>)
      %run_scoped3A_317 = arith.constant 10 : i32
      "tpu.region"() ({
        %run_scoped3A_378 = tpu.sem_alloc : memref<!tpu.dma_semaphore, #tpu.memory_space<semaphore_mem>>
        %dma_start3A_379 = arith.constant 0 : i32
        %dma_start3A_380 = tpu.memref_slice %arg8[%run_scoped3A_317, %dma_start3A_379] : memref<16x64xi32, #tpu.memory_space<vmem>> -> memref<1x64xi32, #tpu.memory_space<vmem>>
        %dma_start3A_381 = tpu.memref_squeeze %dma_start3A_380 : memref<1x64xi32, #tpu.memory_space<vmem>> -> memref<64xi32, #tpu.memory_space<vmem>>
        %dma_start3A_382 = arith.constant 0 : i32
        %dma_start3A_383 = arith.constant 0 : i32
        %dma_start3A_384 = tpu.memref_slice %arg15[%dma_start3A_382, %dma_start3A_383] : memref<10240x128xf32, #tpu.memory_space<vmem_shared>> -> memref<10240x128xf32, #tpu.memory_space<vmem_shared>>
        tpu.enqueue_indirect_dma source(%arg11 : memref<64x128xf32, #tpu.memory_space<vmem>>) target(%dma_start3A_384 : memref<10240x128xf32, #tpu.memory_space<vmem_shared>>) offsets(%dma_start3A_381 : memref<64xi32, #tpu.memory_space<vmem>>) semaphore(%run_scoped3A_378 : memref<!tpu.dma_semaphore, #tpu.memory_space<semaphore_mem>>) {add = true}
        %dma_wait3A_385 = arith.constant 0 : i32
        %dma_wait3A_386 = tpu.memref_slice %arg8[%run_scoped3A_317, %dma_wait3A_385] : memref<16x64xi32, #tpu.memory_space<vmem>> -> memref<1x64xi32, #tpu.memory_space<vmem>>
        %dma_wait3A_387 = tpu.memref_squeeze %dma_wait3A_386 : memref<1x64xi32, #tpu.memory_space<vmem>> -> memref<64xi32, #tpu.memory_space<vmem>>
        %dma_wait3A_388 = arith.constant 0 : i32
        %dma_wait3A_389 = arith.constant 0 : i32
        %dma_wait3A_390 = tpu.memref_slice %arg15[%dma_wait3A_388, %dma_wait3A_389] : memref<10240x128xf32, #tpu.memory_space<vmem_shared>> -> memref<10240x128xf32, #tpu.memory_space<vmem_shared>>
        tpu.wait_indirect_dma semaphore(%run_scoped3A_378 : memref<!tpu.dma_semaphore, #tpu.memory_space<semaphore_mem>>) src(%arg11 : memref<64x128xf32, #tpu.memory_space<vmem>>) dst(%dma_wait3A_390 : memref<10240x128xf32, #tpu.memory_space<vmem_shared>>)
        tpu.yield
      }) : () -> ()
      %run_scoped3A_318 = arith.constant 10 : i32
      "tpu.region"() ({
        %run_scoped3A_378 = tpu.sem_alloc : memref<!tpu.dma_semaphore, #tpu.memory_space<semaphore_mem>>
        %dma_start3A_379 = arith.constant 0 : i32
        %dma_start3A_380 = tpu.memref_slice %arg8[%run_scoped3A_318, %dma_start3A_379] : memref<16x64xi32, #tpu.memory_space<vmem>> -> memref<1x64xi32, #tpu.memory_space<vmem>>
        %dma_start3A_381 = tpu.memref_squeeze %dma_start3A_380 : memref<1x64xi32, #tpu.memory_space<vmem>> -> memref<64xi32, #tpu.memory_space<vmem>>
        %dma_start3A_382 = arith.constant 0 : i32
        %dma_start3A_383 = tpu.memref_slice %arg16[%dma_start3A_382] : memref<10240xf32, #tpu.memory_space<vmem_shared>> -> memref<10240xf32, #tpu.memory_space<vmem_shared>>
        tpu.enqueue_indirect_dma source(%arg13 : memref<64xf32, #tpu.memory_space<vmem>>) target(%dma_start3A_383 : memref<10240xf32, #tpu.memory_space<vmem_shared>>) offsets(%dma_start3A_381 : memref<64xi32, #tpu.memory_space<vmem>>) semaphore(%run_scoped3A_378 : memref<!tpu.dma_semaphore, #tpu.memory_space<semaphore_mem>>) {add = true}
        %dma_wait3A_384 = arith.constant 0 : i32
        %dma_wait3A_385 = tpu.memref_slice %arg8[%run_scoped3A_318, %dma_wait3A_384] : memref<16x64xi32, #tpu.memory_space<vmem>> -> memref<1x64xi32, #tpu.memory_space<vmem>>
        %dma_wait3A_386 = tpu.memref_squeeze %dma_wait3A_385 : memref<1x64xi32, #tpu.memory_space<vmem>> -> memref<64xi32, #tpu.memory_space<vmem>>
        %dma_wait3A_387 = arith.constant 0 : i32
        %dma_wait3A_388 = tpu.memref_slice %arg16[%dma_wait3A_387] : memref<10240xf32, #tpu.memory_space<vmem_shared>> -> memref<10240xf32, #tpu.memory_space<vmem_shared>>
        tpu.wait_indirect_dma semaphore(%run_scoped3A_378 : memref<!tpu.dma_semaphore, #tpu.memory_space<semaphore_mem>>) src(%arg13 : memref<64xf32, #tpu.memory_space<vmem>>) dst(%dma_wait3A_388 : memref<10240xf32, #tpu.memory_space<vmem_shared>>)
        tpu.yield
      }) : () -> ()
      %dma_start3A_319 = arith.constant 14 : i32
      %dma_start3A_320 = arith.constant 0 : i32
      %dma_start3A_321 = tpu.memref_slice %arg7[%dma_start3A_319, %dma_start3A_320] : memref<16x64xi32, #tpu.memory_space<vmem>> -> memref<1x64xi32, #tpu.memory_space<vmem>>
      %dma_start3A_322 = tpu.memref_squeeze %dma_start3A_321 : memref<1x64xi32, #tpu.memory_space<vmem>> -> memref<64xi32, #tpu.memory_space<vmem>>
      %dma_start3A_323 = arith.constant 0 : i32
      %dma_start3A_324 = arith.constant 0 : i32
      %dma_start3A_325 = tpu.memref_slice %arg2[%dma_start3A_323, %dma_start3A_324] : memref<10000x128xf32, #tpu.memory_space<hbm>> -> memref<10000x128xf32, #tpu.memory_space<hbm>>
      tpu.enqueue_indirect_dma source(%dma_start3A_325 : memref<10000x128xf32, #tpu.memory_space<hbm>>) target(%arg11 : memref<64x128xf32, #tpu.memory_space<vmem>>) offsets(%dma_start3A_322 : memref<64xi32, #tpu.memory_space<vmem>>) semaphore(%arg19 : memref<!tpu.dma_semaphore, #tpu.memory_space<semaphore_mem>>)
      %dma_wait3A_326 = arith.constant 11 : i32
      %dma_wait3A_327 = arith.constant 0 : i32
      %dma_wait3A_328 = tpu.memref_slice %arg7[%dma_wait3A_326, %dma_wait3A_327] : memref<16x64xi32, #tpu.memory_space<vmem>> -> memref<1x64xi32, #tpu.memory_space<vmem>>
      %dma_wait3A_329 = tpu.memref_squeeze %dma_wait3A_328 : memref<1x64xi32, #tpu.memory_space<vmem>> -> memref<64xi32, #tpu.memory_space<vmem>>
      %dma_wait3A_330 = arith.constant 0 : i32
      %dma_wait3A_331 = arith.constant 0 : i32
      %dma_wait3A_332 = tpu.memref_slice %arg2[%dma_wait3A_330, %dma_wait3A_331] : memref<10000x128xf32, #tpu.memory_space<hbm>> -> memref<10000x128xf32, #tpu.memory_space<hbm>>
      tpu.wait_indirect_dma semaphore(%arg20 : memref<!tpu.dma_semaphore, #tpu.memory_space<semaphore_mem>>) src(%dma_wait3A_332 : memref<10000x128xf32, #tpu.memory_space<hbm>>) dst(%arg12 : memref<64x128xf32, #tpu.memory_space<vmem>>)
      %run_scoped3A_333 = arith.constant 11 : i32
      "tpu.region"() ({
        %run_scoped3A_378 = tpu.sem_alloc : memref<!tpu.dma_semaphore, #tpu.memory_space<semaphore_mem>>
        %dma_start3A_379 = arith.constant 0 : i32
        %dma_start3A_380 = tpu.memref_slice %arg8[%run_scoped3A_333, %dma_start3A_379] : memref<16x64xi32, #tpu.memory_space<vmem>> -> memref<1x64xi32, #tpu.memory_space<vmem>>
        %dma_start3A_381 = tpu.memref_squeeze %dma_start3A_380 : memref<1x64xi32, #tpu.memory_space<vmem>> -> memref<64xi32, #tpu.memory_space<vmem>>
        %dma_start3A_382 = arith.constant 0 : i32
        %dma_start3A_383 = arith.constant 0 : i32
        %dma_start3A_384 = tpu.memref_slice %arg15[%dma_start3A_382, %dma_start3A_383] : memref<10240x128xf32, #tpu.memory_space<vmem_shared>> -> memref<10240x128xf32, #tpu.memory_space<vmem_shared>>
        tpu.enqueue_indirect_dma source(%arg12 : memref<64x128xf32, #tpu.memory_space<vmem>>) target(%dma_start3A_384 : memref<10240x128xf32, #tpu.memory_space<vmem_shared>>) offsets(%dma_start3A_381 : memref<64xi32, #tpu.memory_space<vmem>>) semaphore(%run_scoped3A_378 : memref<!tpu.dma_semaphore, #tpu.memory_space<semaphore_mem>>) {add = true}
        %dma_wait3A_385 = arith.constant 0 : i32
        %dma_wait3A_386 = tpu.memref_slice %arg8[%run_scoped3A_333, %dma_wait3A_385] : memref<16x64xi32, #tpu.memory_space<vmem>> -> memref<1x64xi32, #tpu.memory_space<vmem>>
        %dma_wait3A_387 = tpu.memref_squeeze %dma_wait3A_386 : memref<1x64xi32, #tpu.memory_space<vmem>> -> memref<64xi32, #tpu.memory_space<vmem>>
        %dma_wait3A_388 = arith.constant 0 : i32
        %dma_wait3A_389 = arith.constant 0 : i32
        %dma_wait3A_390 = tpu.memref_slice %arg15[%dma_wait3A_388, %dma_wait3A_389] : memref<10240x128xf32, #tpu.memory_space<vmem_shared>> -> memref<10240x128xf32, #tpu.memory_space<vmem_shared>>
        tpu.wait_indirect_dma semaphore(%run_scoped3A_378 : memref<!tpu.dma_semaphore, #tpu.memory_space<semaphore_mem>>) src(%arg12 : memref<64x128xf32, #tpu.memory_space<vmem>>) dst(%dma_wait3A_390 : memref<10240x128xf32, #tpu.memory_space<vmem_shared>>)
        tpu.yield
      }) : () -> ()
      %run_scoped3A_334 = arith.constant 11 : i32
      "tpu.region"() ({
        %run_scoped3A_378 = tpu.sem_alloc : memref<!tpu.dma_semaphore, #tpu.memory_space<semaphore_mem>>
        %dma_start3A_379 = arith.constant 0 : i32
        %dma_start3A_380 = tpu.memref_slice %arg8[%run_scoped3A_334, %dma_start3A_379] : memref<16x64xi32, #tpu.memory_space<vmem>> -> memref<1x64xi32, #tpu.memory_space<vmem>>
        %dma_start3A_381 = tpu.memref_squeeze %dma_start3A_380 : memref<1x64xi32, #tpu.memory_space<vmem>> -> memref<64xi32, #tpu.memory_space<vmem>>
        %dma_start3A_382 = arith.constant 0 : i32
        %dma_start3A_383 = tpu.memref_slice %arg16[%dma_start3A_382] : memref<10240xf32, #tpu.memory_space<vmem_shared>> -> memref<10240xf32, #tpu.memory_space<vmem_shared>>
        tpu.enqueue_indirect_dma source(%arg13 : memref<64xf32, #tpu.memory_space<vmem>>) target(%dma_start3A_383 : memref<10240xf32, #tpu.memory_space<vmem_shared>>) offsets(%dma_start3A_381 : memref<64xi32, #tpu.memory_space<vmem>>) semaphore(%run_scoped3A_378 : memref<!tpu.dma_semaphore, #tpu.memory_space<semaphore_mem>>) {add = true}
        %dma_wait3A_384 = arith.constant 0 : i32
        %dma_wait3A_385 = tpu.memref_slice %arg8[%run_scoped3A_334, %dma_wait3A_384] : memref<16x64xi32, #tpu.memory_space<vmem>> -> memref<1x64xi32, #tpu.memory_space<vmem>>
        %dma_wait3A_386 = tpu.memref_squeeze %dma_wait3A_385 : memref<1x64xi32, #tpu.memory_space<vmem>> -> memref<64xi32, #tpu.memory_space<vmem>>
        %dma_wait3A_387 = arith.constant 0 : i32
        %dma_wait3A_388 = tpu.memref_slice %arg16[%dma_wait3A_387] : memref<10240xf32, #tpu.memory_space<vmem_shared>> -> memref<10240xf32, #tpu.memory_space<vmem_shared>>
        tpu.wait_indirect_dma semaphore(%run_scoped3A_378 : memref<!tpu.dma_semaphore, #tpu.memory_space<semaphore_mem>>) src(%arg13 : memref<64xf32, #tpu.memory_space<vmem>>) dst(%dma_wait3A_388 : memref<10240xf32, #tpu.memory_space<vmem_shared>>)
        tpu.yield
      }) : () -> ()
      %dma_start3A_335 = arith.constant 15 : i32
      %dma_start3A_336 = arith.constant 0 : i32
      %dma_start3A_337 = tpu.memref_slice %arg7[%dma_start3A_335, %dma_start3A_336] : memref<16x64xi32, #tpu.memory_space<vmem>> -> memref<1x64xi32, #tpu.memory_space<vmem>>
      %dma_start3A_338 = tpu.memref_squeeze %dma_start3A_337 : memref<1x64xi32, #tpu.memory_space<vmem>> -> memref<64xi32, #tpu.memory_space<vmem>>
      %dma_start3A_339 = arith.constant 0 : i32
      %dma_start3A_340 = arith.constant 0 : i32
      %dma_start3A_341 = tpu.memref_slice %arg2[%dma_start3A_339, %dma_start3A_340] : memref<10000x128xf32, #tpu.memory_space<hbm>> -> memref<10000x128xf32, #tpu.memory_space<hbm>>
      tpu.enqueue_indirect_dma source(%dma_start3A_341 : memref<10000x128xf32, #tpu.memory_space<hbm>>) target(%arg12 : memref<64x128xf32, #tpu.memory_space<vmem>>) offsets(%dma_start3A_338 : memref<64xi32, #tpu.memory_space<vmem>>) semaphore(%arg20 : memref<!tpu.dma_semaphore, #tpu.memory_space<semaphore_mem>>)
      %dma_wait3A_342 = arith.constant 12 : i32
      %dma_wait3A_343 = arith.constant 0 : i32
      %dma_wait3A_344 = tpu.memref_slice %arg7[%dma_wait3A_342, %dma_wait3A_343] : memref<16x64xi32, #tpu.memory_space<vmem>> -> memref<1x64xi32, #tpu.memory_space<vmem>>
      %dma_wait3A_345 = tpu.memref_squeeze %dma_wait3A_344 : memref<1x64xi32, #tpu.memory_space<vmem>> -> memref<64xi32, #tpu.memory_space<vmem>>
      %dma_wait3A_346 = arith.constant 0 : i32
      %dma_wait3A_347 = arith.constant 0 : i32
      %dma_wait3A_348 = tpu.memref_slice %arg2[%dma_wait3A_346, %dma_wait3A_347] : memref<10000x128xf32, #tpu.memory_space<hbm>> -> memref<10000x128xf32, #tpu.memory_space<hbm>>
      tpu.wait_indirect_dma semaphore(%arg17 : memref<!tpu.dma_semaphore, #tpu.memory_space<semaphore_mem>>) src(%dma_wait3A_348 : memref<10000x128xf32, #tpu.memory_space<hbm>>) dst(%arg9 : memref<64x128xf32, #tpu.memory_space<vmem>>)
      %run_scoped3A_349 = arith.constant 12 : i32
      "tpu.region"() ({
        %run_scoped3A_378 = tpu.sem_alloc : memref<!tpu.dma_semaphore, #tpu.memory_space<semaphore_mem>>
        %dma_start3A_379 = arith.constant 0 : i32
        %dma_start3A_380 = tpu.memref_slice %arg8[%run_scoped3A_349, %dma_start3A_379] : memref<16x64xi32, #tpu.memory_space<vmem>> -> memref<1x64xi32, #tpu.memory_space<vmem>>
        %dma_start3A_381 = tpu.memref_squeeze %dma_start3A_380 : memref<1x64xi32, #tpu.memory_space<vmem>> -> memref<64xi32, #tpu.memory_space<vmem>>
        %dma_start3A_382 = arith.constant 0 : i32
        %dma_start3A_383 = arith.constant 0 : i32
        %dma_start3A_384 = tpu.memref_slice %arg15[%dma_start3A_382, %dma_start3A_383] : memref<10240x128xf32, #tpu.memory_space<vmem_shared>> -> memref<10240x128xf32, #tpu.memory_space<vmem_shared>>
        tpu.enqueue_indirect_dma source(%arg9 : memref<64x128xf32, #tpu.memory_space<vmem>>) target(%dma_start3A_384 : memref<10240x128xf32, #tpu.memory_space<vmem_shared>>) offsets(%dma_start3A_381 : memref<64xi32, #tpu.memory_space<vmem>>) semaphore(%run_scoped3A_378 : memref<!tpu.dma_semaphore, #tpu.memory_space<semaphore_mem>>) {add = true}
        %dma_wait3A_385 = arith.constant 0 : i32
        %dma_wait3A_386 = tpu.memref_slice %arg8[%run_scoped3A_349, %dma_wait3A_385] : memref<16x64xi32, #tpu.memory_space<vmem>> -> memref<1x64xi32, #tpu.memory_space<vmem>>
        %dma_wait3A_387 = tpu.memref_squeeze %dma_wait3A_386 : memref<1x64xi32, #tpu.memory_space<vmem>> -> memref<64xi32, #tpu.memory_space<vmem>>
        %dma_wait3A_388 = arith.constant 0 : i32
        %dma_wait3A_389 = arith.constant 0 : i32
        %dma_wait3A_390 = tpu.memref_slice %arg15[%dma_wait3A_388, %dma_wait3A_389] : memref<10240x128xf32, #tpu.memory_space<vmem_shared>> -> memref<10240x128xf32, #tpu.memory_space<vmem_shared>>
        tpu.wait_indirect_dma semaphore(%run_scoped3A_378 : memref<!tpu.dma_semaphore, #tpu.memory_space<semaphore_mem>>) src(%arg9 : memref<64x128xf32, #tpu.memory_space<vmem>>) dst(%dma_wait3A_390 : memref<10240x128xf32, #tpu.memory_space<vmem_shared>>)
        tpu.yield
      }) : () -> ()
      %run_scoped3A_350 = arith.constant 12 : i32
      "tpu.region"() ({
        %run_scoped3A_378 = tpu.sem_alloc : memref<!tpu.dma_semaphore, #tpu.memory_space<semaphore_mem>>
        %dma_start3A_379 = arith.constant 0 : i32
        %dma_start3A_380 = tpu.memref_slice %arg8[%run_scoped3A_350, %dma_start3A_379] : memref<16x64xi32, #tpu.memory_space<vmem>> -> memref<1x64xi32, #tpu.memory_space<vmem>>
        %dma_start3A_381 = tpu.memref_squeeze %dma_start3A_380 : memref<1x64xi32, #tpu.memory_space<vmem>> -> memref<64xi32, #tpu.memory_space<vmem>>
        %dma_start3A_382 = arith.constant 0 : i32
        %dma_start3A_383 = tpu.memref_slice %arg16[%dma_start3A_382] : memref<10240xf32, #tpu.memory_space<vmem_shared>> -> memref<10240xf32, #tpu.memory_space<vmem_shared>>
        tpu.enqueue_indirect_dma source(%arg13 : memref<64xf32, #tpu.memory_space<vmem>>) target(%dma_start3A_383 : memref<10240xf32, #tpu.memory_space<vmem_shared>>) offsets(%dma_start3A_381 : memref<64xi32, #tpu.memory_space<vmem>>) semaphore(%run_scoped3A_378 : memref<!tpu.dma_semaphore, #tpu.memory_space<semaphore_mem>>) {add = true}
        %dma_wait3A_384 = arith.constant 0 : i32
        %dma_wait3A_385 = tpu.memref_slice %arg8[%run_scoped3A_350, %dma_wait3A_384] : memref<16x64xi32, #tpu.memory_space<vmem>> -> memref<1x64xi32, #tpu.memory_space<vmem>>
        %dma_wait3A_386 = tpu.memref_squeeze %dma_wait3A_385 : memref<1x64xi32, #tpu.memory_space<vmem>> -> memref<64xi32, #tpu.memory_space<vmem>>
        %dma_wait3A_387 = arith.constant 0 : i32
        %dma_wait3A_388 = tpu.memref_slice %arg16[%dma_wait3A_387] : memref<10240xf32, #tpu.memory_space<vmem_shared>> -> memref<10240xf32, #tpu.memory_space<vmem_shared>>
        tpu.wait_indirect_dma semaphore(%run_scoped3A_378 : memref<!tpu.dma_semaphore, #tpu.memory_space<semaphore_mem>>) src(%arg13 : memref<64xf32, #tpu.memory_space<vmem>>) dst(%dma_wait3A_388 : memref<10240xf32, #tpu.memory_space<vmem_shared>>)
        tpu.yield
      }) : () -> ()
      %dma_wait3A_351 = arith.constant 13 : i32
      %dma_wait3A_352 = arith.constant 0 : i32
      %dma_wait3A_353 = tpu.memref_slice %arg7[%dma_wait3A_351, %dma_wait3A_352] : memref<16x64xi32, #tpu.memory_space<vmem>> -> memref<1x64xi32, #tpu.memory_space<vmem>>
      %dma_wait3A_354 = tpu.memref_squeeze %dma_wait3A_353 : memref<1x64xi32, #tpu.memory_space<vmem>> -> memref<64xi32, #tpu.memory_space<vmem>>
      %dma_wait3A_355 = arith.constant 0 : i32
      %dma_wait3A_356 = arith.constant 0 : i32
      %dma_wait3A_357 = tpu.memref_slice %arg2[%dma_wait3A_355, %dma_wait3A_356] : memref<10000x128xf32, #tpu.memory_space<hbm>> -> memref<10000x128xf32, #tpu.memory_space<hbm>>
      tpu.wait_indirect_dma semaphore(%arg18 : memref<!tpu.dma_semaphore, #tpu.memory_space<semaphore_mem>>) src(%dma_wait3A_357 : memref<10000x128xf32, #tpu.memory_space<hbm>>) dst(%arg10 : memref<64x128xf32, #tpu.memory_space<vmem>>)
      %run_scoped3A_358 = arith.constant 13 : i32
      "tpu.region"() ({
        %run_scoped3A_378 = tpu.sem_alloc : memref<!tpu.dma_semaphore, #tpu.memory_space<semaphore_mem>>
        %dma_start3A_379 = arith.constant 0 : i32
        %dma_start3A_380 = tpu.memref_slice %arg8[%run_scoped3A_358, %dma_start3A_379] : memref<16x64xi32, #tpu.memory_space<vmem>> -> memref<1x64xi32, #tpu.memory_space<vmem>>
        %dma_start3A_381 = tpu.memref_squeeze %dma_start3A_380 : memref<1x64xi32, #tpu.memory_space<vmem>> -> memref<64xi32, #tpu.memory_space<vmem>>
        %dma_start3A_382 = arith.constant 0 : i32
        %dma_start3A_383 = arith.constant 0 : i32
        %dma_start3A_384 = tpu.memref_slice %arg15[%dma_start3A_382, %dma_start3A_383] : memref<10240x128xf32, #tpu.memory_space<vmem_shared>> -> memref<10240x128xf32, #tpu.memory_space<vmem_shared>>
        tpu.enqueue_indirect_dma source(%arg10 : memref<64x128xf32, #tpu.memory_space<vmem>>) target(%dma_start3A_384 : memref<10240x128xf32, #tpu.memory_space<vmem_shared>>) offsets(%dma_start3A_381 : memref<64xi32, #tpu.memory_space<vmem>>) semaphore(%run_scoped3A_378 : memref<!tpu.dma_semaphore, #tpu.memory_space<semaphore_mem>>) {add = true}
        %dma_wait3A_385 = arith.constant 0 : i32
        %dma_wait3A_386 = tpu.memref_slice %arg8[%run_scoped3A_358, %dma_wait3A_385] : memref<16x64xi32, #tpu.memory_space<vmem>> -> memref<1x64xi32, #tpu.memory_space<vmem>>
        %dma_wait3A_387 = tpu.memref_squeeze %dma_wait3A_386 : memref<1x64xi32, #tpu.memory_space<vmem>> -> memref<64xi32, #tpu.memory_space<vmem>>
        %dma_wait3A_388 = arith.constant 0 : i32
        %dma_wait3A_389 = arith.constant 0 : i32
        %dma_wait3A_390 = tpu.memref_slice %arg15[%dma_wait3A_388, %dma_wait3A_389] : memref<10240x128xf32, #tpu.memory_space<vmem_shared>> -> memref<10240x128xf32, #tpu.memory_space<vmem_shared>>
        tpu.wait_indirect_dma semaphore(%run_scoped3A_378 : memref<!tpu.dma_semaphore, #tpu.memory_space<semaphore_mem>>) src(%arg10 : memref<64x128xf32, #tpu.memory_space<vmem>>) dst(%dma_wait3A_390 : memref<10240x128xf32, #tpu.memory_space<vmem_shared>>)
        tpu.yield
      }) : () -> ()
      %run_scoped3A_359 = arith.constant 13 : i32
      "tpu.region"() ({
        %run_scoped3A_378 = tpu.sem_alloc : memref<!tpu.dma_semaphore, #tpu.memory_space<semaphore_mem>>
        %dma_start3A_379 = arith.constant 0 : i32
        %dma_start3A_380 = tpu.memref_slice %arg8[%run_scoped3A_359, %dma_start3A_379] : memref<16x64xi32, #tpu.memory_space<vmem>> -> memref<1x64xi32, #tpu.memory_space<vmem>>
        %dma_start3A_381 = tpu.memref_squeeze %dma_start3A_380 : memref<1x64xi32, #tpu.memory_space<vmem>> -> memref<64xi32, #tpu.memory_space<vmem>>
        %dma_start3A_382 = arith.constant 0 : i32
        %dma_start3A_383 = tpu.memref_slice %arg16[%dma_start3A_382] : memref<10240xf32, #tpu.memory_space<vmem_shared>> -> memref<10240xf32, #tpu.memory_space<vmem_shared>>
        tpu.enqueue_indirect_dma source(%arg13 : memref<64xf32, #tpu.memory_space<vmem>>) target(%dma_start3A_383 : memref<10240xf32, #tpu.memory_space<vmem_shared>>) offsets(%dma_start3A_381 : memref<64xi32, #tpu.memory_space<vmem>>) semaphore(%run_scoped3A_378 : memref<!tpu.dma_semaphore, #tpu.memory_space<semaphore_mem>>) {add = true}
        %dma_wait3A_384 = arith.constant 0 : i32
        %dma_wait3A_385 = tpu.memref_slice %arg8[%run_scoped3A_359, %dma_wait3A_384] : memref<16x64xi32, #tpu.memory_space<vmem>> -> memref<1x64xi32, #tpu.memory_space<vmem>>
        %dma_wait3A_386 = tpu.memref_squeeze %dma_wait3A_385 : memref<1x64xi32, #tpu.memory_space<vmem>> -> memref<64xi32, #tpu.memory_space<vmem>>
        %dma_wait3A_387 = arith.constant 0 : i32
        %dma_wait3A_388 = tpu.memref_slice %arg16[%dma_wait3A_387] : memref<10240xf32, #tpu.memory_space<vmem_shared>> -> memref<10240xf32, #tpu.memory_space<vmem_shared>>
        tpu.wait_indirect_dma semaphore(%run_scoped3A_378 : memref<!tpu.dma_semaphore, #tpu.memory_space<semaphore_mem>>) src(%arg13 : memref<64xf32, #tpu.memory_space<vmem>>) dst(%dma_wait3A_388 : memref<10240xf32, #tpu.memory_space<vmem_shared>>)
        tpu.yield
      }) : () -> ()
      %dma_wait3A_360 = arith.constant 14 : i32
      %dma_wait3A_361 = arith.constant 0 : i32
      %dma_wait3A_362 = tpu.memref_slice %arg7[%dma_wait3A_360, %dma_wait3A_361] : memref<16x64xi32, #tpu.memory_space<vmem>> -> memref<1x64xi32, #tpu.memory_space<vmem>>
      %dma_wait3A_363 = tpu.memref_squeeze %dma_wait3A_362 : memref<1x64xi32, #tpu.memory_space<vmem>> -> memref<64xi32, #tpu.memory_space<vmem>>
      %dma_wait3A_364 = arith.constant 0 : i32
      %dma_wait3A_365 = arith.constant 0 : i32
      %dma_wait3A_366 = tpu.memref_slice %arg2[%dma_wait3A_364, %dma_wait3A_365] : memref<10000x128xf32, #tpu.memory_space<hbm>> -> memref<10000x128xf32, #tpu.memory_space<hbm>>
      tpu.wait_indirect_dma semaphore(%arg19 : memref<!tpu.dma_semaphore, #tpu.memory_space<semaphore_mem>>) src(%dma_wait3A_366 : memref<10000x128xf32, #tpu.memory_space<hbm>>) dst(%arg11 : memref<64x128xf32, #tpu.memory_space<vmem>>)
      %run_scoped3A_367 = arith.constant 14 : i32
      "tpu.region"() ({
        %run_scoped3A_378 = tpu.sem_alloc : memref<!tpu.dma_semaphore, #tpu.memory_space<semaphore_mem>>
        %dma_start3A_379 = arith.constant 0 : i32
        %dma_start3A_380 = tpu.memref_slice %arg8[%run_scoped3A_367, %dma_start3A_379] : memref<16x64xi32, #tpu.memory_space<vmem>> -> memref<1x64xi32, #tpu.memory_space<vmem>>
        %dma_start3A_381 = tpu.memref_squeeze %dma_start3A_380 : memref<1x64xi32, #tpu.memory_space<vmem>> -> memref<64xi32, #tpu.memory_space<vmem>>
        %dma_start3A_382 = arith.constant 0 : i32
        %dma_start3A_383 = arith.constant 0 : i32
        %dma_start3A_384 = tpu.memref_slice %arg15[%dma_start3A_382, %dma_start3A_383] : memref<10240x128xf32, #tpu.memory_space<vmem_shared>> -> memref<10240x128xf32, #tpu.memory_space<vmem_shared>>
        tpu.enqueue_indirect_dma source(%arg11 : memref<64x128xf32, #tpu.memory_space<vmem>>) target(%dma_start3A_384 : memref<10240x128xf32, #tpu.memory_space<vmem_shared>>) offsets(%dma_start3A_381 : memref<64xi32, #tpu.memory_space<vmem>>) semaphore(%run_scoped3A_378 : memref<!tpu.dma_semaphore, #tpu.memory_space<semaphore_mem>>) {add = true}
        %dma_wait3A_385 = arith.constant 0 : i32
        %dma_wait3A_386 = tpu.memref_slice %arg8[%run_scoped3A_367, %dma_wait3A_385] : memref<16x64xi32, #tpu.memory_space<vmem>> -> memref<1x64xi32, #tpu.memory_space<vmem>>
        %dma_wait3A_387 = tpu.memref_squeeze %dma_wait3A_386 : memref<1x64xi32, #tpu.memory_space<vmem>> -> memref<64xi32, #tpu.memory_space<vmem>>
        %dma_wait3A_388 = arith.constant 0 : i32
        %dma_wait3A_389 = arith.constant 0 : i32
        %dma_wait3A_390 = tpu.memref_slice %arg15[%dma_wait3A_388, %dma_wait3A_389] : memref<10240x128xf32, #tpu.memory_space<vmem_shared>> -> memref<10240x128xf32, #tpu.memory_space<vmem_shared>>
        tpu.wait_indirect_dma semaphore(%run_scoped3A_378 : memref<!tpu.dma_semaphore, #tpu.memory_space<semaphore_mem>>) src(%arg11 : memref<64x128xf32, #tpu.memory_space<vmem>>) dst(%dma_wait3A_390 : memref<10240x128xf32, #tpu.memory_space<vmem_shared>>)
        tpu.yield
      }) : () -> ()
      %run_scoped3A_368 = arith.constant 14 : i32
      "tpu.region"() ({
        %run_scoped3A_378 = tpu.sem_alloc : memref<!tpu.dma_semaphore, #tpu.memory_space<semaphore_mem>>
        %dma_start3A_379 = arith.constant 0 : i32
        %dma_start3A_380 = tpu.memref_slice %arg8[%run_scoped3A_368, %dma_start3A_379] : memref<16x64xi32, #tpu.memory_space<vmem>> -> memref<1x64xi32, #tpu.memory_space<vmem>>
        %dma_start3A_381 = tpu.memref_squeeze %dma_start3A_380 : memref<1x64xi32, #tpu.memory_space<vmem>> -> memref<64xi32, #tpu.memory_space<vmem>>
        %dma_start3A_382 = arith.constant 0 : i32
        %dma_start3A_383 = tpu.memref_slice %arg16[%dma_start3A_382] : memref<10240xf32, #tpu.memory_space<vmem_shared>> -> memref<10240xf32, #tpu.memory_space<vmem_shared>>
        tpu.enqueue_indirect_dma source(%arg13 : memref<64xf32, #tpu.memory_space<vmem>>) target(%dma_start3A_383 : memref<10240xf32, #tpu.memory_space<vmem_shared>>) offsets(%dma_start3A_381 : memref<64xi32, #tpu.memory_space<vmem>>) semaphore(%run_scoped3A_378 : memref<!tpu.dma_semaphore, #tpu.memory_space<semaphore_mem>>) {add = true}
        %dma_wait3A_384 = arith.constant 0 : i32
        %dma_wait3A_385 = tpu.memref_slice %arg8[%run_scoped3A_368, %dma_wait3A_384] : memref<16x64xi32, #tpu.memory_space<vmem>> -> memref<1x64xi32, #tpu.memory_space<vmem>>
        %dma_wait3A_386 = tpu.memref_squeeze %dma_wait3A_385 : memref<1x64xi32, #tpu.memory_space<vmem>> -> memref<64xi32, #tpu.memory_space<vmem>>
        %dma_wait3A_387 = arith.constant 0 : i32
        %dma_wait3A_388 = tpu.memref_slice %arg16[%dma_wait3A_387] : memref<10240xf32, #tpu.memory_space<vmem_shared>> -> memref<10240xf32, #tpu.memory_space<vmem_shared>>
        tpu.wait_indirect_dma semaphore(%run_scoped3A_378 : memref<!tpu.dma_semaphore, #tpu.memory_space<semaphore_mem>>) src(%arg13 : memref<64xf32, #tpu.memory_space<vmem>>) dst(%dma_wait3A_388 : memref<10240xf32, #tpu.memory_space<vmem_shared>>)
        tpu.yield
      }) : () -> ()
      %dma_wait3A_369 = arith.constant 15 : i32
      %dma_wait3A_370 = arith.constant 0 : i32
      %dma_wait3A_371 = tpu.memref_slice %arg7[%dma_wait3A_369, %dma_wait3A_370] : memref<16x64xi32, #tpu.memory_space<vmem>> -> memref<1x64xi32, #tpu.memory_space<vmem>>
      %dma_wait3A_372 = tpu.memref_squeeze %dma_wait3A_371 : memref<1x64xi32, #tpu.memory_space<vmem>> -> memref<64xi32, #tpu.memory_space<vmem>>
      %dma_wait3A_373 = arith.constant 0 : i32
      %dma_wait3A_374 = arith.constant 0 : i32
      %dma_wait3A_375 = tpu.memref_slice %arg2[%dma_wait3A_373, %dma_wait3A_374] : memref<10000x128xf32, #tpu.memory_space<hbm>> -> memref<10000x128xf32, #tpu.memory_space<hbm>>
      tpu.wait_indirect_dma semaphore(%arg20 : memref<!tpu.dma_semaphore, #tpu.memory_space<semaphore_mem>>) src(%dma_wait3A_375 : memref<10000x128xf32, #tpu.memory_space<hbm>>) dst(%arg12 : memref<64x128xf32, #tpu.memory_space<vmem>>)
      %run_scoped3A_376 = arith.constant 15 : i32
      "tpu.region"() ({
        %run_scoped3A_378 = tpu.sem_alloc : memref<!tpu.dma_semaphore, #tpu.memory_space<semaphore_mem>>
        %dma_start3A_379 = arith.constant 0 : i32
        %dma_start3A_380 = tpu.memref_slice %arg8[%run_scoped3A_376, %dma_start3A_379] : memref<16x64xi32, #tpu.memory_space<vmem>> -> memref<1x64xi32, #tpu.memory_space<vmem>>
        %dma_start3A_381 = tpu.memref_squeeze %dma_start3A_380 : memref<1x64xi32, #tpu.memory_space<vmem>> -> memref<64xi32, #tpu.memory_space<vmem>>
        %dma_start3A_382 = arith.constant 0 : i32
        %dma_start3A_383 = arith.constant 0 : i32
        %dma_start3A_384 = tpu.memref_slice %arg15[%dma_start3A_382, %dma_start3A_383] : memref<10240x128xf32, #tpu.memory_space<vmem_shared>> -> memref<10240x128xf32, #tpu.memory_space<vmem_shared>>
        tpu.enqueue_indirect_dma source(%arg12 : memref<64x128xf32, #tpu.memory_space<vmem>>) target(%dma_start3A_384 : memref<10240x128xf32, #tpu.memory_space<vmem_shared>>) offsets(%dma_start3A_381 : memref<64xi32, #tpu.memory_space<vmem>>) semaphore(%run_scoped3A_378 : memref<!tpu.dma_semaphore, #tpu.memory_space<semaphore_mem>>) {add = true}
        %dma_wait3A_385 = arith.constant 0 : i32
        %dma_wait3A_386 = tpu.memref_slice %arg8[%run_scoped3A_376, %dma_wait3A_385] : memref<16x64xi32, #tpu.memory_space<vmem>> -> memref<1x64xi32, #tpu.memory_space<vmem>>
        %dma_wait3A_387 = tpu.memref_squeeze %dma_wait3A_386 : memref<1x64xi32, #tpu.memory_space<vmem>> -> memref<64xi32, #tpu.memory_space<vmem>>
        %dma_wait3A_388 = arith.constant 0 : i32
        %dma_wait3A_389 = arith.constant 0 : i32
        %dma_wait3A_390 = tpu.memref_slice %arg15[%dma_wait3A_388, %dma_wait3A_389] : memref<10240x128xf32, #tpu.memory_space<vmem_shared>> -> memref<10240x128xf32, #tpu.memory_space<vmem_shared>>
        tpu.wait_indirect_dma semaphore(%run_scoped3A_378 : memref<!tpu.dma_semaphore, #tpu.memory_space<semaphore_mem>>) src(%arg12 : memref<64x128xf32, #tpu.memory_space<vmem>>) dst(%dma_wait3A_390 : memref<10240x128xf32, #tpu.memory_space<vmem_shared>>)
        tpu.yield
      }) : () -> ()
      %run_scoped3A_377 = arith.constant 15 : i32
      "tpu.region"() ({
        %run_scoped3A_378 = tpu.sem_alloc : memref<!tpu.dma_semaphore, #tpu.memory_space<semaphore_mem>>
        %dma_start3A_379 = arith.constant 0 : i32
        %dma_start3A_380 = tpu.memref_slice %arg8[%run_scoped3A_377, %dma_start3A_379] : memref<16x64xi32, #tpu.memory_space<vmem>> -> memref<1x64xi32, #tpu.memory_space<vmem>>
        %dma_start3A_381 = tpu.memref_squeeze %dma_start3A_380 : memref<1x64xi32, #tpu.memory_space<vmem>> -> memref<64xi32, #tpu.memory_space<vmem>>
        %dma_start3A_382 = arith.constant 0 : i32
        %dma_start3A_383 = tpu.memref_slice %arg16[%dma_start3A_382] : memref<10240xf32, #tpu.memory_space<vmem_shared>> -> memref<10240xf32, #tpu.memory_space<vmem_shared>>
        tpu.enqueue_indirect_dma source(%arg13 : memref<64xf32, #tpu.memory_space<vmem>>) target(%dma_start3A_383 : memref<10240xf32, #tpu.memory_space<vmem_shared>>) offsets(%dma_start3A_381 : memref<64xi32, #tpu.memory_space<vmem>>) semaphore(%run_scoped3A_378 : memref<!tpu.dma_semaphore, #tpu.memory_space<semaphore_mem>>) {add = true}
        %dma_wait3A_384 = arith.constant 0 : i32
        %dma_wait3A_385 = tpu.memref_slice %arg8[%run_scoped3A_377, %dma_wait3A_384] : memref<16x64xi32, #tpu.memory_space<vmem>> -> memref<1x64xi32, #tpu.memory_space<vmem>>
        %dma_wait3A_386 = tpu.memref_squeeze %dma_wait3A_385 : memref<1x64xi32, #tpu.memory_space<vmem>> -> memref<64xi32, #tpu.memory_space<vmem>>
        %dma_wait3A_387 = arith.constant 0 : i32
        %dma_wait3A_388 = tpu.memref_slice %arg16[%dma_wait3A_387] : memref<10240xf32, #tpu.memory_space<vmem_shared>> -> memref<10240xf32, #tpu.memory_space<vmem_shared>>
        tpu.wait_indirect_dma semaphore(%run_scoped3A_378 : memref<!tpu.dma_semaphore, #tpu.memory_space<semaphore_mem>>) src(%arg13 : memref<64xf32, #tpu.memory_space<vmem>>) dst(%dma_wait3A_388 : memref<10240xf32, #tpu.memory_space<vmem_shared>>)
        tpu.yield
      }) : () -> ()
    }
    %scan3A_43 = arith.constant 10 : i32
    %barrier3A_44 = arith.constant 0 : index
    tpu.barrier barrier_id(%barrier3A_44)
    %add3A_45 = arith.constant 0 : i32
    %add3A_46 = arith.addi %mul3A_2, %add3A_45 : i32
    "tpu.region"() ({
      %run_scoped3A = tpu.sem_alloc : memref<!tpu.dma_semaphore, #tpu.memory_space<semaphore_mem>>
      %dma_start3A = arith.constant 0 : i32
      %dma_start3A_118 = tpu.memref_slice %arg15[%add3A_46, %dma_start3A] : memref<10240x128xf32, #tpu.memory_space<vmem_shared>> -> memref<64x128xf32, #tpu.memory_space<vmem_shared>>
      %dma_start3A_119 = arith.constant 0 : i32
      %dma_start3A_120 = tpu.memref_slice %arg15[%add3A_46, %dma_start3A_119] : memref<10240x128xf32, #tpu.memory_space<vmem_shared>> -> memref<64x128xf32, #tpu.memory_space<vmem_shared>>
      tpu.enqueue_dma source(%dma_start3A_120 : memref<64x128xf32, #tpu.memory_space<vmem_shared>>) target(%arg9 : memref<64x128xf32, #tpu.memory_space<vmem>>) target_semaphore(%run_scoped3A : memref<!tpu.dma_semaphore, #tpu.memory_space<semaphore_mem>>)
      %dma_wait3A = arith.constant 0 : i32
      %dma_wait3A_121 = tpu.memref_slice %arg15[%add3A_46, %dma_wait3A] : memref<10240x128xf32, #tpu.memory_space<vmem_shared>> -> memref<64x128xf32, #tpu.memory_space<vmem_shared>>
      %dma_wait3A_122 = arith.constant 0 : i32
      %dma_wait3A_123 = tpu.memref_slice %arg15[%add3A_46, %dma_wait3A_122] : memref<10240x128xf32, #tpu.memory_space<vmem_shared>> -> memref<64x128xf32, #tpu.memory_space<vmem_shared>>
      tpu.wait_dma2 semaphore(%run_scoped3A : memref<!tpu.dma_semaphore, #tpu.memory_space<semaphore_mem>>) src(%dma_wait3A_123 : memref<64x128xf32, #tpu.memory_space<vmem_shared>>) dst(%arg9 : memref<64x128xf32, #tpu.memory_space<vmem>>)
      tpu.yield
    }) : () -> ()
    %mul3A_47 = arith.constant 10240 : i32
    %mul3A_48 = arith.muli %arg0, %mul3A_47 : i32
    %add3A_49 = arith.addi %mul3A_48, %mul3A_2 : i32
    %add3A_50 = arith.constant 0 : i32
    %add3A_51 = arith.addi %add3A_49, %add3A_50 : i32
    "tpu.region"() ({
      %run_scoped3A = tpu.sem_alloc : memref<!tpu.dma_semaphore, #tpu.memory_space<semaphore_mem>>
      %dma_start3A = arith.constant 0 : i32
      %dma_start3A_118 = tpu.memref_slice %arg5[%add3A_51, %dma_start3A] : memref<20480x128xf32, #tpu.memory_space<hbm>> -> memref<64x128xf32, #tpu.memory_space<hbm>>
      %dma_start3A_119 = arith.constant 0 : i32
      %dma_start3A_120 = tpu.memref_slice %arg5[%add3A_51, %dma_start3A_119] : memref<20480x128xf32, #tpu.memory_space<hbm>> -> memref<64x128xf32, #tpu.memory_space<hbm>>
      tpu.enqueue_dma source(%arg9 : memref<64x128xf32, #tpu.memory_space<vmem>>) target(%dma_start3A_120 : memref<64x128xf32, #tpu.memory_space<hbm>>) target_semaphore(%run_scoped3A : memref<!tpu.dma_semaphore, #tpu.memory_space<semaphore_mem>>)
      %dma_wait3A = arith.constant 0 : i32
      %dma_wait3A_121 = tpu.memref_slice %arg5[%add3A_51, %dma_wait3A] : memref<20480x128xf32, #tpu.memory_space<hbm>> -> memref<64x128xf32, #tpu.memory_space<hbm>>
      %dma_wait3A_122 = arith.constant 0 : i32
      %dma_wait3A_123 = tpu.memref_slice %arg5[%add3A_51, %dma_wait3A_122] : memref<20480x128xf32, #tpu.memory_space<hbm>> -> memref<64x128xf32, #tpu.memory_space<hbm>>
      tpu.wait_dma2 semaphore(%run_scoped3A : memref<!tpu.dma_semaphore, #tpu.memory_space<semaphore_mem>>) src(%arg9 : memref<64x128xf32, #tpu.memory_space<vmem>>) dst(%dma_wait3A_123 : memref<64x128xf32, #tpu.memory_space<hbm>>)
      tpu.yield
    }) : () -> ()
    %add3A_52 = arith.constant 64 : i32
    %add3A_53 = arith.addi %mul3A_2, %add3A_52 : i32
    "tpu.region"() ({
      %run_scoped3A = tpu.sem_alloc : memref<!tpu.dma_semaphore, #tpu.memory_space<semaphore_mem>>
      %dma_start3A = arith.constant 0 : i32
      %dma_start3A_118 = tpu.memref_slice %arg15[%add3A_53, %dma_start3A] : memref<10240x128xf32, #tpu.memory_space<vmem_shared>> -> memref<64x128xf32, #tpu.memory_space<vmem_shared>>
      %dma_start3A_119 = arith.constant 0 : i32
      %dma_start3A_120 = tpu.memref_slice %arg15[%add3A_53, %dma_start3A_119] : memref<10240x128xf32, #tpu.memory_space<vmem_shared>> -> memref<64x128xf32, #tpu.memory_space<vmem_shared>>
      tpu.enqueue_dma source(%dma_start3A_120 : memref<64x128xf32, #tpu.memory_space<vmem_shared>>) target(%arg9 : memref<64x128xf32, #tpu.memory_space<vmem>>) target_semaphore(%run_scoped3A : memref<!tpu.dma_semaphore, #tpu.memory_space<semaphore_mem>>)
      %dma_wait3A = arith.constant 0 : i32
      %dma_wait3A_121 = tpu.memref_slice %arg15[%add3A_53, %dma_wait3A] : memref<10240x128xf32, #tpu.memory_space<vmem_shared>> -> memref<64x128xf32, #tpu.memory_space<vmem_shared>>
      %dma_wait3A_122 = arith.constant 0 : i32
      %dma_wait3A_123 = tpu.memref_slice %arg15[%add3A_53, %dma_wait3A_122] : memref<10240x128xf32, #tpu.memory_space<vmem_shared>> -> memref<64x128xf32, #tpu.memory_space<vmem_shared>>
      tpu.wait_dma2 semaphore(%run_scoped3A : memref<!tpu.dma_semaphore, #tpu.memory_space<semaphore_mem>>) src(%dma_wait3A_123 : memref<64x128xf32, #tpu.memory_space<vmem_shared>>) dst(%arg9 : memref<64x128xf32, #tpu.memory_space<vmem>>)
      tpu.yield
    }) : () -> ()
    %mul3A_54 = arith.constant 10240 : i32
    %mul3A_55 = arith.muli %arg0, %mul3A_54 : i32
    %add3A_56 = arith.addi %mul3A_55, %mul3A_2 : i32
    %add3A_57 = arith.constant 64 : i32
    %add3A_58 = arith.addi %add3A_56, %add3A_57 : i32
    "tpu.region"() ({
      %run_scoped3A = tpu.sem_alloc : memref<!tpu.dma_semaphore, #tpu.memory_space<semaphore_mem>>
      %dma_start3A = arith.constant 0 : i32
      %dma_start3A_118 = tpu.memref_slice %arg5[%add3A_58, %dma_start3A] : memref<20480x128xf32, #tpu.memory_space<hbm>> -> memref<64x128xf32, #tpu.memory_space<hbm>>
      %dma_start3A_119 = arith.constant 0 : i32
      %dma_start3A_120 = tpu.memref_slice %arg5[%add3A_58, %dma_start3A_119] : memref<20480x128xf32, #tpu.memory_space<hbm>> -> memref<64x128xf32, #tpu.memory_space<hbm>>
      tpu.enqueue_dma source(%arg9 : memref<64x128xf32, #tpu.memory_space<vmem>>) target(%dma_start3A_120 : memref<64x128xf32, #tpu.memory_space<hbm>>) target_semaphore(%run_scoped3A : memref<!tpu.dma_semaphore, #tpu.memory_space<semaphore_mem>>)
      %dma_wait3A = arith.constant 0 : i32
      %dma_wait3A_121 = tpu.memref_slice %arg5[%add3A_58, %dma_wait3A] : memref<20480x128xf32, #tpu.memory_space<hbm>> -> memref<64x128xf32, #tpu.memory_space<hbm>>
      %dma_wait3A_122 = arith.constant 0 : i32
      %dma_wait3A_123 = tpu.memref_slice %arg5[%add3A_58, %dma_wait3A_122] : memref<20480x128xf32, #tpu.memory_space<hbm>> -> memref<64x128xf32, #tpu.memory_space<hbm>>
      tpu.wait_dma2 semaphore(%run_scoped3A : memref<!tpu.dma_semaphore, #tpu.memory_space<semaphore_mem>>) src(%arg9 : memref<64x128xf32, #tpu.memory_space<vmem>>) dst(%dma_wait3A_123 : memref<64x128xf32, #tpu.memory_space<hbm>>)
      tpu.yield
    }) : () -> ()
    %add3A_59 = arith.constant 128 : i32
    %add3A_60 = arith.addi %mul3A_2, %add3A_59 : i32
    "tpu.region"() ({
      %run_scoped3A = tpu.sem_alloc : memref<!tpu.dma_semaphore, #tpu.memory_space<semaphore_mem>>
      %dma_start3A = arith.constant 0 : i32
      %dma_start3A_118 = tpu.memref_slice %arg15[%add3A_60, %dma_start3A] : memref<10240x128xf32, #tpu.memory_space<vmem_shared>> -> memref<64x128xf32, #tpu.memory_space<vmem_shared>>
      %dma_start3A_119 = arith.constant 0 : i32
      %dma_start3A_120 = tpu.memref_slice %arg15[%add3A_60, %dma_start3A_119] : memref<10240x128xf32, #tpu.memory_space<vmem_shared>> -> memref<64x128xf32, #tpu.memory_space<vmem_shared>>
      tpu.enqueue_dma source(%dma_start3A_120 : memref<64x128xf32, #tpu.memory_space<vmem_shared>>) target(%arg9 : memref<64x128xf32, #tpu.memory_space<vmem>>) target_semaphore(%run_scoped3A : memref<!tpu.dma_semaphore, #tpu.memory_space<semaphore_mem>>)
      %dma_wait3A = arith.constant 0 : i32
      %dma_wait3A_121 = tpu.memref_slice %arg15[%add3A_60, %dma_wait3A] : memref<10240x128xf32, #tpu.memory_space<vmem_shared>> -> memref<64x128xf32, #tpu.memory_space<vmem_shared>>
      %dma_wait3A_122 = arith.constant 0 : i32
      %dma_wait3A_123 = tpu.memref_slice %arg15[%add3A_60, %dma_wait3A_122] : memref<10240x128xf32, #tpu.memory_space<vmem_shared>> -> memref<64x128xf32, #tpu.memory_space<vmem_shared>>
      tpu.wait_dma2 semaphore(%run_scoped3A : memref<!tpu.dma_semaphore, #tpu.memory_space<semaphore_mem>>) src(%dma_wait3A_123 : memref<64x128xf32, #tpu.memory_space<vmem_shared>>) dst(%arg9 : memref<64x128xf32, #tpu.memory_space<vmem>>)
      tpu.yield
    }) : () -> ()
    %mul3A_61 = arith.constant 10240 : i32
    %mul3A_62 = arith.muli %arg0, %mul3A_61 : i32
    %add3A_63 = arith.addi %mul3A_62, %mul3A_2 : i32
    %add3A_64 = arith.constant 128 : i32
    %add3A_65 = arith.addi %add3A_63, %add3A_64 : i32
    "tpu.region"() ({
      %run_scoped3A = tpu.sem_alloc : memref<!tpu.dma_semaphore, #tpu.memory_space<semaphore_mem>>
      %dma_start3A = arith.constant 0 : i32
      %dma_start3A_118 = tpu.memref_slice %arg5[%add3A_65, %dma_start3A] : memref<20480x128xf32, #tpu.memory_space<hbm>> -> memref<64x128xf32, #tpu.memory_space<hbm>>
      %dma_start3A_119 = arith.constant 0 : i32
      %dma_start3A_120 = tpu.memref_slice %arg5[%add3A_65, %dma_start3A_119] : memref<20480x128xf32, #tpu.memory_space<hbm>> -> memref<64x128xf32, #tpu.memory_space<hbm>>
      tpu.enqueue_dma source(%arg9 : memref<64x128xf32, #tpu.memory_space<vmem>>) target(%dma_start3A_120 : memref<64x128xf32, #tpu.memory_space<hbm>>) target_semaphore(%run_scoped3A : memref<!tpu.dma_semaphore, #tpu.memory_space<semaphore_mem>>)
      %dma_wait3A = arith.constant 0 : i32
      %dma_wait3A_121 = tpu.memref_slice %arg5[%add3A_65, %dma_wait3A] : memref<20480x128xf32, #tpu.memory_space<hbm>> -> memref<64x128xf32, #tpu.memory_space<hbm>>
      %dma_wait3A_122 = arith.constant 0 : i32
      %dma_wait3A_123 = tpu.memref_slice %arg5[%add3A_65, %dma_wait3A_122] : memref<20480x128xf32, #tpu.memory_space<hbm>> -> memref<64x128xf32, #tpu.memory_space<hbm>>
      tpu.wait_dma2 semaphore(%run_scoped3A : memref<!tpu.dma_semaphore, #tpu.memory_space<semaphore_mem>>) src(%arg9 : memref<64x128xf32, #tpu.memory_space<vmem>>) dst(%dma_wait3A_123 : memref<64x128xf32, #tpu.memory_space<hbm>>)
      tpu.yield
    }) : () -> ()
    %add3A_66 = arith.constant 192 : i32
    %add3A_67 = arith.addi %mul3A_2, %add3A_66 : i32
    "tpu.region"() ({
      %run_scoped3A = tpu.sem_alloc : memref<!tpu.dma_semaphore, #tpu.memory_space<semaphore_mem>>
      %dma_start3A = arith.constant 0 : i32
      %dma_start3A_118 = tpu.memref_slice %arg15[%add3A_67, %dma_start3A] : memref<10240x128xf32, #tpu.memory_space<vmem_shared>> -> memref<64x128xf32, #tpu.memory_space<vmem_shared>>
      %dma_start3A_119 = arith.constant 0 : i32
      %dma_start3A_120 = tpu.memref_slice %arg15[%add3A_67, %dma_start3A_119] : memref<10240x128xf32, #tpu.memory_space<vmem_shared>> -> memref<64x128xf32, #tpu.memory_space<vmem_shared>>
      tpu.enqueue_dma source(%dma_start3A_120 : memref<64x128xf32, #tpu.memory_space<vmem_shared>>) target(%arg9 : memref<64x128xf32, #tpu.memory_space<vmem>>) target_semaphore(%run_scoped3A : memref<!tpu.dma_semaphore, #tpu.memory_space<semaphore_mem>>)
      %dma_wait3A = arith.constant 0 : i32
      %dma_wait3A_121 = tpu.memref_slice %arg15[%add3A_67, %dma_wait3A] : memref<10240x128xf32, #tpu.memory_space<vmem_shared>> -> memref<64x128xf32, #tpu.memory_space<vmem_shared>>
      %dma_wait3A_122 = arith.constant 0 : i32
      %dma_wait3A_123 = tpu.memref_slice %arg15[%add3A_67, %dma_wait3A_122] : memref<10240x128xf32, #tpu.memory_space<vmem_shared>> -> memref<64x128xf32, #tpu.memory_space<vmem_shared>>
      tpu.wait_dma2 semaphore(%run_scoped3A : memref<!tpu.dma_semaphore, #tpu.memory_space<semaphore_mem>>) src(%dma_wait3A_123 : memref<64x128xf32, #tpu.memory_space<vmem_shared>>) dst(%arg9 : memref<64x128xf32, #tpu.memory_space<vmem>>)
      tpu.yield
    }) : () -> ()
    %mul3A_68 = arith.constant 10240 : i32
    %mul3A_69 = arith.muli %arg0, %mul3A_68 : i32
    %add3A_70 = arith.addi %mul3A_69, %mul3A_2 : i32
    %add3A_71 = arith.constant 192 : i32
    %add3A_72 = arith.addi %add3A_70, %add3A_71 : i32
    "tpu.region"() ({
      %run_scoped3A = tpu.sem_alloc : memref<!tpu.dma_semaphore, #tpu.memory_space<semaphore_mem>>
      %dma_start3A = arith.constant 0 : i32
      %dma_start3A_118 = tpu.memref_slice %arg5[%add3A_72, %dma_start3A] : memref<20480x128xf32, #tpu.memory_space<hbm>> -> memref<64x128xf32, #tpu.memory_space<hbm>>
      %dma_start3A_119 = arith.constant 0 : i32
      %dma_start3A_120 = tpu.memref_slice %arg5[%add3A_72, %dma_start3A_119] : memref<20480x128xf32, #tpu.memory_space<hbm>> -> memref<64x128xf32, #tpu.memory_space<hbm>>
      tpu.enqueue_dma source(%arg9 : memref<64x128xf32, #tpu.memory_space<vmem>>) target(%dma_start3A_120 : memref<64x128xf32, #tpu.memory_space<hbm>>) target_semaphore(%run_scoped3A : memref<!tpu.dma_semaphore, #tpu.memory_space<semaphore_mem>>)
      %dma_wait3A = arith.constant 0 : i32
      %dma_wait3A_121 = tpu.memref_slice %arg5[%add3A_72, %dma_wait3A] : memref<20480x128xf32, #tpu.memory_space<hbm>> -> memref<64x128xf32, #tpu.memory_space<hbm>>
      %dma_wait3A_122 = arith.constant 0 : i32
      %dma_wait3A_123 = tpu.memref_slice %arg5[%add3A_72, %dma_wait3A_122] : memref<20480x128xf32, #tpu.memory_space<hbm>> -> memref<64x128xf32, #tpu.memory_space<hbm>>
      tpu.wait_dma2 semaphore(%run_scoped3A : memref<!tpu.dma_semaphore, #tpu.memory_space<semaphore_mem>>) src(%arg9 : memref<64x128xf32, #tpu.memory_space<vmem>>) dst(%dma_wait3A_123 : memref<64x128xf32, #tpu.memory_space<hbm>>)
      tpu.yield
    }) : () -> ()
    %add3A_73 = arith.constant 256 : i32
    %add3A_74 = arith.addi %mul3A_2, %add3A_73 : i32
    "tpu.region"() ({
      %run_scoped3A = tpu.sem_alloc : memref<!tpu.dma_semaphore, #tpu.memory_space<semaphore_mem>>
      %dma_start3A = arith.constant 0 : i32
      %dma_start3A_118 = tpu.memref_slice %arg15[%add3A_74, %dma_start3A] : memref<10240x128xf32, #tpu.memory_space<vmem_shared>> -> memref<64x128xf32, #tpu.memory_space<vmem_shared>>
      %dma_start3A_119 = arith.constant 0 : i32
      %dma_start3A_120 = tpu.memref_slice %arg15[%add3A_74, %dma_start3A_119] : memref<10240x128xf32, #tpu.memory_space<vmem_shared>> -> memref<64x128xf32, #tpu.memory_space<vmem_shared>>
      tpu.enqueue_dma source(%dma_start3A_120 : memref<64x128xf32, #tpu.memory_space<vmem_shared>>) target(%arg9 : memref<64x128xf32, #tpu.memory_space<vmem>>) target_semaphore(%run_scoped3A : memref<!tpu.dma_semaphore, #tpu.memory_space<semaphore_mem>>)
      %dma_wait3A = arith.constant 0 : i32
      %dma_wait3A_121 = tpu.memref_slice %arg15[%add3A_74, %dma_wait3A] : memref<10240x128xf32, #tpu.memory_space<vmem_shared>> -> memref<64x128xf32, #tpu.memory_space<vmem_shared>>
      %dma_wait3A_122 = arith.constant 0 : i32
      %dma_wait3A_123 = tpu.memref_slice %arg15[%add3A_74, %dma_wait3A_122] : memref<10240x128xf32, #tpu.memory_space<vmem_shared>> -> memref<64x128xf32, #tpu.memory_space<vmem_shared>>
      tpu.wait_dma2 semaphore(%run_scoped3A : memref<!tpu.dma_semaphore, #tpu.memory_space<semaphore_mem>>) src(%dma_wait3A_123 : memref<64x128xf32, #tpu.memory_space<vmem_shared>>) dst(%arg9 : memref<64x128xf32, #tpu.memory_space<vmem>>)
      tpu.yield
    }) : () -> ()
    %mul3A_75 = arith.constant 10240 : i32
    %mul3A_76 = arith.muli %arg0, %mul3A_75 : i32
    %add3A_77 = arith.addi %mul3A_76, %mul3A_2 : i32
    %add3A_78 = arith.constant 256 : i32
    %add3A_79 = arith.addi %add3A_77, %add3A_78 : i32
    "tpu.region"() ({
      %run_scoped3A = tpu.sem_alloc : memref<!tpu.dma_semaphore, #tpu.memory_space<semaphore_mem>>
      %dma_start3A = arith.constant 0 : i32
      %dma_start3A_118 = tpu.memref_slice %arg5[%add3A_79, %dma_start3A] : memref<20480x128xf32, #tpu.memory_space<hbm>> -> memref<64x128xf32, #tpu.memory_space<hbm>>
      %dma_start3A_119 = arith.constant 0 : i32
      %dma_start3A_120 = tpu.memref_slice %arg5[%add3A_79, %dma_start3A_119] : memref<20480x128xf32, #tpu.memory_space<hbm>> -> memref<64x128xf32, #tpu.memory_space<hbm>>
      tpu.enqueue_dma source(%arg9 : memref<64x128xf32, #tpu.memory_space<vmem>>) target(%dma_start3A_120 : memref<64x128xf32, #tpu.memory_space<hbm>>) target_semaphore(%run_scoped3A : memref<!tpu.dma_semaphore, #tpu.memory_space<semaphore_mem>>)
      %dma_wait3A = arith.constant 0 : i32
      %dma_wait3A_121 = tpu.memref_slice %arg5[%add3A_79, %dma_wait3A] : memref<20480x128xf32, #tpu.memory_space<hbm>> -> memref<64x128xf32, #tpu.memory_space<hbm>>
      %dma_wait3A_122 = arith.constant 0 : i32
      %dma_wait3A_123 = tpu.memref_slice %arg5[%add3A_79, %dma_wait3A_122] : memref<20480x128xf32, #tpu.memory_space<hbm>> -> memref<64x128xf32, #tpu.memory_space<hbm>>
      tpu.wait_dma2 semaphore(%run_scoped3A : memref<!tpu.dma_semaphore, #tpu.memory_space<semaphore_mem>>) src(%arg9 : memref<64x128xf32, #tpu.memory_space<vmem>>) dst(%dma_wait3A_123 : memref<64x128xf32, #tpu.memory_space<hbm>>)
      tpu.yield
    }) : () -> ()
    %add3A_80 = arith.constant 320 : i32
    %add3A_81 = arith.addi %mul3A_2, %add3A_80 : i32
    "tpu.region"() ({
      %run_scoped3A = tpu.sem_alloc : memref<!tpu.dma_semaphore, #tpu.memory_space<semaphore_mem>>
      %dma_start3A = arith.constant 0 : i32
      %dma_start3A_118 = tpu.memref_slice %arg15[%add3A_81, %dma_start3A] : memref<10240x128xf32, #tpu.memory_space<vmem_shared>> -> memref<64x128xf32, #tpu.memory_space<vmem_shared>>
      %dma_start3A_119 = arith.constant 0 : i32
      %dma_start3A_120 = tpu.memref_slice %arg15[%add3A_81, %dma_start3A_119] : memref<10240x128xf32, #tpu.memory_space<vmem_shared>> -> memref<64x128xf32, #tpu.memory_space<vmem_shared>>
      tpu.enqueue_dma source(%dma_start3A_120 : memref<64x128xf32, #tpu.memory_space<vmem_shared>>) target(%arg9 : memref<64x128xf32, #tpu.memory_space<vmem>>) target_semaphore(%run_scoped3A : memref<!tpu.dma_semaphore, #tpu.memory_space<semaphore_mem>>)
      %dma_wait3A = arith.constant 0 : i32
      %dma_wait3A_121 = tpu.memref_slice %arg15[%add3A_81, %dma_wait3A] : memref<10240x128xf32, #tpu.memory_space<vmem_shared>> -> memref<64x128xf32, #tpu.memory_space<vmem_shared>>
      %dma_wait3A_122 = arith.constant 0 : i32
      %dma_wait3A_123 = tpu.memref_slice %arg15[%add3A_81, %dma_wait3A_122] : memref<10240x128xf32, #tpu.memory_space<vmem_shared>> -> memref<64x128xf32, #tpu.memory_space<vmem_shared>>
      tpu.wait_dma2 semaphore(%run_scoped3A : memref<!tpu.dma_semaphore, #tpu.memory_space<semaphore_mem>>) src(%dma_wait3A_123 : memref<64x128xf32, #tpu.memory_space<vmem_shared>>) dst(%arg9 : memref<64x128xf32, #tpu.memory_space<vmem>>)
      tpu.yield
    }) : () -> ()
    %mul3A_82 = arith.constant 10240 : i32
    %mul3A_83 = arith.muli %arg0, %mul3A_82 : i32
    %add3A_84 = arith.addi %mul3A_83, %mul3A_2 : i32
    %add3A_85 = arith.constant 320 : i32
    %add3A_86 = arith.addi %add3A_84, %add3A_85 : i32
    "tpu.region"() ({
      %run_scoped3A = tpu.sem_alloc : memref<!tpu.dma_semaphore, #tpu.memory_space<semaphore_mem>>
      %dma_start3A = arith.constant 0 : i32
      %dma_start3A_118 = tpu.memref_slice %arg5[%add3A_86, %dma_start3A] : memref<20480x128xf32, #tpu.memory_space<hbm>> -> memref<64x128xf32, #tpu.memory_space<hbm>>
      %dma_start3A_119 = arith.constant 0 : i32
      %dma_start3A_120 = tpu.memref_slice %arg5[%add3A_86, %dma_start3A_119] : memref<20480x128xf32, #tpu.memory_space<hbm>> -> memref<64x128xf32, #tpu.memory_space<hbm>>
      tpu.enqueue_dma source(%arg9 : memref<64x128xf32, #tpu.memory_space<vmem>>) target(%dma_start3A_120 : memref<64x128xf32, #tpu.memory_space<hbm>>) target_semaphore(%run_scoped3A : memref<!tpu.dma_semaphore, #tpu.memory_space<semaphore_mem>>)
      %dma_wait3A = arith.constant 0 : i32
      %dma_wait3A_121 = tpu.memref_slice %arg5[%add3A_86, %dma_wait3A] : memref<20480x128xf32, #tpu.memory_space<hbm>> -> memref<64x128xf32, #tpu.memory_space<hbm>>
      %dma_wait3A_122 = arith.constant 0 : i32
      %dma_wait3A_123 = tpu.memref_slice %arg5[%add3A_86, %dma_wait3A_122] : memref<20480x128xf32, #tpu.memory_space<hbm>> -> memref<64x128xf32, #tpu.memory_space<hbm>>
      tpu.wait_dma2 semaphore(%run_scoped3A : memref<!tpu.dma_semaphore, #tpu.memory_space<semaphore_mem>>) src(%arg9 : memref<64x128xf32, #tpu.memory_space<vmem>>) dst(%dma_wait3A_123 : memref<64x128xf32, #tpu.memory_space<hbm>>)
      tpu.yield
    }) : () -> ()
    %add3A_87 = arith.constant 384 : i32
    %add3A_88 = arith.addi %mul3A_2, %add3A_87 : i32
    "tpu.region"() ({
      %run_scoped3A = tpu.sem_alloc : memref<!tpu.dma_semaphore, #tpu.memory_space<semaphore_mem>>
      %dma_start3A = arith.constant 0 : i32
      %dma_start3A_118 = tpu.memref_slice %arg15[%add3A_88, %dma_start3A] : memref<10240x128xf32, #tpu.memory_space<vmem_shared>> -> memref<64x128xf32, #tpu.memory_space<vmem_shared>>
      %dma_start3A_119 = arith.constant 0 : i32
      %dma_start3A_120 = tpu.memref_slice %arg15[%add3A_88, %dma_start3A_119] : memref<10240x128xf32, #tpu.memory_space<vmem_shared>> -> memref<64x128xf32, #tpu.memory_space<vmem_shared>>
      tpu.enqueue_dma source(%dma_start3A_120 : memref<64x128xf32, #tpu.memory_space<vmem_shared>>) target(%arg9 : memref<64x128xf32, #tpu.memory_space<vmem>>) target_semaphore(%run_scoped3A : memref<!tpu.dma_semaphore, #tpu.memory_space<semaphore_mem>>)
      %dma_wait3A = arith.constant 0 : i32
      %dma_wait3A_121 = tpu.memref_slice %arg15[%add3A_88, %dma_wait3A] : memref<10240x128xf32, #tpu.memory_space<vmem_shared>> -> memref<64x128xf32, #tpu.memory_space<vmem_shared>>
      %dma_wait3A_122 = arith.constant 0 : i32
      %dma_wait3A_123 = tpu.memref_slice %arg15[%add3A_88, %dma_wait3A_122] : memref<10240x128xf32, #tpu.memory_space<vmem_shared>> -> memref<64x128xf32, #tpu.memory_space<vmem_shared>>
      tpu.wait_dma2 semaphore(%run_scoped3A : memref<!tpu.dma_semaphore, #tpu.memory_space<semaphore_mem>>) src(%dma_wait3A_123 : memref<64x128xf32, #tpu.memory_space<vmem_shared>>) dst(%arg9 : memref<64x128xf32, #tpu.memory_space<vmem>>)
      tpu.yield
    }) : () -> ()
    %mul3A_89 = arith.constant 10240 : i32
    %mul3A_90 = arith.muli %arg0, %mul3A_89 : i32
    %add3A_91 = arith.addi %mul3A_90, %mul3A_2 : i32
    %add3A_92 = arith.constant 384 : i32
    %add3A_93 = arith.addi %add3A_91, %add3A_92 : i32
    "tpu.region"() ({
      %run_scoped3A = tpu.sem_alloc : memref<!tpu.dma_semaphore, #tpu.memory_space<semaphore_mem>>
      %dma_start3A = arith.constant 0 : i32
      %dma_start3A_118 = tpu.memref_slice %arg5[%add3A_93, %dma_start3A] : memref<20480x128xf32, #tpu.memory_space<hbm>> -> memref<64x128xf32, #tpu.memory_space<hbm>>
      %dma_start3A_119 = arith.constant 0 : i32
      %dma_start3A_120 = tpu.memref_slice %arg5[%add3A_93, %dma_start3A_119] : memref<20480x128xf32, #tpu.memory_space<hbm>> -> memref<64x128xf32, #tpu.memory_space<hbm>>
      tpu.enqueue_dma source(%arg9 : memref<64x128xf32, #tpu.memory_space<vmem>>) target(%dma_start3A_120 : memref<64x128xf32, #tpu.memory_space<hbm>>) target_semaphore(%run_scoped3A : memref<!tpu.dma_semaphore, #tpu.memory_space<semaphore_mem>>)
      %dma_wait3A = arith.constant 0 : i32
      %dma_wait3A_121 = tpu.memref_slice %arg5[%add3A_93, %dma_wait3A] : memref<20480x128xf32, #tpu.memory_space<hbm>> -> memref<64x128xf32, #tpu.memory_space<hbm>>
      %dma_wait3A_122 = arith.constant 0 : i32
      %dma_wait3A_123 = tpu.memref_slice %arg5[%add3A_93, %dma_wait3A_122] : memref<20480x128xf32, #tpu.memory_space<hbm>> -> memref<64x128xf32, #tpu.memory_space<hbm>>
      tpu.wait_dma2 semaphore(%run_scoped3A : memref<!tpu.dma_semaphore, #tpu.memory_space<semaphore_mem>>) src(%arg9 : memref<64x128xf32, #tpu.memory_space<vmem>>) dst(%dma_wait3A_123 : memref<64x128xf32, #tpu.memory_space<hbm>>)
      tpu.yield
    }) : () -> ()
    %add3A_94 = arith.constant 448 : i32
    %add3A_95 = arith.addi %mul3A_2, %add3A_94 : i32
    "tpu.region"() ({
      %run_scoped3A = tpu.sem_alloc : memref<!tpu.dma_semaphore, #tpu.memory_space<semaphore_mem>>
      %dma_start3A = arith.constant 0 : i32
      %dma_start3A_118 = tpu.memref_slice %arg15[%add3A_95, %dma_start3A] : memref<10240x128xf32, #tpu.memory_space<vmem_shared>> -> memref<64x128xf32, #tpu.memory_space<vmem_shared>>
      %dma_start3A_119 = arith.constant 0 : i32
      %dma_start3A_120 = tpu.memref_slice %arg15[%add3A_95, %dma_start3A_119] : memref<10240x128xf32, #tpu.memory_space<vmem_shared>> -> memref<64x128xf32, #tpu.memory_space<vmem_shared>>
      tpu.enqueue_dma source(%dma_start3A_120 : memref<64x128xf32, #tpu.memory_space<vmem_shared>>) target(%arg9 : memref<64x128xf32, #tpu.memory_space<vmem>>) target_semaphore(%run_scoped3A : memref<!tpu.dma_semaphore, #tpu.memory_space<semaphore_mem>>)
      %dma_wait3A = arith.constant 0 : i32
      %dma_wait3A_121 = tpu.memref_slice %arg15[%add3A_95, %dma_wait3A] : memref<10240x128xf32, #tpu.memory_space<vmem_shared>> -> memref<64x128xf32, #tpu.memory_space<vmem_shared>>
      %dma_wait3A_122 = arith.constant 0 : i32
      %dma_wait3A_123 = tpu.memref_slice %arg15[%add3A_95, %dma_wait3A_122] : memref<10240x128xf32, #tpu.memory_space<vmem_shared>> -> memref<64x128xf32, #tpu.memory_space<vmem_shared>>
      tpu.wait_dma2 semaphore(%run_scoped3A : memref<!tpu.dma_semaphore, #tpu.memory_space<semaphore_mem>>) src(%dma_wait3A_123 : memref<64x128xf32, #tpu.memory_space<vmem_shared>>) dst(%arg9 : memref<64x128xf32, #tpu.memory_space<vmem>>)
      tpu.yield
    }) : () -> ()
    %mul3A_96 = arith.constant 10240 : i32
    %mul3A_97 = arith.muli %arg0, %mul3A_96 : i32
    %add3A_98 = arith.addi %mul3A_97, %mul3A_2 : i32
    %add3A_99 = arith.constant 448 : i32
    %add3A_100 = arith.addi %add3A_98, %add3A_99 : i32
    "tpu.region"() ({
      %run_scoped3A = tpu.sem_alloc : memref<!tpu.dma_semaphore, #tpu.memory_space<semaphore_mem>>
      %dma_start3A = arith.constant 0 : i32
      %dma_start3A_118 = tpu.memref_slice %arg5[%add3A_100, %dma_start3A] : memref<20480x128xf32, #tpu.memory_space<hbm>> -> memref<64x128xf32, #tpu.memory_space<hbm>>
      %dma_start3A_119 = arith.constant 0 : i32
      %dma_start3A_120 = tpu.memref_slice %arg5[%add3A_100, %dma_start3A_119] : memref<20480x128xf32, #tpu.memory_space<hbm>> -> memref<64x128xf32, #tpu.memory_space<hbm>>
      tpu.enqueue_dma source(%arg9 : memref<64x128xf32, #tpu.memory_space<vmem>>) target(%dma_start3A_120 : memref<64x128xf32, #tpu.memory_space<hbm>>) target_semaphore(%run_scoped3A : memref<!tpu.dma_semaphore, #tpu.memory_space<semaphore_mem>>)
      %dma_wait3A = arith.constant 0 : i32
      %dma_wait3A_121 = tpu.memref_slice %arg5[%add3A_100, %dma_wait3A] : memref<20480x128xf32, #tpu.memory_space<hbm>> -> memref<64x128xf32, #tpu.memory_space<hbm>>
      %dma_wait3A_122 = arith.constant 0 : i32
      %dma_wait3A_123 = tpu.memref_slice %arg5[%add3A_100, %dma_wait3A_122] : memref<20480x128xf32, #tpu.memory_space<hbm>> -> memref<64x128xf32, #tpu.memory_space<hbm>>
      tpu.wait_dma2 semaphore(%run_scoped3A : memref<!tpu.dma_semaphore, #tpu.memory_space<semaphore_mem>>) src(%arg9 : memref<64x128xf32, #tpu.memory_space<vmem>>) dst(%dma_wait3A_123 : memref<64x128xf32, #tpu.memory_space<hbm>>)
      tpu.yield
    }) : () -> ()
    %add3A_101 = arith.constant 512 : i32
    %add3A_102 = arith.addi %mul3A_2, %add3A_101 : i32
    "tpu.region"() ({
      %run_scoped3A = tpu.sem_alloc : memref<!tpu.dma_semaphore, #tpu.memory_space<semaphore_mem>>
      %dma_start3A = arith.constant 0 : i32
      %dma_start3A_118 = tpu.memref_slice %arg15[%add3A_102, %dma_start3A] : memref<10240x128xf32, #tpu.memory_space<vmem_shared>> -> memref<64x128xf32, #tpu.memory_space<vmem_shared>>
      %dma_start3A_119 = arith.constant 0 : i32
      %dma_start3A_120 = tpu.memref_slice %arg15[%add3A_102, %dma_start3A_119] : memref<10240x128xf32, #tpu.memory_space<vmem_shared>> -> memref<64x128xf32, #tpu.memory_space<vmem_shared>>
      tpu.enqueue_dma source(%dma_start3A_120 : memref<64x128xf32, #tpu.memory_space<vmem_shared>>) target(%arg9 : memref<64x128xf32, #tpu.memory_space<vmem>>) target_semaphore(%run_scoped3A : memref<!tpu.dma_semaphore, #tpu.memory_space<semaphore_mem>>)
      %dma_wait3A = arith.constant 0 : i32
      %dma_wait3A_121 = tpu.memref_slice %arg15[%add3A_102, %dma_wait3A] : memref<10240x128xf32, #tpu.memory_space<vmem_shared>> -> memref<64x128xf32, #tpu.memory_space<vmem_shared>>
      %dma_wait3A_122 = arith.constant 0 : i32
      %dma_wait3A_123 = tpu.memref_slice %arg15[%add3A_102, %dma_wait3A_122] : memref<10240x128xf32, #tpu.memory_space<vmem_shared>> -> memref<64x128xf32, #tpu.memory_space<vmem_shared>>
      tpu.wait_dma2 semaphore(%run_scoped3A : memref<!tpu.dma_semaphore, #tpu.memory_space<semaphore_mem>>) src(%dma_wait3A_123 : memref<64x128xf32, #tpu.memory_space<vmem_shared>>) dst(%arg9 : memref<64x128xf32, #tpu.memory_space<vmem>>)
      tpu.yield
    }) : () -> ()
    %mul3A_103 = arith.constant 10240 : i32
    %mul3A_104 = arith.muli %arg0, %mul3A_103 : i32
    %add3A_105 = arith.addi %mul3A_104, %mul3A_2 : i32
    %add3A_106 = arith.constant 512 : i32
    %add3A_107 = arith.addi %add3A_105, %add3A_106 : i32
    "tpu.region"() ({
      %run_scoped3A = tpu.sem_alloc : memref<!tpu.dma_semaphore, #tpu.memory_space<semaphore_mem>>
      %dma_start3A = arith.constant 0 : i32
      %dma_start3A_118 = tpu.memref_slice %arg5[%add3A_107, %dma_start3A] : memref<20480x128xf32, #tpu.memory_space<hbm>> -> memref<64x128xf32, #tpu.memory_space<hbm>>
      %dma_start3A_119 = arith.constant 0 : i32
      %dma_start3A_120 = tpu.memref_slice %arg5[%add3A_107, %dma_start3A_119] : memref<20480x128xf32, #tpu.memory_space<hbm>> -> memref<64x128xf32, #tpu.memory_space<hbm>>
      tpu.enqueue_dma source(%arg9 : memref<64x128xf32, #tpu.memory_space<vmem>>) target(%dma_start3A_120 : memref<64x128xf32, #tpu.memory_space<hbm>>) target_semaphore(%run_scoped3A : memref<!tpu.dma_semaphore, #tpu.memory_space<semaphore_mem>>)
      %dma_wait3A = arith.constant 0 : i32
      %dma_wait3A_121 = tpu.memref_slice %arg5[%add3A_107, %dma_wait3A] : memref<20480x128xf32, #tpu.memory_space<hbm>> -> memref<64x128xf32, #tpu.memory_space<hbm>>
      %dma_wait3A_122 = arith.constant 0 : i32
      %dma_wait3A_123 = tpu.memref_slice %arg5[%add3A_107, %dma_wait3A_122] : memref<20480x128xf32, #tpu.memory_space<hbm>> -> memref<64x128xf32, #tpu.memory_space<hbm>>
      tpu.wait_dma2 semaphore(%run_scoped3A : memref<!tpu.dma_semaphore, #tpu.memory_space<semaphore_mem>>) src(%arg9 : memref<64x128xf32, #tpu.memory_space<vmem>>) dst(%dma_wait3A_123 : memref<64x128xf32, #tpu.memory_space<hbm>>)
      tpu.yield
    }) : () -> ()
    %add3A_108 = arith.constant 576 : i32
    %add3A_109 = arith.addi %mul3A_2, %add3A_108 : i32
    "tpu.region"() ({
      %run_scoped3A = tpu.sem_alloc : memref<!tpu.dma_semaphore, #tpu.memory_space<semaphore_mem>>
      %dma_start3A = arith.constant 0 : i32
      %dma_start3A_118 = tpu.memref_slice %arg15[%add3A_109, %dma_start3A] : memref<10240x128xf32, #tpu.memory_space<vmem_shared>> -> memref<64x128xf32, #tpu.memory_space<vmem_shared>>
      %dma_start3A_119 = arith.constant 0 : i32
      %dma_start3A_120 = tpu.memref_slice %arg15[%add3A_109, %dma_start3A_119] : memref<10240x128xf32, #tpu.memory_space<vmem_shared>> -> memref<64x128xf32, #tpu.memory_space<vmem_shared>>
      tpu.enqueue_dma source(%dma_start3A_120 : memref<64x128xf32, #tpu.memory_space<vmem_shared>>) target(%arg9 : memref<64x128xf32, #tpu.memory_space<vmem>>) target_semaphore(%run_scoped3A : memref<!tpu.dma_semaphore, #tpu.memory_space<semaphore_mem>>)
      %dma_wait3A = arith.constant 0 : i32
      %dma_wait3A_121 = tpu.memref_slice %arg15[%add3A_109, %dma_wait3A] : memref<10240x128xf32, #tpu.memory_space<vmem_shared>> -> memref<64x128xf32, #tpu.memory_space<vmem_shared>>
      %dma_wait3A_122 = arith.constant 0 : i32
      %dma_wait3A_123 = tpu.memref_slice %arg15[%add3A_109, %dma_wait3A_122] : memref<10240x128xf32, #tpu.memory_space<vmem_shared>> -> memref<64x128xf32, #tpu.memory_space<vmem_shared>>
      tpu.wait_dma2 semaphore(%run_scoped3A : memref<!tpu.dma_semaphore, #tpu.memory_space<semaphore_mem>>) src(%dma_wait3A_123 : memref<64x128xf32, #tpu.memory_space<vmem_shared>>) dst(%arg9 : memref<64x128xf32, #tpu.memory_space<vmem>>)
      tpu.yield
    }) : () -> ()
    %mul3A_110 = arith.constant 10240 : i32
    %mul3A_111 = arith.muli %arg0, %mul3A_110 : i32
    %add3A_112 = arith.addi %mul3A_111, %mul3A_2 : i32
    %add3A_113 = arith.constant 576 : i32
    %add3A_114 = arith.addi %add3A_112, %add3A_113 : i32
    "tpu.region"() ({
      %run_scoped3A = tpu.sem_alloc : memref<!tpu.dma_semaphore, #tpu.memory_space<semaphore_mem>>
      %dma_start3A = arith.constant 0 : i32
      %dma_start3A_118 = tpu.memref_slice %arg5[%add3A_114, %dma_start3A] : memref<20480x128xf32, #tpu.memory_space<hbm>> -> memref<64x128xf32, #tpu.memory_space<hbm>>
      %dma_start3A_119 = arith.constant 0 : i32
      %dma_start3A_120 = tpu.memref_slice %arg5[%add3A_114, %dma_start3A_119] : memref<20480x128xf32, #tpu.memory_space<hbm>> -> memref<64x128xf32, #tpu.memory_space<hbm>>
      tpu.enqueue_dma source(%arg9 : memref<64x128xf32, #tpu.memory_space<vmem>>) target(%dma_start3A_120 : memref<64x128xf32, #tpu.memory_space<hbm>>) target_semaphore(%run_scoped3A : memref<!tpu.dma_semaphore, #tpu.memory_space<semaphore_mem>>)
      %dma_wait3A = arith.constant 0 : i32
      %dma_wait3A_121 = tpu.memref_slice %arg5[%add3A_114, %dma_wait3A] : memref<20480x128xf32, #tpu.memory_space<hbm>> -> memref<64x128xf32, #tpu.memory_space<hbm>>
      %dma_wait3A_122 = arith.constant 0 : i32
      %dma_wait3A_123 = tpu.memref_slice %arg5[%add3A_114, %dma_wait3A_122] : memref<20480x128xf32, #tpu.memory_space<hbm>> -> memref<64x128xf32, #tpu.memory_space<hbm>>
      tpu.wait_dma2 semaphore(%run_scoped3A : memref<!tpu.dma_semaphore, #tpu.memory_space<semaphore_mem>>) src(%arg9 : memref<64x128xf32, #tpu.memory_space<vmem>>) dst(%dma_wait3A_123 : memref<64x128xf32, #tpu.memory_space<hbm>>)
      tpu.yield
    }) : () -> ()
    "tpu.region"() ({
      %run_scoped3A = tpu.sem_alloc : memref<!tpu.dma_semaphore, #tpu.memory_space<semaphore_mem>>
      %dma_start3A = tpu.memref_slice %arg16[%mul3A_2] : memref<10240xf32, #tpu.memory_space<vmem_shared>> -> memref<640xf32, #tpu.memory_space<vmem_shared>>
      %dma_start3A_118 = tpu.memref_slice %arg16[%mul3A_2] : memref<10240xf32, #tpu.memory_space<vmem_shared>> -> memref<640xf32, #tpu.memory_space<vmem_shared>>
      tpu.enqueue_dma source(%dma_start3A_118 : memref<640xf32, #tpu.memory_space<vmem_shared>>) target(%arg14 : memref<640xf32, #tpu.memory_space<vmem>>) target_semaphore(%run_scoped3A : memref<!tpu.dma_semaphore, #tpu.memory_space<semaphore_mem>>)
      %dma_wait3A = tpu.memref_slice %arg16[%mul3A_2] : memref<10240xf32, #tpu.memory_space<vmem_shared>> -> memref<640xf32, #tpu.memory_space<vmem_shared>>
      %dma_wait3A_119 = tpu.memref_slice %arg16[%mul3A_2] : memref<10240xf32, #tpu.memory_space<vmem_shared>> -> memref<640xf32, #tpu.memory_space<vmem_shared>>
      tpu.wait_dma2 semaphore(%run_scoped3A : memref<!tpu.dma_semaphore, #tpu.memory_space<semaphore_mem>>) src(%dma_wait3A_119 : memref<640xf32, #tpu.memory_space<vmem_shared>>) dst(%arg14 : memref<640xf32, #tpu.memory_space<vmem>>)
      tpu.yield
    }) : () -> ()
    %mul3A_115 = arith.constant 10240 : i32
    %mul3A_116 = arith.muli %arg0, %mul3A_115 : i32
    %add3A_117 = arith.addi %mul3A_116, %mul3A_2 : i32
    "tpu.region"() ({
      %run_scoped3A = tpu.sem_alloc : memref<!tpu.dma_semaphore, #tpu.memory_space<semaphore_mem>>
      %dma_start3A = tpu.memref_slice %arg6[%add3A_117] : memref<20480xf32, #tpu.memory_space<hbm>> -> memref<640xf32, #tpu.memory_space<hbm>>
      %dma_start3A_118 = tpu.memref_slice %arg6[%add3A_117] : memref<20480xf32, #tpu.memory_space<hbm>> -> memref<640xf32, #tpu.memory_space<hbm>>
      tpu.enqueue_dma source(%arg14 : memref<640xf32, #tpu.memory_space<vmem>>) target(%dma_start3A_118 : memref<640xf32, #tpu.memory_space<hbm>>) target_semaphore(%run_scoped3A : memref<!tpu.dma_semaphore, #tpu.memory_space<semaphore_mem>>)
      %dma_wait3A = tpu.memref_slice %arg6[%add3A_117] : memref<20480xf32, #tpu.memory_space<hbm>> -> memref<640xf32, #tpu.memory_space<hbm>>
      %dma_wait3A_119 = tpu.memref_slice %arg6[%add3A_117] : memref<20480xf32, #tpu.memory_space<hbm>> -> memref<640xf32, #tpu.memory_space<hbm>>
      tpu.wait_dma2 semaphore(%run_scoped3A : memref<!tpu.dma_semaphore, #tpu.memory_space<semaphore_mem>>) src(%arg14 : memref<640xf32, #tpu.memory_space<vmem>>) dst(%dma_wait3A_119 : memref<640xf32, #tpu.memory_space<hbm>>)
      tpu.yield
    }) : () -> ()
    return
  }
}

module attributes {stable_mosaic.version = 14 : i64} {
  func.func @_tc_combine_body(%arg0: i32, %arg1: memref<2x400x128xf32, #tpu.memory_space<vmem>>, %arg2: memref<400x2xf32, #tpu.memory_space<vmem>>, %arg3: memref<400x128xf32, #tpu.memory_space<vmem>>, %arg4: memref<128x128xf32, #tpu.memory_space<vmem>>, %arg5: memref<128x128xf32, #tpu.memory_space<vmem>>, %arg6: memref<1x128xf32, #tpu.memory_space<vmem>>, %arg7: memref<400x128xf32, #tpu.memory_space<vmem>>) attributes {dimension_semantics = [#tpu.dimension_semantics<arbitrary>], iteration_bounds = array<i64: 25>, scalar_prefetch = 0 : i64, scratch_operands = 0 : i64, tpu.core_type = #tpu.core_type<tc>, window_params = [{transform_indices = @transform_0, window_bounds = array<i64: 2, 400, 128>}, {transform_indices = @transform_1, window_bounds = array<i64: 400, 2>}, {transform_indices = @transform_2, window_bounds = array<i64: 400, 128>}, {pipeline_mode = #tpu.pipeline_mode<synchronous>, transform_indices = @transform_3, window_bounds = array<i64: 128, 128>}, {pipeline_mode = #tpu.pipeline_mode<synchronous>, transform_indices = @transform_4, window_bounds = array<i64: 128, 128>}, {pipeline_mode = #tpu.pipeline_mode<synchronous>, transform_indices = @transform_5, window_bounds = array<i64: 1, 128>}, {transform_indices = @transform_6, window_bounds = array<i64: 400, 128>}]} {
    %get3A = arith.constant 0 : index
    %get3A_0 = arith.constant 0 : index
    %get3A_1 = arith.constant 0 : index
    %get3A_2 = vector.load %arg1[%get3A, %get3A_0, %get3A_1] : memref<2x400x128xf32, #tpu.memory_space<vmem>>, vector<1x400x128xf32>
    %get3A_3 = vector.shape_cast %get3A_2 : vector<1x400x128xf32> to vector<400x128xf32>
    %get3A_4 = arith.constant 1 : index
    %get3A_5 = arith.constant 0 : index
    %get3A_6 = arith.constant 0 : index
    %get3A_7 = vector.load %arg1[%get3A_4, %get3A_5, %get3A_6] : memref<2x400x128xf32, #tpu.memory_space<vmem>>, vector<1x400x128xf32>
    %get3A_8 = vector.shape_cast %get3A_7 : vector<1x400x128xf32> to vector<400x128xf32>
    %add3A = arith.addf %get3A_3, %get3A_8 : vector<400x128xf32>
    %get3A_9 = arith.constant 0 : index
    %get3A_10 = arith.constant 0 : index
    %get3A_11 = vector.load %arg2[%get3A_9, %get3A_10] : memref<400x2xf32, #tpu.memory_space<vmem>>, vector<400x1xf32>
    %get3A_12 = arith.constant 0 : index
    %get3A_13 = arith.constant 1 : index
    %get3A_14 = vector.load %arg2[%get3A_12, %get3A_13] : memref<400x2xf32, #tpu.memory_space<vmem>>, vector<400x1xf32>
    %add3A_15 = arith.addf %get3A_11, %get3A_14 : vector<400x1xf32>
    %max3A = arith.constant 1.000000e+00 : f32
    %max3A_16 = vector.broadcast %max3A : f32 to vector<400x1xf32>
    %max3A_17 = arith.maximumf %add3A_15, %max3A_16 : vector<400x1xf32>
    %div3A = vector.broadcast %max3A_17 : vector<400x1xf32> to vector<400x128xf32>
    %div3A_18 = arith.divf %add3A, %div3A : vector<400x128xf32>
    %get3A_19 = arith.constant 0 : index
    %get3A_20 = arith.constant 0 : index
    %get3A_21 = vector.load %arg4[%get3A_19, %get3A_20] : memref<128x128xf32, #tpu.memory_space<vmem>>, vector<128x128xf32>
    %dot_general3A = arith.constant dense<0.000000e+00> : vector<400x128xf32>
    %dot_general3A_22 = tpu.matmul %div3A_18, %get3A_21, %dot_general3A {dimension_numbers = #tpu.dot_dimension_numbers<[1], [0], [0], [1], [0, 0, 1, 1], [], []>, transpose_lhs_hint = false} : vector<400x128xf32>, vector<128x128xf32>, vector<400x128xf32> -> vector<400x128xf32>
    %get3A_23 = arith.constant 0 : index
    %get3A_24 = arith.constant 0 : index
    %get3A_25 = vector.load %arg3[%get3A_23, %get3A_24] : memref<400x128xf32, #tpu.memory_space<vmem>>, vector<400x128xf32>
    %get3A_26 = arith.constant 0 : index
    %get3A_27 = arith.constant 0 : index
    %get3A_28 = vector.load %arg5[%get3A_26, %get3A_27] : memref<128x128xf32, #tpu.memory_space<vmem>>, vector<128x128xf32>
    %dot_general3A_29 = arith.constant dense<0.000000e+00> : vector<400x128xf32>
    %dot_general3A_30 = tpu.matmul %get3A_25, %get3A_28, %dot_general3A_29 {dimension_numbers = #tpu.dot_dimension_numbers<[1], [0], [0], [1], [0, 0, 1, 1], [], []>, transpose_lhs_hint = false} : vector<400x128xf32>, vector<128x128xf32>, vector<400x128xf32> -> vector<400x128xf32>
    %add3A_31 = arith.addf %dot_general3A_22, %dot_general3A_30 : vector<400x128xf32>
    %get3A_32 = arith.constant 0 : index
    %get3A_33 = arith.constant 0 : index
    %get3A_34 = vector.load %arg6[%get3A_32, %get3A_33] : memref<1x128xf32, #tpu.memory_space<vmem>>, vector<1x128xf32>
    %add3A_35 = vector.broadcast %get3A_34 : vector<1x128xf32> to vector<400x128xf32>
    %add3A_36 = arith.addf %add3A_31, %add3A_35 : vector<400x128xf32>
    %swap3A = arith.constant 0 : index
    %swap3A_37 = arith.constant 0 : index
    %swap3A_38 = vector.load %arg7[%swap3A, %swap3A_37] : memref<400x128xf32, #tpu.memory_space<vmem>>, vector<400x128xf32>
    tpu.vector_store %arg7[%swap3A, %swap3A_37], %add3A_36 {strides = array<i32>} : memref<400x128xf32, #tpu.memory_space<vmem>>, vector<400x128xf32>,
    return
  }
  func.func @transform_0(%arg0: i32) -> (i32, i32, i32) {
    %c0_i32 = arith.constant 0 : i32
    %c0_i32_0 = arith.constant 0 : i32
    %c0_i32_1 = arith.constant 0 : i32
    return %c0_i32, %arg0, %c0_i32_0 : i32, i32, i32
  }
  func.func @transform_1(%arg0: i32) -> (i32, i32) {
    %c0_i32 = arith.constant 0 : i32
    %c0_i32_0 = arith.constant 0 : i32
    return %arg0, %c0_i32 : i32, i32
  }
  func.func @transform_2(%arg0: i32) -> (i32, i32) {
    %c0_i32 = arith.constant 0 : i32
    %c0_i32_0 = arith.constant 0 : i32
    return %arg0, %c0_i32 : i32, i32
  }
  func.func @transform_3(%arg0: i32) -> (i32, i32) {
    %c0_i32 = arith.constant 0 : i32
    %c0_i32_0 = arith.constant 0 : i32
    %c0_i32_1 = arith.constant 0 : i32
    return %c0_i32, %c0_i32_0 : i32, i32
  }
  func.func @transform_4(%arg0: i32) -> (i32, i32) {
    %c0_i32 = arith.constant 0 : i32
    %c0_i32_0 = arith.constant 0 : i32
    %c0_i32_1 = arith.constant 0 : i32
    return %c0_i32, %c0_i32_0 : i32, i32
  }
  func.func @transform_5(%arg0: i32) -> (i32, i32) {
    %c0_i32 = arith.constant 0 : i32
    %c0_i32_0 = arith.constant 0 : i32
    %c0_i32_1 = arith.constant 0 : i32
    return %c0_i32, %c0_i32_0 : i32, i32
  }
  func.func @transform_6(%arg0: i32) -> (i32, i32) {
    %c0_i32 = arith.constant 0 : i32
    %c0_i32_0 = arith.constant 0 : i32
    return %arg0, %c0_i32 : i32, i32
  }
}

</mosaic_0001>

<sc_bundles>
// kernel: kernel.4.cloned.1.call-start
scs
__scs_entry_jumppad:
0x0: {  	(pc) =	sbr.rel $0x88, $3  }
0x1: {  	(tag) =	ssettag $0x0;
	lr =	simm.s32 $0x1  }
0x2: {  	[smem:$0x3F9C] =	sst lr;
	_ =	strace $0xD0000000  }
0x3: {  	_ = 	snop  }
0x4: {  	_ = 	snop  }
0x5: {  	_ = 	snop  }
0x6: {  	_ = 	snop  }
0x7: {  	_ = 	snop  }
__scs_overlays_trampoline_lowered:
0x8: {  	[smem:$0x3FAB] =	sst s0  }
0x9: {  	[smem:$0x3FAC] =	sst s1  }
0xa: {  	[smem:$0x3FAD] =	sst s2  }
0xb: {  	[smem:$0x3FAE] =	sst s3  }
0xc: {  	[smem:$0x3FAF] =	sst s4  }
0xd: {  	[smem:$0x3FB0] =	sst s5  }
0xe: {  	[smem:$0x3FB1] =	sst s6  }
0xf: {  	[smem:$0x3FB2] =	sst s7  }
0x10: {  	[smem:$0x3FB3] =	sst s8  }
0x11: {  	[smem:$0x3FB4] =	sst s9;
	s0 =	simm.s32 @!p0 $0x0  }
0x12: {  	s1 =	sld [smem:$0x3F9A];
	s0 =	simm.s32 @p0 $0x1  }
0x13: {  	[smem:$0x3FB5] =	sst s0;
	s0 =	simm.s32 @!p1 $0x0  }
0x14: {  	s2 =	sld [smem:$0x3F99];
	s0 =	simm.s32 @p1 $0x1  }
0x15: {  	[smem:$0x3FB6] =	sst s0;
	s0 =	simm.s32 @!p2 $0x0  }
0x16: {  	s3 =	sld [smem:$0x3FDB];
	s0 =	simm.s32 @p2 $0x1  }
0x17: {  	s4 =	simm.s32 $0x1BF5;
	[smem:$0x3FB8] =	sst s0  }
0x18: {  	s0 =	sld [smem:$0x3F9B];
	_ =	swait.ge [sflag:s4], $0x0  }
0x19: {  	s7 =	sld [smem:$0x3F9C]  }
0x1a: {  	s8 =	sadd.s32 $0xFFFFE003, lr  }
0x1b: {  	s9 =	sadd.s32 $0xFFFFFEF7, lr;
	s5 =	simm.s32 $0xFFFFFFFF;
	p2 =	slt.u32 s8, $0xFFFFF086  }
0x1c: {  	p1 =	slt.u32 s9, $0xF7A;
	s5 =	simm.s32 @!p2 $0x0  }
0x1d: {  	s5 =	simm.s32 @p1 $0x1;
	p0 =	seq.s32 s7, s2  }
0x1e: {  	s7 =	smul.u32 @!p0 $0xF7A, s2;
	p2 =	seq.s32 @!p0 s5, $0x0  }
0x1f: {  	s9 =	smul.u32 $0xF7A, s1;
	s8 =	simm.s32 @!p0 $0x1BF5;
	p2 =	por !p2, p0  }
0x20: {  	[sflag:s8] =	ssyncset.s32 @!p0 $0xFFFFF086;
	s6 =	sadd.s32 @!p0 s3, s7;
	s7 =	simm.s32 @!p0 $0x108  }
0x21: {  	s3 =	sadd.s32 s3, s9;
	s6 =	sadd.s32 @!p0 $0x88, s6;
	s7 =	simm.s32 @p2 $0x1082  }
0x22: {  	[simem:s7], [sflag:s8] =	dma.local @!p0 [hbm:s6], $0xF7A  }
0x23: {  	s9 =	sor.u32 $0xD0000000, s2;
	s6 =	simm.s32 $0x108;
	_ =	swait.ge @!p0 [sflag:s8], $0x0  }
0x24: {  	s3 =	sadd.s32 $0x88, s3;
	s6 =	simm.s32 @!p1 $0x1082;
	[sflag:s4] =	ssyncset.s32 $0xFFFFF086  }
0x25: {  	[simem:s6], [sflag:s4] =	dma.local [hbm:s3], $0xF7A  }
0x26: {  	[smem:$0x3F9C] =	sst s1;
	(tag) =	ssettag s2;
	_ =	strace s9  }
0x27: {  	s1 =	sld [smem:$0x3FAC]  }
0x28: {  	s2 =	sld [smem:$0x3FAD]  }
0x29: {  	s4 =	sld [smem:$0x3FAF]  }
0x2a: {  	p0 =	seq.s32 s5, $0x0;
	s5 =	sld [smem:$0x3FB0]  }
0x2b: {  	s6 =	sld [smem:$0x3FB1]  }
0x2c: {  	s7 =	sld [smem:$0x3FB2]  }
0x2d: {  	s3 =	simm.s32 $0x108;
	s8 =	sld [smem:$0x3FB3]  }
0x2e: {  	s3 =	simm.s32 @!p0 $0x1082;
	s9 =	sld [smem:$0x3FB4]  }
0x2f: {  	lr =	sadd.s32 s0, s3;
	s0 =	sld [smem:$0x3FAB]  }
0x30: {  	s3 =	sld [smem:$0x3FAE]  }
0x31: {  	[smem:$0x3FB7] =	sst s10  }
0x32: {  	s10 =	sld [smem:$0x3FB5];
	_ =	sdelay $0x3  }
0x33: {  	p0 =	seq.s32 s10, $0x1;
	s10 =	sld [smem:$0x3FB7];
	_ =	sdelay $0x3  }
0x34: {  	[smem:$0x3FB7] =	sst s10  }
0x35: {  	s10 =	sld [smem:$0x3FB6];
	_ =	sdelay $0x3  }
0x36: {  	p1 =	seq.s32 s10, $0x1;
	s10 =	sld [smem:$0x3FB7];
	_ =	sdelay $0x3  }
0x37: {  	[smem:$0x3FB7] =	sst s10  }
0x38: {  	s10 =	sld [smem:$0x3FB8]  }
0x39: {  	_ = 	snop;
	(pc) =	sbr.ind lr, $3  }
0x3a: {  	_ = 	snop  }
0x3b: {  	_ = 	snop  }
0x3c: {  	p2 =	seq.s32 s10, $0x1;
	s10 =	sld [smem:$0x3FB7]  }
0x3d: {  	_ =	shalt  }
0x3e: {  	_ =	shalt  }
0x3f: {  	_ =	shalt  }
0x40: {  	_ =	shalt  }
0x41: {  	_ =	shalt  }
0x42: {  	_ =	shalt  }
0x43: {  	_ =	shalt  }
0x44: {  	_ =	shalt  }
0x45: {  	_ =	shalt  }
0x46: {  	_ =	shalt  }
0x47: {  	_ =	shalt  }
0x48: {  	_ =	shalt  }
0x49: {  	_ =	shalt  }
0x4a: {  	_ =	shalt  }
0x4b: {  	_ =	shalt  }
0x4c: {  	_ =	shalt  }
0x4d: {  	_ =	shalt  }
0x4e: {  	_ =	shalt  }
0x4f: {  	_ =	shalt  }
0x50: {  	_ =	shalt  }
0x51: {  	_ =	shalt  }
0x52: {  	_ =	shalt  }
0x53: {  	_ =	shalt  }
0x54: {  	_ =	shalt  }
0x55: {  	_ =	shalt  }
0x56: {  	_ =	shalt  }
0x57: {  	_ =	shalt  }
0x58: {  	_ =	shalt  }
0x59: {  	_ =	shalt  }
0x5a: {  	_ =	shalt  }
0x5b: {  	_ =	shalt  }
0x5c: {  	_ =	shalt  }
0x5d: {  	_ =	shalt  }
0x5e: {  	_ =	shalt  }
0x5f: {  	_ =	shalt  }
0x60: {  	_ =	shalt  }
0x61: {  	_ =	shalt  }
0x62: {  	_ =	shalt  }
0x63: {  	_ =	shalt  }
0x64: {  	_ =	shalt  }
0x65: {  	_ =	shalt  }
0x66: {  	_ =	shalt  }
0x67: {  	_ =	shalt  }
0x68: {  	_ =	shalt  }
0x69: {  	_ =	shalt  }
0x6a: {  	_ =	shalt  }
0x6b: {  	_ =	shalt  }
0x6c: {  	_ =	shalt  }
0x6d: {  	_ =	shalt  }
0x6e: {  	_ =	shalt  }
0x6f: {  	_ =	shalt  }
0x70: {  	_ =	shalt  }
0x71: {  	_ =	shalt  }
0x72: {  	_ =	shalt  }
0x73: {  	_ =	shalt  }
0x74: {  	_ =	shalt  }
0x75: {  	_ =	shalt  }
0x76: {  	_ =	shalt  }
0x77: {  	_ =	shalt  }
0x78: {  	_ =	shalt  }
0x79: {  	_ =	shalt  }
0x7a: {  	_ =	shalt  }
0x7b: {  	_ =	shalt  }
0x7c: {  	_ =	shalt  }
0x7d: {  	_ =	shalt  }
0x7e: {  	_ =	shalt  }
0x7f: {  	_ =	shalt  }
0x80: {  	_ =	shalt  }
0x81: {  	_ =	shalt  }
0x82: {  	_ =	shalt  }
0x83: {  	_ =	shalt  }
0x84: {  	_ =	shalt  }
0x85: {  	_ =	shalt  }
0x86: {  	_ =	shalt  }
0x87: {  	_ =	shalt  }
.Lfunc_end0:
.L_simem_size_0:
called_computation_lowered:
.L_overlay_start_0:
0x88: {  	s2 =	sld [smem:$0x3FD9]  }
0x89: {  	s3 =	sld [smem:$0x3FFE];
	_ =	sdelay $0x1  }
0x8a: {  	s1 =	srdreg.scid  }
0x8b: {  	s0 =	sand.u32 $0x1, s1  }
0x8c: {  	s17 =	sshll.u32 s0, $0xA;
	s2 =	sadd.s32 s3, s2  }
0x8d: {  	s2 =	sadd.s32 s2, s17  }
0x8e: {  	[smem:$0x3FC3] =	sst s2  }
0x8f: {  	_ = 	snop  }
0x90: {  	s2 =	sld [smem:$0x3FC9]  }
0x91: {  	s18 =	sld [smem:$0x3FD0];
	(tm) =	ssettm $0x1  }
0x92: {  	s4 =	sld [smem:$0x3FFB];
	_ =	sdelay $0x3  }
0x93: {  	_ =	strace s4  }
0x94: {  	s4 =	sld [smem:$0x3FFC];
	_ =	sdelay $0x3  }
0x95: {  	_ =	strace s4  }
0x96: {  	s4 =	sld [smem:$0x3FFD];
	_ =	sdelay $0x3  }
0x97: {  	_ =	strace s4  }
0x98: {  	_ =	strace $0x8FFFFFFF  }
0x99: {  	s19 =	sld [smem:$0x3FDB];
	_ =	sdelay $0x1  }
0x9a: {  	s5 =	simm.s32 $_scs_section_size  }
0x9b: {  	s6 =	simm.s32 $_size__tile_overlayer_lowered;
	s7 =	simm.s32 $_tile_overlayer_lowered  }
0x9c: {  	s22 =	simm.s32 $0x1BFF;
	s21 =	sshll.u32 s7, $0x1;
	s4 =	sadd.s32 s5, s19  }
0x9d: {  	s8 =	simm.s32 $0x0;
	s20 =	sshll.u32 s6, $0x1;
	s6 =	sadd.s32 s21, s4  }
0x9e: {  	[timem:s8], [sflag:s22] =	dma.local [hbm:s6], s20  }
0x9f: {  	_ =	swait.ge [sflag:s22], s20  }
0xa0: {  	s5 =	ssub.s32 $0x0, s20;
	[sflag:s22] =	ssyncset.done $0x0  }
0xa1: {  	[sflag:s22] =	ssyncadd.s32 s5;
	_ =	sdelay $0x1  }
0xa2: {  	s23 =	simm.s32 $0x1B8B  }
0xa3: {  	_ =	swait.ge [sflag:s23], $0x1  }
0xa4: {  	[sflag:s23] =	ssyncset.done $0x0  }
0xa5: {  	s25 =	simm.s32 $0x1B8E;
	s24 =	sld [smem:$0x3FFE];
	[sflag:s23] =	ssyncadd.s32 $0xFFFFFFFF  }
0xa6: {  	s26 =	simm.s32 $execute0_lowered;
	[smem:$0x3FD2] =	sst s25  }
0xa7: {  	s6 =	sshll.u32 s26, $0x1;
	_ =	strace $0x80000046;
	[dreg:$0x1] =	wrdreg $0xFFFFFFFF  }
0xa8: {  	s28 =	simm.s32 $_size_execute0_lowered;
	s4 =	sadd.s32 s4, s6;
	[dreg:$0x0] =	wrdreg $0x0  }
0xa9: {  	s6 =	sshll.u32 s28, $0x1;
	[dreg:$0x2] =	wrdreg s4  }
0xaa: {  	[dreg:$0x3] =	wrdreg s6  }
0xab: {  	[dreg:$0x4] =	wrdreg $0xC0  }
0xac: {  	_ =	task [dreg:s8], $0x5FFFF  }
0xad: {  	[dreg:$0x1] =	wrdreg $0xFFFFFFFF  }
0xae: {  	[dreg:$0x0] =	wrdreg $0x60  }
0xaf: {  	[dreg:$0x2] =	wrdreg s2  }
0xb0: {  	[dreg:$0x3] =	wrdreg s18  }
0xb1: {  	[dreg:$0x4] =	wrdreg s24  }
0xb2: {  	[dreg:$0x5] =	wrdreg $0x93000  }
0xb3: {  	[dreg:$0x6] =	wrdreg $0x1D3000  }
0xb4: {  	[dreg:$0x7] =	wrdreg $0x9  }
0xb5: {  	_ =	task.clear_ibuf [dreg:s8], $0x8FFFF;
	_ =	strace $0x90000046  }
0xb6: {  	s29 =	simm.s32 $0x9;
	_ =	strace $0x80000048  }
0xb7: {  	_ =	swait.ge [sflag:s29], $0x1  }
0xb8: {  	[sflag:s29] =	ssyncadd.s32 $0xFFFFFFFF  }
0xb9: {  	_ =	strace $0x90000048  }
0xba: {  	_ =	sfence  }
0xbb: {  	s30 =	sld [smem:$0x0];
	_ =	sdelay $0x2  }
0xbc: {  	s31 =	sshll.u32 s1, $0xD;
	s1 =	sshrl.u32 s1, $0x2  }
0xbd: {  	s3 =	sand.u32 $0x4000, s31;
	s1 =	sadd.s32 s1, s30  }
0xbe: {  	s0 =	sor.u32 s3, s0;
	s1 =	sshll.u32 s1, $0x11  }
0xbf: {  	s0 =	sor.u32 s1, s0  }
0xc0: {  	s0 =	sadd.s32 $0x8F2B, s0  }
0xc1: {  	[sflag:s0] =	ssyncadd.remote.s32 $0x1  }
0xc2: {  	_ =	sfence.sel $0xFFFF  }
0xc3: {  	[dreg:$0x0] =	wrdreg $0xFFFFFFFF;
	(pc) =	sbr.abs _section_cstart, $3  }
0xc4: {  	[dreg:$0x1] =	wrdreg $0xFFFFFFFF  }
0xc5: {  	_ =	task.clear_ibuf [dreg:s8], $0x2FFFF;
	_ =	strace $0x9FFFFFFF  }
0xc6: {  	(tm) =	ssettm $0x7FFFFFFF  }
0xc7: {  	_ =	shalt  }
tec
execute0_lowered:
.L_overlay_start_1:
0x0: {  	(tag) =	ssettag $0x1  }
0x1: {  	s0 =	rddreg [dreg:$0x0]  }
0x2: {  	s1 =	rddreg [dreg:$0x1]  }
0x3: {  	s6 =	rddreg [dreg:$0x2]  }
0x4: {  	s2 =	srdreg.scid;
	s3 =	rddreg [dreg:$0x3]  }
0x5: {  	s12 =	stileid.u32;
	s4 =	rddreg [dreg:$0x4]  }
0x6: {  	s5 =	simm.s32 $0x0;
	s23 =	simm.s32 $0x80;
	s24 =	simm.s32 $0x100  }
0x7: {  	s26 =	simm.s32 $0x180;
	s13 =	simm.s32 $0x280;
	[smem:$0x7FF] =	sst s5  }
0x8: {  	s8 =	smul.u32 $0x5000, s12;
	_ =	strace $0x80000047;
	[dreg:$0x8] =	wrdreg s23  }
0x9: {  	s15 =	simm.s32 $0x300;
	s9 =	smul.u32 $0x280, s12;
	[dreg:$0x9] =	wrdreg s24  }
0xa: {  	s2 =	sand.u32 $0x1, s2;
	s12 =	smul.u32 $0x50000, s12;
	[dreg:$0xa] =	wrdreg s26  }
0xb: {  	s17 =	simm.s32 $0x380;
	s7 =	smul.u32 $0x50000, s2;
	[dreg:$0xc] =	wrdreg s13  }
0xc: {  	s10 =	smul.u32 $0x2800, s2;
	s2 =	ssub.s32 $0x2, s2;
	[dreg:$0xd] =	wrdreg s15  }
0xd: {  	[dreg:$0xe] =	wrdreg s17;
	s23 =	simm.s32 $0x500;
	s26 =	simm.s32 $0x580  }
0xe: {  	s21 =	sshrl.u32 s2, $0x1;
	s22 =	sshrl.u32 s12, $0x2;
	[dreg:$0x11] =	wrdreg s23  }
0xf: {  	[dreg:$0x12] =	wrdreg s26;
	s2 =	ssub.s32 s2, s21;
	s21 =	simm.s32 $0x480  }
0x10: {  	s25 =	sadd.s32 s22, s3;
	[dreg:$0x10] =	wrdreg s21  }
0x11: {  	s12 =	sadd.s32 $0x6000, s25;
	[dreg:$0x17] =	wrdreg s25  }
0x12: {  	s7 =	sadd.s32 s8, s7;
	s14 =	sadd.s32 $0x8000, s25;
	[dreg:$0x1a] =	wrdreg s12  }
0x13: {  	s19 =	sadd.s32 s9, s10;
	s16 =	sadd.s32 $0xA000, s25;
	[dreg:$0x1b] =	wrdreg s14  }
0x14: {  	s11 =	sshll.u32 s19, $0x4;
	s18 =	sadd.s32 $0xC000, s25;
	[dreg:$0x1c] =	wrdreg s16  }
0x15: {  	s8 =	sshrl.u32 s19, $0x3;
	s19 =	simm.s32 $0x400;
	[dreg:$0x1d] =	wrdreg s18  }
0x16: {  	s23 =	sadd.s32 $0xE000, s25;
	[dreg:$0xf] =	wrdreg s19  }
0x17: {  	s7 =	sshrl.u32 s7, $0x3;
	s26 =	sadd.s32 $0x12000, s25;
	[smem:$0x7FB] =	sst s23  }
0x18: {  	s20 =	sadd.s32 s7, s6;
	s1 =	sadd.s32 s7, s1;
	[smem:$0x7FD] =	sst s26  }
0x19: {  	s11 =	sadd.s32 s11, s6;
	s7 =	sadd.s32 $0x2000, s25;
	[dreg:$0x7] =	wrdreg s1  }
0x1a: {  	s6 =	sadd.s32 s8, s6;
	s8 =	sadd.s32 $0x4000, s25;
	[dreg:$0x18] =	wrdreg s7  }
0x1b: {  	s12 =	simm.s32 $0x680;
	[dreg:$0x19] =	wrdreg s8  }
0x1c: {  	s14 =	simm.s32 $0x700;
	[dreg:$0x14] =	wrdreg s12  }
0x1d: {  	s16 =	simm.s32 $0x780;
	[dreg:$0x15] =	wrdreg s14  }
0x1e: {  	s10 =	sadd.s32 $0x1000, s20;
	[dreg:$0x16] =	wrdreg s16  }
0x1f: {  	s30 =	simm.s32 $0x1000;
	s20 =	sadd.s32 s9, s4;
	[dreg:$0x6] =	wrdreg s10  }
0x20: {  	s31 =	simm.s32 $0x5;
	s22 =	sadd.s32 $0x15A00, s11;
	[dreg:$0x1e] =	wrdreg s20  }
0x21: {  	s28 =	simm.s32 $0xE80;
	s24 =	sadd.s32 $0x15E00, s11;
	[dreg:$0x1f] =	wrdreg s22  }
0x22: {  	s29 =	simm.s32 $0xF00;
	s8 =	sadd.s32 $0x16200, s11;
	[smem:$0x7F0] =	sst s24  }
0x23: {  	s26 =	simm.s32 $0xE00;
	s9 =	simm.s32 $0x600;
	[smem:$0x7F1] =	sst s8  }
0x24: {  	s13 =	sadd.s32 $0x16A00, s11;
	s15 =	sadd.s32 $0x16E00, s11;
	[dreg:$0x13] =	wrdreg s9  }
0x25: {  	s17 =	sadd.s32 $0x17200, s11;
	s18 =	sadd.s32 $0x17600, s11;
	[smem:$0x7F3] =	sst s13  }
0x26: {  	s19 =	sadd.s32 $0x17A00, s11;
	s21 =	sadd.s32 $0x15000, s6;
	[smem:$0x7F4] =	sst s15  }
0x27: {  	s1 =	simm.s32 $0x800;
	s14 =	simm.s32 $0x40;
	[smem:$0x7F5] =	sst s17  }
0x28: {  	s16 =	simm.s32 $0x5000;
	s7 =	simm.s32 $0xA80;
	[smem:$0x7F6] =	sst s18  }
0x29: {  	s12 =	simm.s32 $0xD00;
	s6 =	simm.s32 $0xF80;
	[smem:$0x7F7] =	sst s19  }
0x2a: {  	s10 =	simm.s32 $0x200;
	s20 =	sadd.s32 $0x17E00, s11;
	[smem:$0x7F9] =	sst s21  }
0x2b: {  	s22 =	smax.u32 s2, $0x1;
	s24 =	sadd.s32 $0x10000, s25;
	s15 =	simm.s32 $0x3000  }
0x2c: {  	s17 =	simm.s32 $0x7000;
	s18 =	simm.s32 $0x1;
	[dreg:$0xb] =	wrdreg s10  }
0x2d: {  	s19 =	simm.s32 $0x9000;
	s8 =	simm.s32 $0xB00;
	[smem:$0x7F8] =	sst s20  }
0x2e: {  	s9 =	simm.s32 $0xB80;
	s13 =	simm.s32 $0xD80;
	[smem:$0x7FA] =	sst s22  }
0x2f: {  	s21 =	simm.s32 $0x0;
	s10 =	sadd.s32 $0x16600, s11;
	[smem:$0x7FC] =	sst s24  }
0x30: {  	s20 =	simm.s32 $0x2;
	s22 =	simm.s32 $0x3;
	s24 =	simm.s32 $0x4  }
0x31: {  	v0 =	vimm.f32 $0.0e+00;
	v1 =	vimm.f32 $1.000000000e+00;
	s11 =	simm.s32 $0xC80;
	[smem:$0x7F2] =	sst s10;
	s10 =	simm.s32 $0xC00  }
.LBB2_1:
0x32: {  	s25 =	sand.u32 $0x7E00, s5  }
0x33: {  	[smem:$0x7EF] =	sst s21;
	s23 =	sand.u32 $0x70, s5;
	s25 =	sshrl.u32 s25, $0x2  }
0x34: {  	s21 =	simm.s32 $0x40;
	s25 =	sor.u32 s23, s25;
	s23 =	simm.s32 $0x0  }
.LBB2_2:
0x35: {  	p0 =	sne.s32 s21, $0x7FC0  }
0x36: {  	[tilespmem:s25+$0x1000] =	vst v0;
	s23 =	sadd.s32 $0x10, s23;
	s25 =	smov.u32 s21;
	s21 =	sadd.s32 $0x40, s21  }
.Ltmp0:
0x37: {  	(pc) =	sbr.rel @p0 .LBB2_2-.Ltmp0, $4  }
0x38: {  	_ = 	snop  }
0x39: {  	s25 =	sand.u32 $0x7E00, s25  }
0x3a: {  	s2 =	sand.u32 $0x70, s23;
	s25 =	sshrl.u32 s25, $0x2  }
0x3b: {  	s25 =	sor.u32 s2, s25  }
0x3c: {  	[tilespmem:s25+$0x1000] =	vst v0  }
0x3d: {  	[tilespmem:$0x9080] =	vst v0  }
0x3e: {  	[tilespmem:$0x9090] =	vst v0  }
0x3f: {  	[tilespmem:$0x90A0] =	vst v0  }
0x40: {  	[tilespmem:$0x90B0] =	vst v0  }
0x41: {  	[tilespmem:$0x90C0] =	vst v0  }
0x42: {  	[tilespmem:$0x90D0] =	vst v0  }
0x43: {  	[tilespmem:$0x90E0] =	vst v0  }
0x44: {  	[tilespmem:$0x90F0] =	vst v0  }
0x45: {  	[tilespmem:$0x9100] =	vst v0  }
0x46: {  	[tilespmem:$0x9110] =	vst v0  }
0x47: {  	[tilespmem:$0x9120] =	vst v0  }
0x48: {  	[tilespmem:$0x9130] =	vst v0  }
0x49: {  	[tilespmem:$0x9140] =	vst v0  }
0x4a: {  	[tilespmem:$0x9150] =	vst v0  }
0x4b: {  	[tilespmem:$0x9160] =	vst v0  }
0x4c: {  	[tilespmem:$0x9170] =	vst v0  }
0x4d: {  	[tilespmem:$0x9180] =	vst v0  }
0x4e: {  	[tilespmem:$0x9190] =	vst v0  }
0x4f: {  	[tilespmem:$0x91A0] =	vst v0  }
0x50: {  	[tilespmem:$0x91B0] =	vst v0  }
0x51: {  	[tilespmem:$0x91C0] =	vst v0  }
0x52: {  	[tilespmem:$0x91D0] =	vst v0  }
0x53: {  	[tilespmem:$0x91E0] =	vst v0  }
0x54: {  	[tilespmem:$0x91F0] =	vst v0  }
0x55: {  	[tilespmem:$0x9200] =	vst v0  }
0x56: {  	[tilespmem:$0x9210] =	vst v0  }
0x57: {  	[tilespmem:$0x9220] =	vst v0  }
0x58: {  	[tilespmem:$0x9230] =	vst v0  }
0x59: {  	[tilespmem:$0x9240] =	vst v0  }
0x5a: {  	[tilespmem:$0x9250] =	vst v0  }
0x5b: {  	[tilespmem:$0x9260] =	vst v0  }
0x5c: {  	[tilespmem:$0x9270] =	vst v0  }
0x5d: {  	[tilespmem:$0x9280] =	vst v0  }
0x5e: {  	[tilespmem:$0x9290] =	vst v0  }
0x5f: {  	[tilespmem:$0x92A0] =	vst v0  }
0x60: {  	[tilespmem:$0x92B0] =	vst v0  }
0x61: {  	[tilespmem:$0x92C0] =	vst v0  }
0x62: {  	[tilespmem:$0x92D0] =	vst v0  }
0x63: {  	[tilespmem:$0x92E0] =	vst v0  }
0x64: {  	[tilespmem:$0x92F0] =	vst v0  }
0x65: {  	[tilespmem:$0x9000] =	vst v1  }
0x66: {  	[tilespmem:$0x9010] =	vst v1  }
0x67: {  	[tilespmem:$0x9020] =	vst v1  }
0x68: {  	s25 =	rddreg [dreg:$0x17];
	[tilespmem:$0x9030] =	vst v1  }
0x69: {  	[spmem:s25] =	stream.linear.scatter [tilespmem:s30], [sflag:$0x5], $0x2000, $0x38;
	[tilespmem:$0x1D580] =	vst v63  }
0x6a: {  	_ =	swait.ge [sflag:s31], $0x2000  }
0x6b: {  	[sflag:s31] =	ssyncset.done $0x0  }
0x6c: {  	s2 =	rddreg [dreg:$0x18];
	[sflag:s31] =	ssyncadd.s32 $0xFFFFE000  }
0x6d: {  	[spmem:s2] =	stream.linear.scatter [tilespmem:s30], [sflag:$0x5], $0x2000, $0x38;
	[tilespmem:$0x1D580] =	vst v63  }
0x6e: {  	_ =	swait.ge [sflag:s31], $0x2000  }
0x6f: {  	[sflag:s31] =	ssyncset.done $0x0  }
0x70: {  	s23 =	rddreg [dreg:$0x19];
	[sflag:s31] =	ssyncadd.s32 $0xFFFFE000  }
0x71: {  	[spmem:s23] =	stream.linear.scatter [tilespmem:s30], [sflag:$0x5], $0x2000, $0x38;
	[tilespmem:$0x1D580] =	vst v63  }
0x72: {  	_ =	swait.ge [sflag:s31], $0x2000  }
0x73: {  	[sflag:s31] =	ssyncset.done $0x0  }
0x74: {  	s21 =	rddreg [dreg:$0x1a];
	[sflag:s31] =	ssyncadd.s32 $0xFFFFE000  }
0x75: {  	[spmem:s21] =	stream.linear.scatter [tilespmem:s30], [sflag:$0x5], $0x2000, $0x38;
	[tilespmem:$0x1D580] =	vst v63  }
0x76: {  	_ =	swait.ge [sflag:s31], $0x2000  }
0x77: {  	[sflag:s31] =	ssyncset.done $0x0  }
0x78: {  	s23 =	rddreg [dreg:$0x1b];
	[sflag:s31] =	ssyncadd.s32 $0xFFFFE000  }
0x79: {  	[spmem:s23] =	stream.linear.scatter [tilespmem:s30], [sflag:$0x5], $0x2000, $0x38;
	[tilespmem:$0x1D580] =	vst v63  }
0x7a: {  	_ =	swait.ge [sflag:s31], $0x2000  }
0x7b: {  	[sflag:s31] =	ssyncset.done $0x0  }
0x7c: {  	s21 =	rddreg [dreg:$0x1c];
	[sflag:s31] =	ssyncadd.s32 $0xFFFFE000  }
0x7d: {  	[spmem:s21] =	stream.linear.scatter [tilespmem:s30], [sflag:$0x5], $0x2000, $0x38;
	[tilespmem:$0x1D580] =	vst v63  }
0x7e: {  	_ =	swait.ge [sflag:s31], $0x2000  }
0x7f: {  	[sflag:s31] =	ssyncset.done $0x0  }
0x80: {  	s23 =	rddreg [dreg:$0x1d];
	[sflag:s31] =	ssyncadd.s32 $0xFFFFE000  }
0x81: {  	[spmem:s23] =	stream.linear.scatter [tilespmem:s30], [sflag:$0x5], $0x2000, $0x38;
	[tilespmem:$0x1D580] =	vst v63  }
0x82: {  	_ =	swait.ge [sflag:s31], $0x2000  }
0x83: {  	s21 =	sld [smem:$0x7FB]  }
0x84: {  	[sflag:s31] =	ssyncset.done $0x0  }
0x85: {  	[sflag:s31] =	ssyncadd.s32 $0xFFFFE000  }
0x86: {  	[spmem:s21] =	stream.linear.scatter [tilespmem:s30], [sflag:$0x5], $0x2000, $0x38;
	[tilespmem:$0x1D580] =	vst v63  }
0x87: {  	_ =	swait.ge [sflag:s31], $0x2000  }
0x88: {  	s23 =	sld [smem:$0x7FC]  }
0x89: {  	[sflag:s31] =	ssyncset.done $0x0  }
0x8a: {  	[sflag:s31] =	ssyncadd.s32 $0xFFFFE000  }
0x8b: {  	[spmem:s23] =	stream.linear.scatter [tilespmem:s30], [sflag:$0x5], $0x2000, $0x38;
	[tilespmem:$0x1D580] =	vst v63  }
0x8c: {  	_ =	swait.ge [sflag:s31], $0x2000  }
0x8d: {  	s21 =	sld [smem:$0x7FD]  }
0x8e: {  	[sflag:s31] =	ssyncset.done $0x0  }
0x8f: {  	[sflag:s31] =	ssyncadd.s32 $0xFFFFE000  }
0x90: {  	[spmem:s21] =	stream.linear.scatter [tilespmem:s30], [sflag:$0x5], $0x2000, $0x38;
	[tilespmem:$0x1D580] =	vst v63  }
0x91: {  	_ =	swait.ge [sflag:s31], $0x2000  }
0x92: {  	[sflag:s31] =	ssyncset.done $0x0  }
0x93: {  	s21 =	simm.s32 $0x9080;
	s23 =	rddreg [dreg:$0x1e];
	[sflag:s31] =	ssyncadd.s32 $0xFFFFE000  }
0x94: {  	[spmem:s23] =	stream.linear.scatter [tilespmem:s21], [sflag:$0x5], $0x280, $0x38;
	[tilespmem:$0x1D580] =	vst v63  }
0x95: {  	_ =	swait.ge [sflag:s31], $0x280  }
0x96: {  	[sflag:s31] =	ssyncset.done $0x0  }
0x97: {  	[sflag:s31] =	ssyncadd.s32 $0xFFFFFD80  }
0x98: {  	[bflag:$0x0] =	sbarrier.arrive $0xFFFF  }
0x99: {  	s23 =	rddreg [dreg:$0x7]  }
0x9a: {  	s2 =	sadd.s32 $0x0, s23  }
0x9b: {  	[tilespmem:s5], [sflag:$0x5] =	stream.linear.gather [hbm4b:s2+s5], $0x800, $0x38;
	[tilespmem:$0x1D580] =	vst v63  }
0x9c: {  	_ =	swait.ge [sflag:s31], $0x800  }
0x9d: {  	s21 =	rddreg [dreg:$0x6];
	[sflag:s31] =	ssyncset.done $0x0  }
0x9e: {  	[sflag:s31] =	ssyncadd.s32 $0xFFFFF800;
	s2 =	sadd.s32 $0x0, s21  }
0x9f: {  	[tilespmem:s1], [sflag:$0x5] =	stream.linear.gather [hbm4b:s2+s5], $0x800, $0x38;
	[tilespmem:$0x1D580] =	vst v63  }
0xa0: {  	_ =	swait.ge [sflag:s31], $0x800  }
0xa1: {  	[sflag:s31] =	ssyncset.done $0x0  }
0xa2: {  	[sflag:s31] =	ssyncadd.s32 $0xFFFFF800  }
0xa3: {  	[tilespmem:s30], [sflag:$0x1] =	stream.indirect.gather [hbm4b:s0+s14], $0x80, s5, s14, $0xb8;
	[tilespmem:$0x1D580] =	vst v63  }
0xa4: {  	s23 =	rddreg [dreg:$0x8]  }
0xa5: {  	[tilespmem:s15], [sflag:$0x2] =	stream.indirect.gather [hbm4b:s0+s14], $0x80, s23, s14, $0xb8;
	[tilespmem:$0x1D580] =	vst v63  }
0xa6: {  	s21 =	rddreg [dreg:$0x9]  }
0xa7: {  	[tilespmem:s16], [sflag:$0x3] =	stream.indirect.gather [hbm4b:s0+s14], $0x80, s21, s14, $0xb8;
	[tilespmem:$0x1D580] =	vst v63  }
0xa8: {  	s23 =	rddreg [dreg:$0xa]  }
0xa9: {  	[tilespmem:s17], [sflag:$0x4] =	stream.indirect.gather [hbm4b:s0+s14], $0x80, s23, s14, $0xb8;
	[tilespmem:$0x1D580] =	vst v63  }
0xaa: {  	_ =	swait.ge [sflag:s18], $0x2000  }
0xab: {  	[sflag:s18] =	ssyncset.done $0x0  }
0xac: {  	[sflag:s18] =	ssyncadd.s32 $0xFFFFE000  }
0xad: {  	[spmem:s3] =	stream.indirect.scatter.add.f32 [tilespmem:s30], [sflag:$0x5], $0x80, s1, s14, $0xb8;
	[tilespmem:$0x1D580] =	vst v63  }
0xae: {  	_ =	swait.ge [sflag:s31], $0x2000  }
0xaf: {  	[sflag:s31] =	ssyncset.done $0x0  }
0xb0: {  	[sflag:s31] =	ssyncadd.s32 $0xFFFFE000  }
0xb1: {  	[spmem:s4] =	stream.indirect.scatter.add.f32 [tilespmem:s19], [sflag:$0x5], $0x1, s1, s14, $0xb8;
	[tilespmem:$0x1D580] =	vst v63  }
0xb2: {  	_ =	swait.ge [sflag:s31], $0x40  }
0xb3: {  	[sflag:s31] =	ssyncset.done $0x0  }
0xb4: {  	s21 =	rddreg [dreg:$0xb];
	[sflag:s31] =	ssyncadd.s32 $0xFFFFFFC0  }
0xb5: {  	[tilespmem:s30], [sflag:$0x1] =	stream.indirect.gather [hbm4b:s0+s14], $0x80, s21, s14, $0xb8;
	[tilespmem:$0x1D580] =	vst v63  }
0xb6: {  	_ =	swait.ge [sflag:s20], $0x2000  }
0xb7: {  	[sflag:s20] =	ssyncset.done $0x0  }
0xb8: {  	s23 =	simm.s32 $0x880;
	[sflag:s20] =	ssyncadd.s32 $0xFFFFE000  }
0xb9: {  	[spmem:s3] =	stream.indirect.scatter.add.f32 [tilespmem:s15], [sflag:$0x5], $0x80, s23, s14, $0xb8;
	[tilespmem:$0x1D580] =	vst v63  }
0xba: {  	_ =	swait.ge [sflag:s31], $0x2000  }
0xbb: {  	[sflag:s31] =	ssyncset.done $0x0  }
0xbc: {  	[sflag:s31] =	ssyncadd.s32 $0xFFFFE000  }
0xbd: {  	[spmem:s4] =	stream.indirect.scatter.add.f32 [tilespmem:s19], [sflag:$0x5], $0x1, s23, s14, $0xb8;
	[tilespmem:$0x1D580] =	vst v63  }
0xbe: {  	_ =	swait.ge [sflag:s31], $0x40  }
0xbf: {  	[sflag:s31] =	ssyncset.done $0x0  }
0xc0: {  	s21 =	rddreg [dreg:$0xc];
	[sflag:s31] =	ssyncadd.s32 $0xFFFFFFC0  }
0xc1: {  	[tilespmem:s15], [sflag:$0x2] =	stream.indirect.gather [hbm4b:s0+s14], $0x80, s21, s14, $0xb8;
	[tilespmem:$0x1D580] =	vst v63  }
0xc2: {  	_ =	swait.ge [sflag:s22], $0x2000  }
0xc3: {  	[sflag:s22] =	ssyncset.done $0x0  }
0xc4: {  	s23 =	simm.s32 $0x900;
	[sflag:s22] =	ssyncadd.s32 $0xFFFFE000  }
0xc5: {  	[spmem:s3] =	stream.indirect.scatter.add.f32 [tilespmem:s16], [sflag:$0x5], $0x80, s23, s14, $0xb8;
	[tilespmem:$0x1D580] =	vst v63  }
0xc6: {  	_ =	swait.ge [sflag:s31], $0x2000  }
0xc7: {  	[sflag:s31] =	ssyncset.done $0x0  }
0xc8: {  	[sflag:s31] =	ssyncadd.s32 $0xFFFFE000  }
0xc9: {  	[spmem:s4] =	stream.indirect.scatter.add.f32 [tilespmem:s19], [sflag:$0x5], $0x1, s23, s14, $0xb8;
	[tilespmem:$0x1D580] =	vst v63  }
0xca: {  	_ =	swait.ge [sflag:s31], $0x40  }
0xcb: {  	[sflag:s31] =	ssyncset.done $0x0  }
0xcc: {  	s21 =	rddreg [dreg:$0xd];
	[sflag:s31] =	ssyncadd.s32 $0xFFFFFFC0  }
0xcd: {  	[tilespmem:s16], [sflag:$0x3] =	stream.indirect.gather [hbm4b:s0+s14], $0x80, s21, s14, $0xb8;
	[tilespmem:$0x1D580] =	vst v63  }
0xce: {  	_ =	swait.ge [sflag:s24], $0x2000  }
0xcf: {  	[sflag:s24] =	ssyncset.done $0x0  }
0xd0: {  	s23 =	simm.s32 $0x980;
	[sflag:s24] =	ssyncadd.s32 $0xFFFFE000  }
0xd1: {  	[spmem:s3] =	stream.indirect.scatter.add.f32 [tilespmem:s17], [sflag:$0x5], $0x80, s23, s14, $0xb8;
	[tilespmem:$0x1D580] =	vst v63  }
0xd2: {  	_ =	swait.ge [sflag:s31], $0x2000  }
0xd3: {  	[sflag:s31] =	ssyncset.done $0x0  }
0xd4: {  	[sflag:s31] =	ssyncadd.s32 $0xFFFFE000  }
0xd5: {  	[spmem:s4] =	stream.indirect.scatter.add.f32 [tilespmem:s19], [sflag:$0x5], $0x1, s23, s14, $0xb8;
	[tilespmem:$0x1D580] =	vst v63  }
0xd6: {  	_ =	swait.ge [sflag:s31], $0x40  }
0xd7: {  	[sflag:s31] =	ssyncset.done $0x0  }
0xd8: {  	s21 =	rddreg [dreg:$0xe];
	[sflag:s31] =	ssyncadd.s32 $0xFFFFFFC0  }
0xd9: {  	[tilespmem:s17], [sflag:$0x4] =	stream.indirect.gather [hbm4b:s0+s14], $0x80, s21, s14, $0xb8;
	[tilespmem:$0x1D580] =	vst v63  }
0xda: {  	_ =	swait.ge [sflag:s18], $0x2000  }
0xdb: {  	[sflag:s18] =	ssyncset.done $0x0  }
0xdc: {  	s23 =	simm.s32 $0xA00;
	[sflag:s18] =	ssyncadd.s32 $0xFFFFE000  }
0xdd: {  	[spmem:s3] =	stream.indirect.scatter.add.f32 [tilespmem:s30], [sflag:$0x5], $0x80, s23, s14, $0xb8;
	[tilespmem:$0x1D580] =	vst v63  }
0xde: {  	_ =	swait.ge [sflag:s31], $0x2000  }
0xdf: {  	[sflag:s31] =	ssyncset.done $0x0  }
0xe0: {  	[sflag:s31] =	ssyncadd.s32 $0xFFFFE000  }
0xe1: {  	[spmem:s4] =	stream.indirect.scatter.add.f32 [tilespmem:s19], [sflag:$0x5], $0x1, s23, s14, $0xb8;
	[tilespmem:$0x1D580] =	vst v63  }
0xe2: {  	_ =	swait.ge [sflag:s31], $0x40  }
0xe3: {  	[sflag:s31] =	ssyncset.done $0x0  }
0xe4: {  	s21 =	rddreg [dreg:$0xf];
	[sflag:s31] =	ssyncadd.s32 $0xFFFFFFC0  }
0xe5: {  	[tilespmem:s30], [sflag:$0x1] =	stream.indirect.gather [hbm4b:s0+s14], $0x80, s21, s14, $0xb8;
	[tilespmem:$0x1D580] =	vst v63  }
0xe6: {  	_ =	swait.ge [sflag:s20], $0x2000  }
0xe7: {  	[sflag:s20] =	ssyncset.done $0x0  }
0xe8: {  	[sflag:s20] =	ssyncadd.s32 $0xFFFFE000  }
0xe9: {  	[spmem:s3] =	stream.indirect.scatter.add.f32 [tilespmem:s15], [sflag:$0x5], $0x80, s7, s14, $0xb8;
	[tilespmem:$0x1D580] =	vst v63  }
0xea: {  	_ =	swait.ge [sflag:s31], $0x2000  }
0xeb: {  	[sflag:s31] =	ssyncset.done $0x0  }
0xec: {  	[sflag:s31] =	ssyncadd.s32 $0xFFFFE000  }
0xed: {  	[spmem:s4] =	stream.indirect.scatter.add.f32 [tilespmem:s19], [sflag:$0x5], $0x1, s7, s14, $0xb8;
	[tilespmem:$0x1D580] =	vst v63  }
0xee: {  	_ =	swait.ge [sflag:s31], $0x40  }
0xef: {  	[sflag:s31] =	ssyncset.done $0x0  }
0xf0: {  	s23 =	rddreg [dreg:$0x10];
	[sflag:s31] =	ssyncadd.s32 $0xFFFFFFC0  }
0xf1: {  	[tilespmem:s15], [sflag:$0x2] =	stream.indirect.gather [hbm4b:s0+s14], $0x80, s23, s14, $0xb8;
	[tilespmem:$0x1D580] =	vst v63  }
0xf2: {  	_ =	swait.ge [sflag:s22], $0x2000  }
0xf3: {  	[sflag:s22] =	ssyncset.done $0x0  }
0xf4: {  	[sflag:s22] =	ssyncadd.s32 $0xFFFFE000  }
0xf5: {  	[spmem:s3] =	stream.indirect.scatter.add.f32 [tilespmem:s16], [sflag:$0x5], $0x80, s8, s14, $0xb8;
	[tilespmem:$0x1D580] =	vst v63  }
0xf6: {  	_ =	swait.ge [sflag:s31], $0x2000  }
0xf7: {  	[sflag:s31] =	ssyncset.done $0x0  }
0xf8: {  	[sflag:s31] =	ssyncadd.s32 $0xFFFFE000  }
0xf9: {  	[spmem:s4] =	stream.indirect.scatter.add.f32 [tilespmem:s19], [sflag:$0x5], $0x1, s8, s14, $0xb8;
	[tilespmem:$0x1D580] =	vst v63  }
0xfa: {  	_ =	swait.ge [sflag:s31], $0x40  }
0xfb: {  	[sflag:s31] =	ssyncset.done $0x0  }
0xfc: {  	s21 =	rddreg [dreg:$0x11];
	[sflag:s31] =	ssyncadd.s32 $0xFFFFFFC0  }
0xfd: {  	[tilespmem:s16], [sflag:$0x3] =	stream.indirect.gather [hbm4b:s0+s14], $0x80, s21, s14, $0xb8;
	[tilespmem:$0x1D580] =	vst v63  }
0xfe: {  	_ =	swait.ge [sflag:s24], $0x2000  }
0xff: {  	[sflag:s24] =	ssyncset.done $0x0  }
0x100: {  	[sflag:s24] =	ssyncadd.s32 $0xFFFFE000  }
0x101: {  	[spmem:s3] =	stream.indirect.scatter.add.f32 [tilespmem:s17], [sflag:$0x5], $0x80, s9, s14, $0xb8;
	[tilespmem:$0x1D580] =	vst v63  }
0x102: {  	_ =	swait.ge [sflag:s31], $0x2000  }
0x103: {  	[sflag:s31] =	ssyncset.done $0x0  }
0x104: {  	[sflag:s31] =	ssyncadd.s32 $0xFFFFE000  }
0x105: {  	[spmem:s4] =	stream.indirect.scatter.add.f32 [tilespmem:s19], [sflag:$0x5], $0x1, s9, s14, $0xb8;
	[tilespmem:$0x1D580] =	vst v63  }
0x106: {  	_ =	swait.ge [sflag:s31], $0x40  }
0x107: {  	[sflag:s31] =	ssyncset.done $0x0  }
0x108: {  	s23 =	rddreg [dreg:$0x12];
	[sflag:s31] =	ssyncadd.s32 $0xFFFFFFC0  }
0x109: {  	[tilespmem:s17], [sflag:$0x4] =	stream.indirect.gather [hbm4b:s0+s14], $0x80, s23, s14, $0xb8;
	[tilespmem:$0x1D580] =	vst v63  }
0x10a: {  	_ =	swait.ge [sflag:s18], $0x2000  }
0x10b: {  	[sflag:s18] =	ssyncset.done $0x0  }
0x10c: {  	[sflag:s18] =	ssyncadd.s32 $0xFFFFE000  }
0x10d: {  	[spmem:s3] =	stream.indirect.scatter.add.f32 [tilespmem:s30], [sflag:$0x5], $0x80, s10, s14, $0xb8;
	[tilespmem:$0x1D580] =	vst v63  }
0x10e: {  	_ =	swait.ge [sflag:s31], $0x2000  }
0x10f: {  	[sflag:s31] =	ssyncset.done $0x0  }
0x110: {  	[sflag:s31] =	ssyncadd.s32 $0xFFFFE000  }
0x111: {  	[spmem:s4] =	stream.indirect.scatter.add.f32 [tilespmem:s19], [sflag:$0x5], $0x1, s10, s14, $0xb8;
	[tilespmem:$0x1D580] =	vst v63  }
0x112: {  	_ =	swait.ge [sflag:s31], $0x40  }
0x113: {  	[sflag:s31] =	ssyncset.done $0x0  }
0x114: {  	s21 =	rddreg [dreg:$0x13];
	[sflag:s31] =	ssyncadd.s32 $0xFFFFFFC0  }
0x115: {  	[tilespmem:s30], [sflag:$0x1] =	stream.indirect.gather [hbm4b:s0+s14], $0x80, s21, s14, $0xb8;
	[tilespmem:$0x1D580] =	vst v63  }
0x116: {  	_ =	swait.ge [sflag:s20], $0x2000  }
0x117: {  	[sflag:s20] =	ssyncset.done $0x0  }
0x118: {  	[sflag:s20] =	ssyncadd.s32 $0xFFFFE000  }
0x119: {  	[spmem:s3] =	stream.indirect.scatter.add.f32 [tilespmem:s15], [sflag:$0x5], $0x80, s11, s14, $0xb8;
	[tilespmem:$0x1D580] =	vst v63  }
0x11a: {  	_ =	swait.ge [sflag:s31], $0x2000  }
0x11b: {  	[sflag:s31] =	ssyncset.done $0x0  }
0x11c: {  	[sflag:s31] =	ssyncadd.s32 $0xFFFFE000  }
0x11d: {  	[spmem:s4] =	stream.indirect.scatter.add.f32 [tilespmem:s19], [sflag:$0x5], $0x1, s11, s14, $0xb8;
	[tilespmem:$0x1D580] =	vst v63  }
0x11e: {  	_ =	swait.ge [sflag:s31], $0x40  }
0x11f: {  	[sflag:s31] =	ssyncset.done $0x0  }
0x120: {  	s23 =	rddreg [dreg:$0x14];
	[sflag:s31] =	ssyncadd.s32 $0xFFFFFFC0  }
0x121: {  	[tilespmem:s15], [sflag:$0x2] =	stream.indirect.gather [hbm4b:s0+s14], $0x80, s23, s14, $0xb8;
	[tilespmem:$0x1D580] =	vst v63  }
0x122: {  	_ =	swait.ge [sflag:s22], $0x2000  }
0x123: {  	[sflag:s22] =	ssyncset.done $0x0  }
0x124: {  	[sflag:s22] =	ssyncadd.s32 $0xFFFFE000  }
0x125: {  	[spmem:s3] =	stream.indirect.scatter.add.f32 [tilespmem:s16], [sflag:$0x5], $0x80, s12, s14, $0xb8;
	[tilespmem:$0x1D580] =	vst v63  }
0x126: {  	_ =	swait.ge [sflag:s31], $0x2000  }
0x127: {  	[sflag:s31] =	ssyncset.done $0x0  }
0x128: {  	[sflag:s31] =	ssyncadd.s32 $0xFFFFE000  }
0x129: {  	[spmem:s4] =	stream.indirect.scatter.add.f32 [tilespmem:s19], [sflag:$0x5], $0x1, s12, s14, $0xb8;
	[tilespmem:$0x1D580] =	vst v63  }
0x12a: {  	_ =	swait.ge [sflag:s31], $0x40  }
0x12b: {  	[sflag:s31] =	ssyncset.done $0x0  }
0x12c: {  	s21 =	rddreg [dreg:$0x15];
	[sflag:s31] =	ssyncadd.s32 $0xFFFFFFC0  }
0x12d: {  	[tilespmem:s16], [sflag:$0x3] =	stream.indirect.gather [hbm4b:s0+s14], $0x80, s21, s14, $0xb8;
	[tilespmem:$0x1D580] =	vst v63  }
0x12e: {  	_ =	swait.ge [sflag:s24], $0x2000  }
0x12f: {  	[sflag:s24] =	ssyncset.done $0x0  }
0x130: {  	[sflag:s24] =	ssyncadd.s32 $0xFFFFE000  }
0x131: {  	[spmem:s3] =	stream.indirect.scatter.add.f32 [tilespmem:s17], [sflag:$0x5], $0x80, s13, s14, $0xb8;
	[tilespmem:$0x1D580] =	vst v63  }
0x132: {  	_ =	swait.ge [sflag:s31], $0x2000  }
0x133: {  	[sflag:s31] =	ssyncset.done $0x0  }
0x134: {  	[sflag:s31] =	ssyncadd.s32 $0xFFFFE000  }
0x135: {  	[spmem:s4] =	stream.indirect.scatter.add.f32 [tilespmem:s19], [sflag:$0x5], $0x1, s13, s14, $0xb8;
	[tilespmem:$0x1D580] =	vst v63  }
0x136: {  	_ =	swait.ge [sflag:s31], $0x40  }
0x137: {  	[sflag:s31] =	ssyncset.done $0x0  }
0x138: {  	s23 =	rddreg [dreg:$0x16];
	[sflag:s31] =	ssyncadd.s32 $0xFFFFFFC0  }
0x139: {  	[tilespmem:s17], [sflag:$0x4] =	stream.indirect.gather [hbm4b:s0+s14], $0x80, s23, s14, $0xb8;
	[tilespmem:$0x1D580] =	vst v63  }
0x13a: {  	_ =	swait.ge [sflag:s18], $0x2000  }
0x13b: {  	[sflag:s18] =	ssyncset.done $0x0  }
0x13c: {  	[sflag:s18] =	ssyncadd.s32 $0xFFFFE000  }
0x13d: {  	[spmem:s3] =	stream.indirect.scatter.add.f32 [tilespmem:s30], [sflag:$0x5], $0x80, s26, s14, $0xb8;
	[tilespmem:$0x1D580] =	vst v63  }
0x13e: {  	_ =	swait.ge [sflag:s31], $0x2000  }
0x13f: {  	[sflag:s31] =	ssyncset.done $0x0  }
0x140: {  	[sflag:s31] =	ssyncadd.s32 $0xFFFFE000  }
0x141: {  	[spmem:s4] =	stream.indirect.scatter.add.f32 [tilespmem:s19], [sflag:$0x5], $0x1, s26, s14, $0xb8;
	[tilespmem:$0x1D580] =	vst v63  }
0x142: {  	_ =	swait.ge [sflag:s31], $0x40  }
0x143: {  	[sflag:s31] =	ssyncset.done $0x0  }
0x144: {  	[sflag:s31] =	ssyncadd.s32 $0xFFFFFFC0  }
0x145: {  	_ =	swait.ge [sflag:s20], $0x2000  }
0x146: {  	[sflag:s20] =	ssyncset.done $0x0  }
0x147: {  	[sflag:s20] =	ssyncadd.s32 $0xFFFFE000  }
0x148: {  	[spmem:s3] =	stream.indirect.scatter.add.f32 [tilespmem:s15], [sflag:$0x5], $0x80, s28, s14, $0xb8;
	[tilespmem:$0x1D580] =	vst v63  }
0x149: {  	_ =	swait.ge [sflag:s31], $0x2000  }
0x14a: {  	[sflag:s31] =	ssyncset.done $0x0  }
0x14b: {  	[sflag:s31] =	ssyncadd.s32 $0xFFFFE000  }
0x14c: {  	[spmem:s4] =	stream.indirect.scatter.add.f32 [tilespmem:s19], [sflag:$0x5], $0x1, s28, s14, $0xb8;
	[tilespmem:$0x1D580] =	vst v63  }
0x14d: {  	_ =	swait.ge [sflag:s31], $0x40  }
0x14e: {  	[sflag:s31] =	ssyncset.done $0x0  }
0x14f: {  	[sflag:s31] =	ssyncadd.s32 $0xFFFFFFC0  }
0x150: {  	_ =	swait.ge [sflag:s22], $0x2000  }
0x151: {  	[sflag:s22] =	ssyncset.done $0x0  }
0x152: {  	[sflag:s22] =	ssyncadd.s32 $0xFFFFE000  }
0x153: {  	[spmem:s3] =	stream.indirect.scatter.add.f32 [tilespmem:s16], [sflag:$0x5], $0x80, s29, s14, $0xb8;
	[tilespmem:$0x1D580] =	vst v63  }
0x154: {  	_ =	swait.ge [sflag:s31], $0x2000  }
0x155: {  	[sflag:s31] =	ssyncset.done $0x0  }
0x156: {  	[sflag:s31] =	ssyncadd.s32 $0xFFFFE000  }
0x157: {  	[spmem:s4] =	stream.indirect.scatter.add.f32 [tilespmem:s19], [sflag:$0x5], $0x1, s29, s14, $0xb8;
	[tilespmem:$0x1D580] =	vst v63  }
0x158: {  	_ =	swait.ge [sflag:s31], $0x40  }
0x159: {  	[sflag:s31] =	ssyncset.done $0x0  }
0x15a: {  	[sflag:s31] =	ssyncadd.s32 $0xFFFFFFC0  }
0x15b: {  	_ =	swait.ge [sflag:s24], $0x2000  }
0x15c: {  	[sflag:s24] =	ssyncset.done $0x0  }
0x15d: {  	[sflag:s24] =	ssyncadd.s32 $0xFFFFE000  }
0x15e: {  	[spmem:s3] =	stream.indirect.scatter.add.f32 [tilespmem:s17], [sflag:$0x5], $0x80, s6, s14, $0xb8;
	[tilespmem:$0x1D580] =	vst v63  }
0x15f: {  	_ =	swait.ge [sflag:s31], $0x2000  }
0x160: {  	[sflag:s31] =	ssyncset.done $0x0  }
0x161: {  	[sflag:s31] =	ssyncadd.s32 $0xFFFFE000  }
0x162: {  	[spmem:s4] =	stream.indirect.scatter.add.f32 [tilespmem:s19], [sflag:$0x5], $0x1, s6, s14, $0xb8;
	[tilespmem:$0x1D580] =	vst v63  }
0x163: {  	s21 =	simm.s32 $0x100;
	_ =	swait.ge [sflag:s31], $0x40  }
.LBB2_4:
0x164: {  	s2 =	rddreg [dreg:$0x7];
	s23 =	smov.u32 s21;
	[sflag:s31] =	ssyncset.done $0x0  }
0x165: {  	s2 =	sadd.s32 s23, s2;
	[sflag:s31] =	ssyncadd.s32 $0xFFFFFFC0  }
0x166: {  	[tilespmem:s5], [sflag:$0x5] =	stream.linear.gather [hbm4b:s2+s5], $0x800, $0x38;
	[tilespmem:$0x1D580] =	vst v63  }
0x167: {  	_ =	swait.ge [sflag:s31], $0x800  }
0x168: {  	s2 =	rddreg [dreg:$0x6];
	[sflag:s31] =	ssyncset.done $0x0  }
0x169: {  	[sflag:s31] =	ssyncadd.s32 $0xFFFFF800;
	s2 =	sadd.s32 s23, s2  }
0x16a: {  	[tilespmem:s1], [sflag:$0x5] =	stream.linear.gather [hbm4b:s2+s5], $0x800, $0x38;
	[tilespmem:$0x1D580] =	vst v63  }
0x16b: {  	_ =	swait.ge [sflag:s31], $0x800  }
0x16c: {  	[sflag:s31] =	ssyncset.done $0x0  }
0x16d: {  	[sflag:s31] =	ssyncadd.s32 $0xFFFFF800  }
0x16e: {  	[tilespmem:s30], [sflag:$0x1] =	stream.indirect.gather [hbm4b:s0+s14], $0x80, s5, s14, $0xb8;
	[tilespmem:$0x1D580] =	vst v63  }
0x16f: {  	s2 =	rddreg [dreg:$0x8]  }
0x170: {  	[tilespmem:s15], [sflag:$0x2] =	stream.indirect.gather [hbm4b:s0+s14], $0x80, s2, s14, $0xb8;
	[tilespmem:$0x1D580] =	vst v63  }
0x171: {  	s23 =	rddreg [dreg:$0x9]  }
0x172: {  	[tilespmem:s16], [sflag:$0x3] =	stream.indirect.gather [hbm4b:s0+s14], $0x80, s23, s14, $0xb8;
	[tilespmem:$0x1D580] =	vst v63  }
0x173: {  	s2 =	rddreg [dreg:$0xa]  }
0x174: {  	[tilespmem:s17], [sflag:$0x4] =	stream.indirect.gather [hbm4b:s0+s14], $0x80, s2, s14, $0xb8;
	[tilespmem:$0x1D580] =	vst v63  }
0x175: {  	_ =	swait.ge [sflag:s18], $0x2000  }
0x176: {  	[sflag:s18] =	ssyncset.done $0x0  }
0x177: {  	[sflag:s18] =	ssyncadd.s32 $0xFFFFE000  }
0x178: {  	[spmem:s3] =	stream.indirect.scatter.add.f32 [tilespmem:s30], [sflag:$0x5], $0x80, s1, s14, $0xb8;
	[tilespmem:$0x1D580] =	vst v63  }
0x179: {  	_ =	swait.ge [sflag:s31], $0x2000  }
0x17a: {  	[sflag:s31] =	ssyncset.done $0x0  }
0x17b: {  	[sflag:s31] =	ssyncadd.s32 $0xFFFFE000  }
0x17c: {  	[spmem:s4] =	stream.indirect.scatter.add.f32 [tilespmem:s19], [sflag:$0x5], $0x1, s1, s14, $0xb8;
	[tilespmem:$0x1D580] =	vst v63  }
0x17d: {  	_ =	swait.ge [sflag:s31], $0x40  }
0x17e: {  	[sflag:s31] =	ssyncset.done $0x0  }
0x17f: {  	s2 =	rddreg [dreg:$0xb];
	[sflag:s31] =	ssyncadd.s32 $0xFFFFFFC0  }
0x180: {  	[tilespmem:s30], [sflag:$0x1] =	stream.indirect.gather [hbm4b:s0+s14], $0x80, s2, s14, $0xb8;
	[tilespmem:$0x1D580] =	vst v63  }
0x181: {  	_ =	swait.ge [sflag:s20], $0x2000  }
0x182: {  	[sflag:s20] =	ssyncset.done $0x0  }
0x183: {  	s23 =	simm.s32 $0x880;
	[sflag:s20] =	ssyncadd.s32 $0xFFFFE000  }
0x184: {  	[spmem:s3] =	stream.indirect.scatter.add.f32 [tilespmem:s15], [sflag:$0x5], $0x80, s23, s14, $0xb8;
	[tilespmem:$0x1D580] =	vst v63  }
0x185: {  	_ =	swait.ge [sflag:s31], $0x2000  }
0x186: {  	[sflag:s31] =	ssyncset.done $0x0  }
0x187: {  	[sflag:s31] =	ssyncadd.s32 $0xFFFFE000  }
0x188: {  	[spmem:s4] =	stream.indirect.scatter.add.f32 [tilespmem:s19], [sflag:$0x5], $0x1, s23, s14, $0xb8;
	[tilespmem:$0x1D580] =	vst v63  }
0x189: {  	_ =	swait.ge [sflag:s31], $0x40  }
0x18a: {  	[sflag:s31] =	ssyncset.done $0x0  }
0x18b: {  	s2 =	rddreg [dreg:$0xc];
	[sflag:s31] =	ssyncadd.s32 $0xFFFFFFC0  }
0x18c: {  	[tilespmem:s15], [sflag:$0x2] =	stream.indirect.gather [hbm4b:s0+s14], $0x80, s2, s14, $0xb8;
	[tilespmem:$0x1D580] =	vst v63  }
0x18d: {  	_ =	swait.ge [sflag:s22], $0x2000  }
0x18e: {  	[sflag:s22] =	ssyncset.done $0x0  }
0x18f: {  	s23 =	simm.s32 $0x900;
	[sflag:s22] =	ssyncadd.s32 $0xFFFFE000  }
0x190: {  	[spmem:s3] =	stream.indirect.scatter.add.f32 [tilespmem:s16], [sflag:$0x5], $0x80, s23, s14, $0xb8;
	[tilespmem:$0x1D580] =	vst v63  }
0x191: {  	_ =	swait.ge [sflag:s31], $0x2000  }
0x192: {  	[sflag:s31] =	ssyncset.done $0x0  }
0x193: {  	[sflag:s31] =	ssyncadd.s32 $0xFFFFE000  }
0x194: {  	[spmem:s4] =	stream.indirect.scatter.add.f32 [tilespmem:s19], [sflag:$0x5], $0x1, s23, s14, $0xb8;
	[tilespmem:$0x1D580] =	vst v63  }
0x195: {  	_ =	swait.ge [sflag:s31], $0x40  }
0x196: {  	[sflag:s31] =	ssyncset.done $0x0  }
0x197: {  	s2 =	rddreg [dreg:$0xd];
	[sflag:s31] =	ssyncadd.s32 $0xFFFFFFC0  }
0x198: {  	[tilespmem:s16], [sflag:$0x3] =	stream.indirect.gather [hbm4b:s0+s14], $0x80, s2, s14, $0xb8;
	[tilespmem:$0x1D580] =	vst v63  }
0x199: {  	_ =	swait.ge [sflag:s24], $0x2000  }
0x19a: {  	[sflag:s24] =	ssyncset.done $0x0  }
0x19b: {  	s23 =	simm.s32 $0x980;
	[sflag:s24] =	ssyncadd.s32 $0xFFFFE000  }
0x19c: {  	[spmem:s3] =	stream.indirect.scatter.add.f32 [tilespmem:s17], [sflag:$0x5], $0x80, s23, s14, $0xb8;
	[tilespmem:$0x1D580] =	vst v63  }
0x19d: {  	_ =	swait.ge [sflag:s31], $0x2000  }
0x19e: {  	[sflag:s31] =	ssyncset.done $0x0  }
0x19f: {  	[sflag:s31] =	ssyncadd.s32 $0xFFFFE000  }
0x1a0: {  	[spmem:s4] =	stream.indirect.scatter.add.f32 [tilespmem:s19], [sflag:$0x5], $0x1, s23, s14, $0xb8;
	[tilespmem:$0x1D580] =	vst v63  }
0x1a1: {  	_ =	swait.ge [sflag:s31], $0x40  }
0x1a2: {  	[sflag:s31] =	ssyncset.done $0x0  }
0x1a3: {  	s2 =	rddreg [dreg:$0xe];
	[sflag:s31] =	ssyncadd.s32 $0xFFFFFFC0  }
0x1a4: {  	[tilespmem:s17], [sflag:$0x4] =	stream.indirect.gather [hbm4b:s0+s14], $0x80, s2, s14, $0xb8;
	[tilespmem:$0x1D580] =	vst v63  }
0x1a5: {  	_ =	swait.ge [sflag:s18], $0x2000  }
0x1a6: {  	[sflag:s18] =	ssyncset.done $0x0  }
0x1a7: {  	s23 =	simm.s32 $0xA00;
	[sflag:s18] =	ssyncadd.s32 $0xFFFFE000  }
0x1a8: {  	[spmem:s3] =	stream.indirect.scatter.add.f32 [tilespmem:s30], [sflag:$0x5], $0x80, s23, s14, $0xb8;
	[tilespmem:$0x1D580] =	vst v63  }
0x1a9: {  	_ =	swait.ge [sflag:s31], $0x2000  }
0x1aa: {  	[sflag:s31] =	ssyncset.done $0x0  }
0x1ab: {  	[sflag:s31] =	ssyncadd.s32 $0xFFFFE000  }
0x1ac: {  	[spmem:s4] =	stream.indirect.scatter.add.f32 [tilespmem:s19], [sflag:$0x5], $0x1, s23, s14, $0xb8;
	[tilespmem:$0x1D580] =	vst v63  }
0x1ad: {  	_ =	swait.ge [sflag:s31], $0x40  }
0x1ae: {  	[sflag:s31] =	ssyncset.done $0x0  }
0x1af: {  	s23 =	rddreg [dreg:$0xf];
	[sflag:s31] =	ssyncadd.s32 $0xFFFFFFC0  }
0x1b0: {  	[tilespmem:s30], [sflag:$0x1] =	stream.indirect.gather [hbm4b:s0+s14], $0x80, s23, s14, $0xb8;
	[tilespmem:$0x1D580] =	vst v63  }
0x1b1: {  	_ =	swait.ge [sflag:s20], $0x2000  }
0x1b2: {  	[sflag:s20] =	ssyncset.done $0x0  }
0x1b3: {  	[sflag:s20] =	ssyncadd.s32 $0xFFFFE000  }
0x1b4: {  	[spmem:s3] =	stream.indirect.scatter.add.f32 [tilespmem:s15], [sflag:$0x5], $0x80, s7, s14, $0xb8;
	[tilespmem:$0x1D580] =	vst v63  }
0x1b5: {  	_ =	swait.ge [sflag:s31], $0x2000  }
0x1b6: {  	[sflag:s31] =	ssyncset.done $0x0  }
0x1b7: {  	[sflag:s31] =	ssyncadd.s32 $0xFFFFE000  }
0x1b8: {  	[spmem:s4] =	stream.indirect.scatter.add.f32 [tilespmem:s19], [sflag:$0x5], $0x1, s7, s14, $0xb8;
	[tilespmem:$0x1D580] =	vst v63  }
0x1b9: {  	_ =	swait.ge [sflag:s31], $0x40  }
0x1ba: {  	[sflag:s31] =	ssyncset.done $0x0  }
0x1bb: {  	s23 =	rddreg [dreg:$0x10];
	[sflag:s31] =	ssyncadd.s32 $0xFFFFFFC0  }
0x1bc: {  	[tilespmem:s15], [sflag:$0x2] =	stream.indirect.gather [hbm4b:s0+s14], $0x80, s23, s14, $0xb8;
	[tilespmem:$0x1D580] =	vst v63  }
0x1bd: {  	_ =	swait.ge [sflag:s22], $0x2000  }
0x1be: {  	[sflag:s22] =	ssyncset.done $0x0  }
0x1bf: {  	[sflag:s22] =	ssyncadd.s32 $0xFFFFE000  }
0x1c0: {  	[spmem:s3] =	stream.indirect.scatter.add.f32 [tilespmem:s16], [sflag:$0x5], $0x80, s8, s14, $0xb8;
	[tilespmem:$0x1D580] =	vst v63  }
0x1c1: {  	_ =	swait.ge [sflag:s31], $0x2000  }
0x1c2: {  	[sflag:s31] =	ssyncset.done $0x0  }
0x1c3: {  	[sflag:s31] =	ssyncadd.s32 $0xFFFFE000  }
0x1c4: {  	[spmem:s4] =	stream.indirect.scatter.add.f32 [tilespmem:s19], [sflag:$0x5], $0x1, s8, s14, $0xb8;
	[tilespmem:$0x1D580] =	vst v63  }
0x1c5: {  	_ =	swait.ge [sflag:s31], $0x40  }
0x1c6: {  	[sflag:s31] =	ssyncset.done $0x0  }
0x1c7: {  	s23 =	rddreg [dreg:$0x11];
	[sflag:s31] =	ssyncadd.s32 $0xFFFFFFC0  }
0x1c8: {  	[tilespmem:s16], [sflag:$0x3] =	stream.indirect.gather [hbm4b:s0+s14], $0x80, s23, s14, $0xb8;
	[tilespmem:$0x1D580] =	vst v63  }
0x1c9: {  	_ =	swait.ge [sflag:s24], $0x2000  }
0x1ca: {  	[sflag:s24] =	ssyncset.done $0x0  }
0x1cb: {  	[sflag:s24] =	ssyncadd.s32 $0xFFFFE000  }
0x1cc: {  	[spmem:s3] =	stream.indirect.scatter.add.f32 [tilespmem:s17], [sflag:$0x5], $0x80, s9, s14, $0xb8;
	[tilespmem:$0x1D580] =	vst v63  }
0x1cd: {  	_ =	swait.ge [sflag:s31], $0x2000  }
0x1ce: {  	[sflag:s31] =	ssyncset.done $0x0  }
0x1cf: {  	[sflag:s31] =	ssyncadd.s32 $0xFFFFE000  }
0x1d0: {  	[spmem:s4] =	stream.indirect.scatter.add.f32 [tilespmem:s19], [sflag:$0x5], $0x1, s9, s14, $0xb8;
	[tilespmem:$0x1D580] =	vst v63  }
0x1d1: {  	_ =	swait.ge [sflag:s31], $0x40  }
0x1d2: {  	[sflag:s31] =	ssyncset.done $0x0  }
0x1d3: {  	s23 =	rddreg [dreg:$0x12];
	[sflag:s31] =	ssyncadd.s32 $0xFFFFFFC0  }
0x1d4: {  	[tilespmem:s17], [sflag:$0x4] =	stream.indirect.gather [hbm4b:s0+s14], $0x80, s23, s14, $0xb8;
	[tilespmem:$0x1D580] =	vst v63  }
0x1d5: {  	_ =	swait.ge [sflag:s18], $0x2000  }
0x1d6: {  	[sflag:s18] =	ssyncset.done $0x0  }
0x1d7: {  	[sflag:s18] =	ssyncadd.s32 $0xFFFFE000  }
0x1d8: {  	[spmem:s3] =	stream.indirect.scatter.add.f32 [tilespmem:s30], [sflag:$0x5], $0x80, s10, s14, $0xb8;
	[tilespmem:$0x1D580] =	vst v63  }
0x1d9: {  	_ =	swait.ge [sflag:s31], $0x2000  }
0x1da: {  	[sflag:s31] =	ssyncset.done $0x0  }
0x1db: {  	[sflag:s31] =	ssyncadd.s32 $0xFFFFE000  }
0x1dc: {  	[spmem:s4] =	stream.indirect.scatter.add.f32 [tilespmem:s19], [sflag:$0x5], $0x1, s10, s14, $0xb8;
	[tilespmem:$0x1D580] =	vst v63  }
0x1dd: {  	_ =	swait.ge [sflag:s31], $0x40  }
0x1de: {  	[sflag:s31] =	ssyncset.done $0x0  }
0x1df: {  	s23 =	rddreg [dreg:$0x13];
	[sflag:s31] =	ssyncadd.s32 $0xFFFFFFC0  }
0x1e0: {  	[tilespmem:s30], [sflag:$0x1] =	stream.indirect.gather [hbm4b:s0+s14], $0x80, s23, s14, $0xb8;
	[tilespmem:$0x1D580] =	vst v63  }
0x1e1: {  	_ =	swait.ge [sflag:s20], $0x2000  }
0x1e2: {  	[sflag:s20] =	ssyncset.done $0x0  }
0x1e3: {  	[sflag:s20] =	ssyncadd.s32 $0xFFFFE000  }
0x1e4: {  	[spmem:s3] =	stream.indirect.scatter.add.f32 [tilespmem:s15], [sflag:$0x5], $0x80, s11, s14, $0xb8;
	[tilespmem:$0x1D580] =	vst v63  }
0x1e5: {  	_ =	swait.ge [sflag:s31], $0x2000  }
0x1e6: {  	[sflag:s31] =	ssyncset.done $0x0  }
0x1e7: {  	[sflag:s31] =	ssyncadd.s32 $0xFFFFE000  }
0x1e8: {  	[spmem:s4] =	stream.indirect.scatter.add.f32 [tilespmem:s19], [sflag:$0x5], $0x1, s11, s14, $0xb8;
	[tilespmem:$0x1D580] =	vst v63  }
0x1e9: {  	_ =	swait.ge [sflag:s31], $0x40  }
0x1ea: {  	[sflag:s31] =	ssyncset.done $0x0  }
0x1eb: {  	s23 =	rddreg [dreg:$0x14];
	[sflag:s31] =	ssyncadd.s32 $0xFFFFFFC0  }
0x1ec: {  	[tilespmem:s15], [sflag:$0x2] =	stream.indirect.gather [hbm4b:s0+s14], $0x80, s23, s14, $0xb8;
	[tilespmem:$0x1D580] =	vst v63  }
0x1ed: {  	_ =	swait.ge [sflag:s22], $0x2000  }
0x1ee: {  	[sflag:s22] =	ssyncset.done $0x0  }
0x1ef: {  	[sflag:s22] =	ssyncadd.s32 $0xFFFFE000  }
0x1f0: {  	[spmem:s3] =	stream.indirect.scatter.add.f32 [tilespmem:s16], [sflag:$0x5], $0x80, s12, s14, $0xb8;
	[tilespmem:$0x1D580] =	vst v63  }
0x1f1: {  	_ =	swait.ge [sflag:s31], $0x2000  }
0x1f2: {  	[sflag:s31] =	ssyncset.done $0x0  }
0x1f3: {  	[sflag:s31] =	ssyncadd.s32 $0xFFFFE000  }
0x1f4: {  	[spmem:s4] =	stream.indirect.scatter.add.f32 [tilespmem:s19], [sflag:$0x5], $0x1, s12, s14, $0xb8;
	[tilespmem:$0x1D580] =	vst v63  }
0x1f5: {  	_ =	swait.ge [sflag:s31], $0x40  }
0x1f6: {  	[sflag:s31] =	ssyncset.done $0x0  }
0x1f7: {  	s23 =	rddreg [dreg:$0x15];
	[sflag:s31] =	ssyncadd.s32 $0xFFFFFFC0  }
0x1f8: {  	[tilespmem:s16], [sflag:$0x3] =	stream.indirect.gather [hbm4b:s0+s14], $0x80, s23, s14, $0xb8;
	[tilespmem:$0x1D580] =	vst v63  }
0x1f9: {  	_ =	swait.ge [sflag:s24], $0x2000  }
0x1fa: {  	[sflag:s24] =	ssyncset.done $0x0  }
0x1fb: {  	[sflag:s24] =	ssyncadd.s32 $0xFFFFE000  }
0x1fc: {  	[spmem:s3] =	stream.indirect.scatter.add.f32 [tilespmem:s17], [sflag:$0x5], $0x80, s13, s14, $0xb8;
	[tilespmem:$0x1D580] =	vst v63  }
0x1fd: {  	_ =	swait.ge [sflag:s31], $0x2000  }
0x1fe: {  	[sflag:s31] =	ssyncset.done $0x0  }
0x1ff: {  	[sflag:s31] =	ssyncadd.s32 $0xFFFFE000  }
0x200: {  	[spmem:s4] =	stream.indirect.scatter.add.f32 [tilespmem:s19], [sflag:$0x5], $0x1, s13, s14, $0xb8;
	[tilespmem:$0x1D580] =	vst v63  }
0x201: {  	_ =	swait.ge [sflag:s31], $0x40  }
0x202: {  	[sflag:s31] =	ssyncset.done $0x0  }
0x203: {  	s23 =	rddreg [dreg:$0x16];
	[sflag:s31] =	ssyncadd.s32 $0xFFFFFFC0  }
0x204: {  	[tilespmem:s17], [sflag:$0x4] =	stream.indirect.gather [hbm4b:s0+s14], $0x80, s23, s14, $0xb8;
	[tilespmem:$0x1D580] =	vst v63  }
0x205: {  	_ =	swait.ge [sflag:s18], $0x2000  }
0x206: {  	[sflag:s18] =	ssyncset.done $0x0  }
0x207: {  	[sflag:s18] =	ssyncadd.s32 $0xFFFFE000  }
0x208: {  	[spmem:s3] =	stream.indirect.scatter.add.f32 [tilespmem:s30], [sflag:$0x5], $0x80, s26, s14, $0xb8;
	[tilespmem:$0x1D580] =	vst v63  }
0x209: {  	_ =	swait.ge [sflag:s31], $0x2000  }
0x20a: {  	[sflag:s31] =	ssyncset.done $0x0  }
0x20b: {  	[sflag:s31] =	ssyncadd.s32 $0xFFFFE000  }
0x20c: {  	[spmem:s4] =	stream.indirect.scatter.add.f32 [tilespmem:s19], [sflag:$0x5], $0x1, s26, s14, $0xb8;
	[tilespmem:$0x1D580] =	vst v63  }
0x20d: {  	_ =	swait.ge [sflag:s31], $0x40  }
0x20e: {  	[sflag:s31] =	ssyncset.done $0x0  }
0x20f: {  	[sflag:s31] =	ssyncadd.s32 $0xFFFFFFC0  }
0x210: {  	_ =	swait.ge [sflag:s20], $0x2000  }
0x211: {  	[sflag:s20] =	ssyncset.done $0x0  }
0x212: {  	[sflag:s20] =	ssyncadd.s32 $0xFFFFE000  }
0x213: {  	[spmem:s3] =	stream.indirect.scatter.add.f32 [tilespmem:s15], [sflag:$0x5], $0x80, s28, s14, $0xb8;
	[tilespmem:$0x1D580] =	vst v63  }
0x214: {  	_ =	swait.ge [sflag:s31], $0x2000  }
0x215: {  	[sflag:s31] =	ssyncset.done $0x0  }
0x216: {  	[sflag:s31] =	ssyncadd.s32 $0xFFFFE000  }
0x217: {  	[spmem:s4] =	stream.indirect.scatter.add.f32 [tilespmem:s19], [sflag:$0x5], $0x1, s28, s14, $0xb8;
	[tilespmem:$0x1D580] =	vst v63  }
0x218: {  	_ =	swait.ge [sflag:s31], $0x40  }
0x219: {  	[sflag:s31] =	ssyncset.done $0x0  }
0x21a: {  	[sflag:s31] =	ssyncadd.s32 $0xFFFFFFC0  }
0x21b: {  	_ =	swait.ge [sflag:s22], $0x2000  }
0x21c: {  	[sflag:s22] =	ssyncset.done $0x0  }
0x21d: {  	[sflag:s22] =	ssyncadd.s32 $0xFFFFE000  }
0x21e: {  	[spmem:s3] =	stream.indirect.scatter.add.f32 [tilespmem:s16], [sflag:$0x5], $0x80, s29, s14, $0xb8;
	[tilespmem:$0x1D580] =	vst v63  }
0x21f: {  	_ =	swait.ge [sflag:s31], $0x2000  }
0x220: {  	[sflag:s31] =	ssyncset.done $0x0  }
0x221: {  	[sflag:s31] =	ssyncadd.s32 $0xFFFFE000  }
0x222: {  	[spmem:s4] =	stream.indirect.scatter.add.f32 [tilespmem:s19], [sflag:$0x5], $0x1, s29, s14, $0xb8;
	[tilespmem:$0x1D580] =	vst v63  }
0x223: {  	_ =	swait.ge [sflag:s31], $0x40  }
0x224: {  	[sflag:s31] =	ssyncset.done $0x0  }
0x225: {  	[sflag:s31] =	ssyncadd.s32 $0xFFFFFFC0  }
0x226: {  	_ =	swait.ge [sflag:s24], $0x2000  }
0x227: {  	[sflag:s24] =	ssyncset.done $0x0  }
0x228: {  	p0 =	sne.s32 s21, $0x900;
	[sflag:s24] =	ssyncadd.s32 $0xFFFFE000  }
0x229: {  	[spmem:s3] =	stream.indirect.scatter.add.f32 [tilespmem:s17], [sflag:$0x5], $0x80, s6, s14, $0xb8;
	[tilespmem:$0x1D580] =	vst v63  }
.Ltmp1:
0x22a: {  	_ =	swait.ge [sflag:s31], $0x2000;
	(pc) =	sbr.rel @p0 .LBB2_4-.Ltmp1, $4  }
0x22b: {  	[sflag:s31] =	ssyncset.done $0x0  }
0x22c: {  	[sflag:s31] =	ssyncadd.s32 $0xFFFFE000  }
0x22d: {  	[spmem:s4] =	stream.indirect.scatter.add.f32 [tilespmem:s19], [sflag:$0x5], $0x1, s6, s14, $0xb8;
	[tilespmem:$0x1D580] =	vst v63  }
0x22e: {  	s21 =	sadd.s32 $0x100, s21;
	_ =	swait.ge [sflag:s31], $0x40  }
0x22f: {  	[sflag:s31] =	ssyncset.done $0x0  }
0x230: {  	[sflag:s31] =	ssyncadd.s32 $0xFFFFFFC0  }
0x231: {  	[bflag:$0x0] =	sbarrier.arrive $0xFFFF  }
0x232: {  	[tilespmem:s30], [sflag:$0x5] =	stream.linear.gather [spmem:s25], $0x2000, $0x38;
	[tilespmem:$0x1D580] =	vst v63  }
0x233: {  	_ =	swait.ge [sflag:s31], $0x2000  }
0x234: {  	[sflag:s31] =	ssyncset.done $0x0  }
0x235: {  	s2 =	rddreg [dreg:$0x1f];
	[sflag:s31] =	ssyncadd.s32 $0xFFFFE000  }
0x236: {  	[hbm4b:s2+s5] =	stream.linear.scatter [tilespmem:s30], [sflag:$0x5], $0x2000, $0x38;
	[tilespmem:$0x1D580] =	vst v63  }
0x237: {  	_ =	swait.ge [sflag:s31], $0x2000  }
0x238: {  	[sflag:s31] =	ssyncset.done $0x0  }
0x239: {  	s23 =	rddreg [dreg:$0x18];
	[sflag:s31] =	ssyncadd.s32 $0xFFFFE000  }
0x23a: {  	[tilespmem:s30], [sflag:$0x5] =	stream.linear.gather [spmem:s23], $0x2000, $0x38;
	[tilespmem:$0x1D580] =	vst v63  }
0x23b: {  	_ =	swait.ge [sflag:s31], $0x2000  }
0x23c: {  	s25 =	sld [smem:$0x7F0]  }
0x23d: {  	[sflag:s31] =	ssyncset.done $0x0  }
0x23e: {  	[sflag:s31] =	ssyncadd.s32 $0xFFFFE000  }
0x23f: {  	[hbm4b:s25+s5] =	stream.linear.scatter [tilespmem:s30], [sflag:$0x5], $0x2000, $0x38;
	[tilespmem:$0x1D580] =	vst v63  }
0x240: {  	_ =	swait.ge [sflag:s31], $0x2000  }
0x241: {  	[sflag:s31] =	ssyncset.done $0x0  }
0x242: {  	s21 =	rddreg [dreg:$0x19];
	[sflag:s31] =	ssyncadd.s32 $0xFFFFE000  }
0x243: {  	[tilespmem:s30], [sflag:$0x5] =	stream.linear.gather [spmem:s21], $0x2000, $0x38;
	[tilespmem:$0x1D580] =	vst v63  }
0x244: {  	_ =	swait.ge [sflag:s31], $0x2000  }
0x245: {  	s23 =	sld [smem:$0x7F1]  }
0x246: {  	[sflag:s31] =	ssyncset.done $0x0  }
0x247: {  	[sflag:s31] =	ssyncadd.s32 $0xFFFFE000  }
0x248: {  	[hbm4b:s23+s5] =	stream.linear.scatter [tilespmem:s30], [sflag:$0x5], $0x2000, $0x38;
	[tilespmem:$0x1D580] =	vst v63  }
0x249: {  	_ =	swait.ge [sflag:s31], $0x2000  }
0x24a: {  	[sflag:s31] =	ssyncset.done $0x0  }
0x24b: {  	s25 =	rddreg [dreg:$0x1a];
	[sflag:s31] =	ssyncadd.s32 $0xFFFFE000  }
0x24c: {  	[tilespmem:s30], [sflag:$0x5] =	stream.linear.gather [spmem:s25], $0x2000, $0x38;
	[tilespmem:$0x1D580] =	vst v63  }
0x24d: {  	_ =	swait.ge [sflag:s31], $0x2000  }
0x24e: {  	s21 =	sld [smem:$0x7F2]  }
0x24f: {  	[sflag:s31] =	ssyncset.done $0x0  }
0x250: {  	[sflag:s31] =	ssyncadd.s32 $0xFFFFE000  }
0x251: {  	[hbm4b:s21+s5] =	stream.linear.scatter [tilespmem:s30], [sflag:$0x5], $0x2000, $0x38;
	[tilespmem:$0x1D580] =	vst v63  }
0x252: {  	_ =	swait.ge [sflag:s31], $0x2000  }
0x253: {  	[sflag:s31] =	ssyncset.done $0x0  }
0x254: {  	s23 =	rddreg [dreg:$0x1b];
	[sflag:s31] =	ssyncadd.s32 $0xFFFFE000  }
0x255: {  	[tilespmem:s30], [sflag:$0x5] =	stream.linear.gather [spmem:s23], $0x2000, $0x38;
	[tilespmem:$0x1D580] =	vst v63  }
0x256: {  	_ =	swait.ge [sflag:s31], $0x2000  }
0x257: {  	s25 =	sld [smem:$0x7F3]  }
0x258: {  	[sflag:s31] =	ssyncset.done $0x0  }
0x259: {  	[sflag:s31] =	ssyncadd.s32 $0xFFFFE000  }
0x25a: {  	[hbm4b:s25+s5] =	stream.linear.scatter [tilespmem:s30], [sflag:$0x5], $0x2000, $0x38;
	[tilespmem:$0x1D580] =	vst v63  }
0x25b: {  	_ =	swait.ge [sflag:s31], $0x2000  }
0x25c: {  	[sflag:s31] =	ssyncset.done $0x0  }
0x25d: {  	s21 =	rddreg [dreg:$0x1c];
	[sflag:s31] =	ssyncadd.s32 $0xFFFFE000  }
0x25e: {  	[tilespmem:s30], [sflag:$0x5] =	stream.linear.gather [spmem:s21], $0x2000, $0x38;
	[tilespmem:$0x1D580] =	vst v63  }
0x25f: {  	_ =	swait.ge [sflag:s31], $0x2000  }
0x260: {  	s23 =	sld [smem:$0x7F4]  }
0x261: {  	[sflag:s31] =	ssyncset.done $0x0  }
0x262: {  	[sflag:s31] =	ssyncadd.s32 $0xFFFFE000  }
0x263: {  	[hbm4b:s23+s5] =	stream.linear.scatter [tilespmem:s30], [sflag:$0x5], $0x2000, $0x38;
	[tilespmem:$0x1D580] =	vst v63  }
0x264: {  	_ =	swait.ge [sflag:s31], $0x2000  }
0x265: {  	[sflag:s31] =	ssyncset.done $0x0  }
0x266: {  	s25 =	rddreg [dreg:$0x1d];
	[sflag:s31] =	ssyncadd.s32 $0xFFFFE000  }
0x267: {  	[tilespmem:s30], [sflag:$0x5] =	stream.linear.gather [spmem:s25], $0x2000, $0x38;
	[tilespmem:$0x1D580] =	vst v63  }
0x268: {  	_ =	swait.ge [sflag:s31], $0x2000  }
0x269: {  	s21 =	sld [smem:$0x7F5]  }
0x26a: {  	[sflag:s31] =	ssyncset.done $0x0  }
0x26b: {  	[sflag:s31] =	ssyncadd.s32 $0xFFFFE000  }
0x26c: {  	[hbm4b:s21+s5] =	stream.linear.scatter [tilespmem:s30], [sflag:$0x5], $0x2000, $0x38;
	[tilespmem:$0x1D580] =	vst v63  }
0x26d: {  	_ =	swait.ge [sflag:s31], $0x2000  }
0x26e: {  	s23 =	sld [smem:$0x7FB]  }
0x26f: {  	[sflag:s31] =	ssyncset.done $0x0  }
0x270: {  	[sflag:s31] =	ssyncadd.s32 $0xFFFFE000  }
0x271: {  	[tilespmem:s30], [sflag:$0x5] =	stream.linear.gather [spmem:s23], $0x2000, $0x38;
	[tilespmem:$0x1D580] =	vst v63  }
0x272: {  	_ =	swait.ge [sflag:s31], $0x2000  }
0x273: {  	s25 =	sld [smem:$0x7F6]  }
0x274: {  	[sflag:s31] =	ssyncset.done $0x0  }
0x275: {  	[sflag:s31] =	ssyncadd.s32 $0xFFFFE000  }
0x276: {  	[hbm4b:s25+s5] =	stream.linear.scatter [tilespmem:s30], [sflag:$0x5], $0x2000, $0x38;
	[tilespmem:$0x1D580] =	vst v63  }
0x277: {  	_ =	swait.ge [sflag:s31], $0x2000  }
0x278: {  	s21 =	sld [smem:$0x7FC]  }
0x279: {  	[sflag:s31] =	ssyncset.done $0x0  }
0x27a: {  	[sflag:s31] =	ssyncadd.s32 $0xFFFFE000  }
0x27b: {  	[tilespmem:s30], [sflag:$0x5] =	stream.linear.gather [spmem:s21], $0x2000, $0x38;
	[tilespmem:$0x1D580] =	vst v63  }
0x27c: {  	_ =	swait.ge [sflag:s31], $0x2000  }
0x27d: {  	s23 =	sld [smem:$0x7F7]  }
0x27e: {  	[sflag:s31] =	ssyncset.done $0x0  }
0x27f: {  	[sflag:s31] =	ssyncadd.s32 $0xFFFFE000  }
0x280: {  	[hbm4b:s23+s5] =	stream.linear.scatter [tilespmem:s30], [sflag:$0x5], $0x2000, $0x38;
	[tilespmem:$0x1D580] =	vst v63  }
0x281: {  	_ =	swait.ge [sflag:s31], $0x2000  }
0x282: {  	s25 =	sld [smem:$0x7FD]  }
0x283: {  	[sflag:s31] =	ssyncset.done $0x0  }
0x284: {  	[sflag:s31] =	ssyncadd.s32 $0xFFFFE000  }
0x285: {  	[tilespmem:s30], [sflag:$0x5] =	stream.linear.gather [spmem:s25], $0x2000, $0x38;
	[tilespmem:$0x1D580] =	vst v63  }
0x286: {  	_ =	swait.ge [sflag:s31], $0x2000  }
0x287: {  	s21 =	sld [smem:$0x7F8]  }
0x288: {  	[sflag:s31] =	ssyncset.done $0x0  }
0x289: {  	[sflag:s31] =	ssyncadd.s32 $0xFFFFE000  }
0x28a: {  	[hbm4b:s21+s5] =	stream.linear.scatter [tilespmem:s30], [sflag:$0x5], $0x2000, $0x38;
	[tilespmem:$0x1D580] =	vst v63  }
0x28b: {  	_ =	swait.ge [sflag:s31], $0x2000  }
0x28c: {  	[sflag:s31] =	ssyncset.done $0x0  }
0x28d: {  	s21 =	simm.s32 $0x9080;
	s23 =	rddreg [dreg:$0x1e];
	[sflag:s31] =	ssyncadd.s32 $0xFFFFE000  }
0x28e: {  	[tilespmem:s21], [sflag:$0x5] =	stream.linear.gather [spmem:s23], $0x280, $0x38;
	[tilespmem:$0x1D580] =	vst v63  }
0x28f: {  	_ =	swait.ge [sflag:s31], $0x280  }
0x290: {  	s25 =	sld [smem:$0x7F9]  }
0x291: {  	[sflag:s31] =	ssyncset.done $0x0  }
0x292: {  	[sflag:s31] =	ssyncadd.s32 $0xFFFFFD80  }
0x293: {  	[hbm4b:s25+s5] =	stream.linear.scatter [tilespmem:s21], [sflag:$0x5], $0x280, $0x38;
	[tilespmem:$0x1D580] =	vst v63  }
0x294: {  	_ =	swait.ge [sflag:s31], $0x280  }
0x295: {  	s23 =	sld [smem:$0x7EF]  }
0x296: {  	s25 =	sld [smem:$0x7FA];
	_ =	sdelay $0x1  }
0x297: {  	s21 =	sadd.s32 $0x1, s23  }
0x298: {  	p0 =	sne.s32 s21, s25  }
.Ltmp2:
0x299: {  	_ = 	snop;
	(pc) =	sbr.rel @p0 .LBB2_1-.Ltmp2, $3  }
0x29a: {  	_ =	sdelay $0x1  }
0x29b: {  	[sflag:s31] =	ssyncset.done $0x0  }
0x29c: {  	[sflag:s31] =	ssyncadd.s32 $0xFFFFFD80  }
0x29d: {  	_ =	sfence.sel $0x180000  }
0x29e: {  	[bflag:$0x0] =	sbarrier.arrive $0xFFFF  }
0x29f: {  	_ =	strace $0x90000047  }
0x2a0: {  	s0 =	stileid.u32;
	[bflag:$0x2] =	sbarrier.arrive $0xFFFF  }
0x2a1: {  	p0 =	sne.s32 s0, $0x0;
	s0 =	rddreg [dreg:$0x5]  }
0x2a2: {  	s0 =	sadd.s32 @!p0 $0x100000, s0  }
0x2a3: {  	[sflag:s0] =	ssyncadd.tile.s32 @!p0 $0x1;
	_ =	shalt  }
.Lfunc_end2:
_tile_overlayer_lowered:
.L_overlay_start_2:
0x2a4: {  	(tag) =	ssettag $0x2  }
0x2a5: {  	s0 =	rddreg [dreg:$0x0];
	s2 =	stileid.u32  }
0x2a6: {  	s1 =	rddreg [dreg:$0x1];
	p0 =	sne.s32 s2, $0x0  }
0x2a7: {  	s3 =	rddreg [dreg:$0x2];
	[bflag:$0x3] =	sbarrier.arrive $0xFFFF;
	s2 =	simm.s32 @!p0 $0x1C05  }
0x2a8: {  	[timem:s3], [sflag:s2] =	dma.local @!p0 [hbm:s0], s1  }
0x2a9: {  	s0 =	simm.s32 @!p0 $0x5  }
0x2aa: {  	_ =	swait.ge @!p0 [sflag:s0], s1  }
0x2ab: {  	s1 =	ssub.s32 @!p0 $0x0, s1;
	[sflag:s0] =	ssyncset.done @!p0 $0x0  }
0x2ac: {  	[sflag:s0] =	ssyncadd.s32 @!p0 s1  }
0x2ad: {  	[bflag:$0x3] =	sbarrier.arrive $0xFFFF  }
0x2ae: {  	_ =	shalt  }

</sc_bundles>
